<compile_context>
chip_gen: v7x
topology: tpu7x:2x2x1
jax: 0.10.2.dev20260603
libtpu: 0.0.44.dev20260713+nightly
codegen_flags: <defaults>
</compile_context>

<pallas_src>
import functools

import jax
import jax.numpy as jnp
from jax import lax
from jax.experimental import pallas as pl
from jax.experimental.pallas import tpu as pltpu
from jax.experimental.pallas import tpu_sc as plsc

N = 10000
E = 320000
D = 128

NC = 2
NS = 16
NW = NC * NS
EPW = E // NW

PB = 80
NPB = EPW // PB

NHALF = 5000
NPH = 5120
PRC = 4
PRL = 80


def _mesh():
    return plsc.VectorSubcoreMesh(core_axis_name="c", subcore_axis_name="s")


def _identity_rows(idref, base, rc, rcl):
    i16 = lax.iota(jnp.int32, 16)

    def ib(t, carry):
        c = t // (rcl // 16)
        k = t % (rcl // 16)
        idref[c, pl.ds(k * 16, 16)] = base + c * rcl + k * 16 + i16
        return carry

    lax.fori_loop(0, rc * (rcl // 16), ib, 0)


def _make_hist(half):
    lo = half * NHALF

    @functools.partial(
        pl.kernel,
        out_type=jax.ShapeDtypeStruct((NW * PRC, PRL, D), jnp.float32),
        scratch_types=[
            pltpu.VMEM((NPB, PB), jnp.int32),
            pltpu.VMEM((PB, D), jnp.float32),
            pltpu.VMEM((PRL, D), jnp.float32),
            pltpu.VMEM((PRC, PRL), jnp.int32),
            pltpu.VMEM_SHARED((NPH, D), jnp.float32),
            pltpu.SemaphoreType.DMA,
        ],
        mesh=_mesh(),
    )
    def hist(dst_ref, hp_ref, dstv, onesv, stg, idr, acc, ssem):
        cid = lax.axis_index("c")
        sid = lax.axis_index("s")
        w = cid * NS + sid
        pltpu.sync_copy(dst_ref.at[w], dstv)
        z16 = jnp.zeros((16,), jnp.float32)
        ones16 = jnp.ones((16,), jnp.float32)

        def tb(t, carry):
            j = t // (PB // 16)
            k = t % (PB // 16)
            sl = pl.ds(k * 16, 16)
            d = dstv[j, sl]
            dl = d - lo
            inh = (dl >= 0) & (dl < NHALF)
            dstv[j, sl] = jnp.where(inh, dl, NHALF + (d & 63))
            return carry

        lax.fori_loop(0, NPB * (PB // 16), tb, 0)

        def ob(i, carry):
            def oc(k, carry2):
                onesv[i, pl.ds(k * 16, 16)] = ones16
                return carry2

            lax.fori_loop(0, D // 16, oc, 0)
            return carry

        lax.fori_loop(0, PB, ob, 0)

        def zb(i, carry):
            def zc(k, carry2):
                stg[i, pl.ds(k * 16, 16)] = z16
                return carry2

            lax.fori_loop(0, D // 16, zc, 0)
            return carry

        lax.fori_loop(0, PRL, zb, 0)
        _identity_rows(idr, sid * (PRC * PRL), PRC, PRL)

        def zs(c, carry):
            pltpu.sync_copy(stg, acc.at[idr.at[c]])
            return carry

        lax.fori_loop(0, PRC, zs, 0)
        plsc.subcore_barrier()

        def hb(j, carry):
            pltpu.async_copy(onesv, acc.at[dstv.at[j]], ssem, add=True)
            return carry

        lax.fori_loop(0, NPB, hb, 0)

        def dr(j, carry):
            pltpu.make_async_copy(onesv, acc.at[dstv.at[j]], ssem).wait()
            return carry

        lax.fori_loop(0, NPB, dr, 0)
        plsc.subcore_barrier()

        def rb(c, carry):
            pltpu.sync_copy(acc.at[idr.at[c]], stg)
            pltpu.sync_copy(stg, hp_ref.at[w * PRC + c])
            return carry

        lax.fori_loop(0, PRC, rb, 0)

    return hist


_hist0 = _make_hist(0)
_hist1 = _make_hist(1)


def _make_pool(half):
    lo = half * NHALF

    @functools.partial(
        pl.kernel,
        out_type=jax.ShapeDtypeStruct((NW * PRC, PRL, D), jnp.float32),
        scratch_types=[
            pltpu.VMEM((NPB, PB), jnp.int32),
            pltpu.VMEM((NPB, PB), jnp.int32),
            pltpu.VMEM((PB, D), jnp.float32),
            pltpu.VMEM((PB, D), jnp.float32),
            pltpu.VMEM((PRL, D), jnp.float32),
            pltpu.VMEM((PRC, PRL), jnp.int32),
            pltpu.VMEM_SHARED((NPH, D), jnp.float32),
            pltpu.SemaphoreType.DMA,
            pltpu.SemaphoreType.DMA,
            pltpu.SemaphoreType.DMA,
        ],
        mesh=_mesh(),
    )
    def pool(xn_ref, src_ref, dst_ref, p_ref, srcv, dstv, rbuf0, rbuf1, stg,
             idr, acc, gsem, ssem0, ssem1):
        cid = lax.axis_index("c")
        sid = lax.axis_index("s")
        w = cid * NS + sid
        pltpu.sync_copy(src_ref.at[w], srcv)
        pltpu.sync_copy(dst_ref.at[w], dstv)
        z16 = jnp.zeros((16,), jnp.float32)

        def tb(t, carry):
            j = t // (PB // 16)
            k = t % (PB // 16)
            sl = pl.ds(k * 16, 16)
            d = dstv[j, sl]
            dl = d - lo
            inh = (dl >= 0) & (dl < NHALF)
            dstv[j, sl] = jnp.where(inh, dl, NHALF + (d & 63))
            return carry

        lax.fori_loop(0, NPB * (PB // 16), tb, 0)

        def zb(i, carry):
            def zc(k, carry2):
                stg[i, pl.ds(k * 16, 16)] = z16
                return carry2

            lax.fori_loop(0, D // 16, zc, 0)
            return carry

        lax.fori_loop(0, PRL, zb, 0)
        _identity_rows(idr, sid * (PRC * PRL), PRC, PRL)

        def zs(c, carry):
            pltpu.sync_copy(stg, acc.at[idr.at[c]])
            return carry

        lax.fori_loop(0, PRC, zs, 0)
        plsc.subcore_barrier()

        def step(j, rbuf, ssem):
            @pl.when(j >= 2)
            def _():
                pltpu.make_async_copy(rbuf, acc.at[idr.at[0]], ssem).wait()

            pltpu.async_copy(xn_ref.at[srcv.at[j]], rbuf, gsem).wait()
            pltpu.async_copy(rbuf, acc.at[dstv.at[j]], ssem, add=True)

        def body(j, carry):
            @pl.when((j & 1) == 0)
            def _():
                step(j, rbuf0, ssem0)

            @pl.when((j & 1) == 1)
            def _():
                step(j, rbuf1, ssem1)

            return carry

        lax.fori_loop(0, NPB, body, 0)
        pltpu.make_async_copy(rbuf0, acc.at[idr.at[0]], ssem0).wait()
        pltpu.make_async_copy(rbuf1, acc.at[idr.at[0]], ssem1).wait()
        plsc.subcore_barrier()

        def rb(c, carry):
            pltpu.sync_copy(acc.at[idr.at[c]], stg)
            pltpu.sync_copy(stg, p_ref.at[w * PRC + c])
            return carry

        lax.fori_loop(0, PRC, rb, 0)

    return pool


_pool0 = _make_pool(0)
_pool1 = _make_pool(1)


def _invd_body(h00_ref, h01_ref, h10_ref, h11_ref, o_ref):
    d0 = h00_ref[...][:NHALF, :1] + h01_ref[...][:NHALF, :1]
    d1 = h10_ref[...][:NHALF, :1] + h11_ref[...][:NHALF, :1]
    o_ref[...] = lax.rsqrt(jnp.concatenate([d0, d1], axis=0))


def _invd_call(h00, h01, h10, h11):
    return pl.pallas_call(
        _invd_body,
        out_shape=jax.ShapeDtypeStruct((N, 1), jnp.float32),
    )(h00, h01, h10, h11)


def _scale_body(x_ref, iv_ref, o_ref):
    o_ref[...] = x_ref[...] * iv_ref[...]


def _out_body(p0_ref, p1_ref, iv_ref, w_ref, b_ref, o_ref):
    pooled = (p0_ref[...] + p1_ref[...]) * iv_ref[...]
    acc = jnp.dot(pooled, w_ref[...], preferred_element_type=jnp.float32)
    o_ref[...] = jnp.maximum(acc + b_ref[...], 0.0)


_RB = 2000


def _scale_call(x, iv):
    return pl.pallas_call(
        _scale_body,
        grid=(N // _RB,),
        in_specs=[
            pl.BlockSpec((_RB, D), lambda i: (i, 0)),
            pl.BlockSpec((_RB, 1), lambda i: (i, 0)),
        ],
        out_specs=pl.BlockSpec((_RB, D), lambda i: (i, 0)),
        out_shape=jax.ShapeDtypeStruct((N, D), jnp.float32),
    )(x, iv)


def _out_call(p0, p1, iv, W, b2):
    return pl.pallas_call(
        _out_body,
        grid=(N // _RB,),
        in_specs=[
            pl.BlockSpec((_RB, D), lambda i: (i, 0)),
            pl.BlockSpec((_RB, D), lambda i: (i, 0)),
            pl.BlockSpec((_RB, 1), lambda i: (i, 0)),
            pl.BlockSpec((D, D), lambda i: (0, 0)),
            pl.BlockSpec((1, D), lambda i: (0, 0)),
        ],
        out_specs=pl.BlockSpec((_RB, D), lambda i: (i, 0)),
        out_shape=jax.ShapeDtypeStruct((N, D), jnp.float32),
    )(p0, p1, iv, W, b2)


def kernel(x, edge_index, W, b):
    src = edge_index[0].astype(jnp.int32)
    dst = edge_index[1].astype(jnp.int32)
    src_p = src.reshape(NW, NPB, PB)
    dst_p = dst.reshape(NW, NPB, PB)

    hh0 = _hist0(dst_p).reshape(NC, NPH, D)
    hh1 = _hist1(dst_p).reshape(NC, NPH, D)
    iv = _invd_call(hh0[0], hh0[1], hh1[0], hh1[1])

    xn = _scale_call(x, iv)

    ph0 = _pool0(xn, src_p, dst_p).reshape(NC, NPH, D)
    ph1 = _pool1(xn, src_p, dst_p).reshape(NC, NPH, D)
    p0 = jnp.concatenate([ph0[0, :NHALF], ph1[0, :NHALF]], axis=0)
    p1 = jnp.concatenate([ph0[1, :NHALF], ph1[1, :NHALF]], axis=0)
    out = _out_call(p0, p1, iv, W, b.reshape(1, D))
    return out

# --- scband reference (transcript-rebuilt; emitter-appended) ---
"""Pipeline reference for scband-gcnconv-53334903882610 (READ-ONLY COPY).

The authoritative reference and input builder live on the scoring server;
editing this copy changes nothing except your own understanding.
"""

import jax, jax.numpy as jnp
import numpy as np

N_NODES = 10000
N_EDGES = 320000
D_FEAT = 128
UNITS = 128


def setup_inputs(seed: int = 0) -> dict:
    key = jax.random.key(seed)
    k1, k2, k3, k4 = jax.random.split(key, 4)
    x = jax.random.normal(k1, (N_NODES, D_FEAT), dtype=jnp.float32)
    edge_index = jax.random.randint(k2, (2, N_EDGES), 0, N_NODES, dtype=jnp.int64)
    # Dense layer params (glorot-uniform kernel, zero bias), per init_kwargs units=128
    limit = np.sqrt(6.0 / (D_FEAT + UNITS))
    W = jax.random.uniform(k3, (D_FEAT, UNITS), minval=-limit, maxval=limit, dtype=jnp.float32)
    b = jnp.zeros((UNITS,), dtype=jnp.float32)
    return {"x": x, "edge_index": edge_index, "W": W, "b": b}


def reference(x, edge_index, W, b):
    # GCNConv (Kipf & Welling): normalize=True, add_self_loops=False,
    # receiver_tag=TARGET, no edge weights, activation=relu, use_bias=True.
    src = edge_index[0]  # sender (SOURCE)
    dst = edge_index[1]  # receiver (TARGET)
    n = x.shape[0]
    # in-degree at receiver: pool ones from edges to target nodes (scatter-add)
    ones_e = jnp.ones((edge_index.shape[1],), dtype=x.dtype)
    in_degree = jnp.zeros((n,), dtype=x.dtype).at[dst].add(ones_e)
    invsqrt_deg = jax.lax.rsqrt(in_degree)
    # D^{-1/2} X
    normalized_values = invsqrt_deg[:, None] * x
    # broadcast sender node features to edges (gather)
    source_bcast = jnp.take(normalized_values, src, axis=0)
    # pool edges to receiver nodes with sum (scatter-add)
    pooled = jnp.zeros_like(x).at[dst].add(source_bcast)
    # D^{-1/2} A D^{-1/2} X
    pooled = invsqrt_deg[:, None] * pooled
    # Dense filter with relu activation and bias
    out = jax.nn.relu(pooled @ W + b)
    return out


if False:  # reference __main__ guard neutralized (emitter)
    inp = setup_inputs()
    out = reference(**inp)
    print(out.shape, out.dtype)

if __name__ == "__main__":
    import jax
    _d = setup_inputs()
    print(jax.jit(kernel)(*tuple(_d.values())))

</pallas_src>

<mosaic_0001>
#map = affine_map<(d0, d1) -> (0, 0, 0)>
module attributes {stable_mosaic.version = 14 : i64} {
  func.func @hist(%arg0: i32, %arg1: i32, %arg2: memref<32x125x80xi32, #tpu.memory_space<hbm>>, %arg3: memref<128x80x128xf32, #tpu.memory_space<hbm>>, %arg4: memref<125x80xi32, #tpu.memory_space<vmem>>, %arg5: memref<80x128xf32, #tpu.memory_space<vmem>>, %arg6: memref<80x128xf32, #tpu.memory_space<vmem>>, %arg7: memref<4x80xi32, #tpu.memory_space<vmem>>, %arg8: memref<5120x128xf32, #tpu.memory_space<vmem_shared>>, %arg9: memref<!tpu.dma_semaphore, #tpu.memory_space<semaphore_mem>>) attributes {dimension_semantics = [#tpu.dimension_semantics<core_parallel>, #tpu.dimension_semantics<subcore_parallel>], iteration_bounds = array<i64: 2, 16>, scalar_prefetch = 0 : i64, scratch_operands = 6 : i64, tpu.core_type = #tpu.core_type<sc_vector_subcore>, window_params = [{transform_indices = #map}, {transform_indices = #map}]} {
    %mul3A = arith.constant 16 : i32
    %mul3A_0 = arith.muli %arg0, %mul3A : i32
    %add3A = arith.addi %mul3A_0, %arg1 : i32
    "tpu.region"() ({
      %run_scoped3A = tpu.sem_alloc : memref<!tpu.dma_semaphore, #tpu.memory_space<semaphore_mem>>
      %dma_start3A = arith.constant 0 : i32
      %dma_start3A_54 = arith.constant 0 : i32
      %dma_start3A_55 = tpu.memref_slice %arg2[%add3A, %dma_start3A, %dma_start3A_54] : memref<32x125x80xi32, #tpu.memory_space<hbm>> -> memref<1x125x80xi32, #tpu.memory_space<hbm>>
      %dma_start3A_56 = tpu.memref_squeeze %dma_start3A_55 : memref<1x125x80xi32, #tpu.memory_space<hbm>> -> memref<125x80xi32, #tpu.memory_space<hbm>>
      %dma_start3A_57 = arith.constant 0 : i32
      %dma_start3A_58 = arith.constant 0 : i32
      %dma_start3A_59 = tpu.memref_slice %arg2[%add3A, %dma_start3A_57, %dma_start3A_58] : memref<32x125x80xi32, #tpu.memory_space<hbm>> -> memref<1x125x80xi32, #tpu.memory_space<hbm>>
      %dma_start3A_60 = tpu.memref_squeeze %dma_start3A_59 : memref<1x125x80xi32, #tpu.memory_space<hbm>> -> memref<125x80xi32, #tpu.memory_space<hbm>>
      tpu.enqueue_dma source(%dma_start3A_60 : memref<125x80xi32, #tpu.memory_space<hbm>>) target(%arg4 : memref<125x80xi32, #tpu.memory_space<vmem>>) target_semaphore(%run_scoped3A : memref<!tpu.dma_semaphore, #tpu.memory_space<semaphore_mem>>)
      %dma_wait3A = arith.constant 0 : i32
      %dma_wait3A_61 = arith.constant 0 : i32
      %dma_wait3A_62 = tpu.memref_slice %arg2[%add3A, %dma_wait3A, %dma_wait3A_61] : memref<32x125x80xi32, #tpu.memory_space<hbm>> -> memref<1x125x80xi32, #tpu.memory_space<hbm>>
      %dma_wait3A_63 = tpu.memref_squeeze %dma_wait3A_62 : memref<1x125x80xi32, #tpu.memory_space<hbm>> -> memref<125x80xi32, #tpu.memory_space<hbm>>
      %dma_wait3A_64 = arith.constant 0 : i32
      %dma_wait3A_65 = arith.constant 0 : i32
      %dma_wait3A_66 = tpu.memref_slice %arg2[%add3A, %dma_wait3A_64, %dma_wait3A_65] : memref<32x125x80xi32, #tpu.memory_space<hbm>> -> memref<1x125x80xi32, #tpu.memory_space<hbm>>
      %dma_wait3A_67 = tpu.memref_squeeze %dma_wait3A_66 : memref<1x125x80xi32, #tpu.memory_space<hbm>> -> memref<125x80xi32, #tpu.memory_space<hbm>>
      tpu.wait_dma2 semaphore(%run_scoped3A : memref<!tpu.dma_semaphore, #tpu.memory_space<semaphore_mem>>) src(%dma_wait3A_67 : memref<125x80xi32, #tpu.memory_space<hbm>>) dst(%arg4 : memref<125x80xi32, #tpu.memory_space<vmem>>)
      tpu.yield
    }) : () -> ()
    %broadcast_in_dim3A = arith.constant 0.000000e+00 : f32
    %broadcast_in_dim3A_1 = vector.broadcast %broadcast_in_dim3A : f32 to vector<16xf32>
    %broadcast_in_dim3A_2 = arith.constant 1.000000e+00 : f32
    %broadcast_in_dim3A_3 = vector.broadcast %broadcast_in_dim3A_2 : f32 to vector<16xf32>
    %scan3A = arith.constant 0 : i32
    %scan3A_4 = arith.constant 0 : i32
    %scan3A_5 = arith.constant 625 : i32
    %scan3A_6 = arith.addi %scan3A_4, %scan3A_5 : i32
    %scan3A_7 = arith.constant 1 : i32
    scf.for %scan3A_54 = %scan3A_4 to %scan3A_6 step %scan3A_7  : i32 {
      %jit3A = arith.constant 5 : i32
      %div3A = arith.divsi %scan3A_54, %jit3A : i32
      %sign3A = arith.constant 0 : i32
      %sign3A_55 = arith.cmpi sgt, %scan3A_54, %sign3A : i32
      %sign3A_56 = arith.extui %sign3A_55 : i1 to i32
      %sign3A_57 = arith.constant 0 : i32
      %sign3A_58 = arith.cmpi slt, %scan3A_54, %sign3A_57 : i32
      %sign3A_59 = arith.extui %sign3A_58 : i1 to i32
      %sign3A_60 = arith.subi %sign3A_56, %sign3A_59 : i32
      %sign3A_61 = arith.constant 0 : i32
      %sign3A_62 = arith.cmpi sgt, %jit3A, %sign3A_61 : i32
      %sign3A_63 = arith.extui %sign3A_62 : i1 to i32
      %sign3A_64 = arith.constant 0 : i32
      %sign3A_65 = arith.cmpi slt, %jit3A, %sign3A_64 : i32
      %sign3A_66 = arith.extui %sign3A_65 : i1 to i32
      %sign3A_67 = arith.subi %sign3A_63, %sign3A_66 : i32
      %ne3A = arith.cmpi ne, %sign3A_60, %sign3A_67 : i32
      %rem3A = arith.remsi %scan3A_54, %jit3A : i32
      %ne3A_68 = arith.constant 0 : i32
      %ne3A_69 = arith.cmpi ne, %rem3A, %ne3A_68 : i32
      %and3A = arith.andi %ne3A, %ne3A_69 : i1
      %sub3A = arith.constant 1 : i32
      %sub3A_70 = arith.subi %div3A, %sub3A : i32
      %select_n3A = arith.select %and3A, %sub3A_70, %div3A : i32
      %jit3A_71 = arith.constant 5 : i32
      %eq3A = arith.constant 0 : i32
      %eq3A_72 = arith.cmpi eq, %jit3A_71, %eq3A : i32
      %jit3A_73 = arith.constant 1 : i32
      %select_n3A_74 = arith.select %eq3A_72, %jit3A_73, %jit3A_71 : i32
      %rem3A_75 = arith.remsi %scan3A_54, %select_n3A_74 : i32
      %ne3A_76 = arith.constant 0 : i32
      %ne3A_77 = arith.cmpi ne, %rem3A_75, %ne3A_76 : i32
      %lt3A = arith.constant 0 : i32
      %lt3A_78 = arith.cmpi slt, %rem3A_75, %lt3A : i32
      %lt3A_79 = arith.constant 0 : i32
      %lt3A_80 = arith.cmpi slt, %select_n3A_74, %lt3A_79 : i32
      %ne3A_81 = arith.xori %lt3A_78, %lt3A_80 : i1
      %and3A_82 = arith.andi %ne3A_81, %ne3A_77 : i1
      %add3A_83 = arith.addi %rem3A_75, %select_n3A_74 : i32
      %select_n3A_84 = arith.select %and3A_82, %add3A_83, %rem3A_75 : i32
      %mul3A_85 = arith.constant 16 : i32
      %mul3A_86 = arith.muli %select_n3A_84, %mul3A_85 : i32
      %get3A = arith.index_cast %select_n3A : i32 to index
      %get3A_87 = arith.index_cast %mul3A_86 : i32 to index
      %get3A_88 = tpu.vector_load %arg4[%get3A, %get3A_87] {strides = array<i32>} : memref<125x80xi32, #tpu.memory_space<vmem>>, vector<1x16xi32>,
      %get3A_89 = vector.shape_cast %get3A_88 : vector<1x16xi32> to vector<16xi32>
      %sub3A_90 = arith.constant 0 : i32
      %sub3A_91 = vector.broadcast %sub3A_90 : i32 to vector<16xi32>
      %sub3A_92 = arith.subi %get3A_89, %sub3A_91 : vector<16xi32>
      %ge3A = arith.constant 0 : i32
      %ge3A_93 = vector.broadcast %ge3A : i32 to vector<16xi32>
      %ge3A_94 = arith.cmpi sge, %sub3A_92, %ge3A_93 : vector<16xi32>
      %lt3A_95 = arith.constant 5000 : i32
      %lt3A_96 = vector.broadcast %lt3A_95 : i32 to vector<16xi32>
      %lt3A_97 = arith.cmpi slt, %sub3A_92, %lt3A_96 : vector<16xi32>
      %and3A_98 = arith.andi %ge3A_94, %lt3A_97 : vector<16xi1>
      %and3A_99 = arith.constant 63 : i32
      %and3A_100 = vector.broadcast %and3A_99 : i32 to vector<16xi32>
      %and3A_101 = arith.andi %get3A_89, %and3A_100 : vector<16xi32>
      %add3A_102 = arith.constant 5000 : i32
      %add3A_103 = vector.broadcast %add3A_102 : i32 to vector<16xi32>
      %add3A_104 = arith.addi %add3A_103, %and3A_101 : vector<16xi32>
      %select_n3A_105 = arith.select %and3A_98, %sub3A_92, %add3A_104 : vector<16xi1>, vector<16xi32>
      %swap3A = arith.index_cast %select_n3A : i32 to index
      %swap3A_106 = arith.index_cast %mul3A_86 : i32 to index
      %swap3A_107 = tpu.vector_load %arg4[%swap3A, %swap3A_106] {strides = array<i32>} : memref<125x80xi32, #tpu.memory_space<vmem>>, vector<1x16xi32>,
      %swap3A_108 = vector.shape_cast %swap3A_107 : vector<1x16xi32> to vector<16xi32>
      %swap3A_109 = vector.shape_cast %select_n3A_105 : vector<16xi32> to vector<1x16xi32>
      tpu.vector_store %arg4[%swap3A, %swap3A_106], %swap3A_109 {strides = array<i32>} : memref<125x80xi32, #tpu.memory_space<vmem>>, vector<1x16xi32>,
    }
    %scan3A_8 = arith.constant 625 : i32
    %scan3A_9 = arith.constant 0 : i32
    %scan3A_10 = arith.constant 0 : i32
    %scan3A_11 = arith.constant 80 : i32
    %scan3A_12 = arith.addi %scan3A_10, %scan3A_11 : i32
    %scan3A_13 = arith.constant 1 : i32
    scf.for %scan3A_54 = %scan3A_10 to %scan3A_12 step %scan3A_13  : i32 {
      %scan3A_55 = arith.constant 0 : i32
      %scan3A_56 = arith.constant 0 : i32
      %scan3A_57 = arith.constant 8 : i32
      %scan3A_58 = arith.addi %scan3A_56, %scan3A_57 : i32
      %scan3A_59 = arith.constant 1 : i32
      scf.for %scan3A_61 = %scan3A_56 to %scan3A_58 step %scan3A_59  : i32 {
        %mul3A_62 = arith.constant 16 : i32
        %mul3A_63 = arith.muli %scan3A_61, %mul3A_62 : i32
        %swap3A = arith.index_cast %scan3A_54 : i32 to index
        %swap3A_64 = arith.index_cast %mul3A_63 : i32 to index
        %swap3A_65 = tpu.vector_load %arg5[%swap3A, %swap3A_64] {strides = array<i32>} : memref<80x128xf32, #tpu.memory_space<vmem>>, vector<1x16xf32>,
        %swap3A_66 = vector.shape_cast %swap3A_65 : vector<1x16xf32> to vector<16xf32>
        %swap3A_67 = vector.shape_cast %broadcast_in_dim3A_3 : vector<16xf32> to vector<1x16xf32>
        tpu.vector_store %arg5[%swap3A, %swap3A_64], %swap3A_67 {strides = array<i32>} : memref<80x128xf32, #tpu.memory_space<vmem>>, vector<1x16xf32>,
      }
      %scan3A_60 = arith.constant 8 : i32
    }
    %scan3A_14 = arith.constant 80 : i32
    %scan3A_15 = arith.constant 0 : i32
    %scan3A_16 = arith.constant 0 : i32
    %scan3A_17 = arith.constant 80 : i32
    %scan3A_18 = arith.addi %scan3A_16, %scan3A_17 : i32
    %scan3A_19 = arith.constant 1 : i32
    scf.for %scan3A_54 = %scan3A_16 to %scan3A_18 step %scan3A_19  : i32 {
      %scan3A_55 = arith.constant 0 : i32
      %scan3A_56 = arith.constant 0 : i32
      %scan3A_57 = arith.constant 8 : i32
      %scan3A_58 = arith.addi %scan3A_56, %scan3A_57 : i32
      %scan3A_59 = arith.constant 1 : i32
      scf.for %scan3A_61 = %scan3A_56 to %scan3A_58 step %scan3A_59  : i32 {
        %mul3A_62 = arith.constant 16 : i32
        %mul3A_63 = arith.muli %scan3A_61, %mul3A_62 : i32
        %swap3A = arith.index_cast %scan3A_54 : i32 to index
        %swap3A_64 = arith.index_cast %mul3A_63 : i32 to index
        %swap3A_65 = tpu.vector_load %arg6[%swap3A, %swap3A_64] {strides = array<i32>} : memref<80x128xf32, #tpu.memory_space<vmem>>, vector<1x16xf32>,
        %swap3A_66 = vector.shape_cast %swap3A_65 : vector<1x16xf32> to vector<16xf32>
        %swap3A_67 = vector.shape_cast %broadcast_in_dim3A_1 : vector<16xf32> to vector<1x16xf32>
        tpu.vector_store %arg6[%swap3A, %swap3A_64], %swap3A_67 {strides = array<i32>} : memref<80x128xf32, #tpu.memory_space<vmem>>, vector<1x16xf32>,
      }
      %scan3A_60 = arith.constant 8 : i32
    }
    %scan3A_20 = arith.constant 80 : i32
    %mul3A_21 = arith.constant 320 : i32
    %mul3A_22 = arith.muli %arg1, %mul3A_21 : i32
    %iota3A = tpu.iota {dimensions = array<i32: 0>} : vector<16xi32>
    %scan3A_23 = arith.constant 0 : i32
    %scan3A_24 = arith.constant 0 : i32
    %scan3A_25 = arith.constant 20 : i32
    %scan3A_26 = arith.addi %scan3A_24, %scan3A_25 : i32
    %scan3A_27 = arith.constant 1 : i32
    scf.for %scan3A_54 = %scan3A_24 to %scan3A_26 step %scan3A_27  : i32 {
      %jit3A = arith.constant 5 : i32
      %div3A = arith.divsi %scan3A_54, %jit3A : i32
      %sign3A = arith.constant 0 : i32
      %sign3A_55 = arith.cmpi sgt, %scan3A_54, %sign3A : i32
      %sign3A_56 = arith.extui %sign3A_55 : i1 to i32
      %sign3A_57 = arith.constant 0 : i32
      %sign3A_58 = arith.cmpi slt, %scan3A_54, %sign3A_57 : i32
      %sign3A_59 = arith.extui %sign3A_58 : i1 to i32
      %sign3A_60 = arith.subi %sign3A_56, %sign3A_59 : i32
      %sign3A_61 = arith.constant 0 : i32
      %sign3A_62 = arith.cmpi sgt, %jit3A, %sign3A_61 : i32
      %sign3A_63 = arith.extui %sign3A_62 : i1 to i32
      %sign3A_64 = arith.constant 0 : i32
      %sign3A_65 = arith.cmpi slt, %jit3A, %sign3A_64 : i32
      %sign3A_66 = arith.extui %sign3A_65 : i1 to i32
      %sign3A_67 = arith.subi %sign3A_63, %sign3A_66 : i32
      %ne3A = arith.cmpi ne, %sign3A_60, %sign3A_67 : i32
      %rem3A = arith.remsi %scan3A_54, %jit3A : i32
      %ne3A_68 = arith.constant 0 : i32
      %ne3A_69 = arith.cmpi ne, %rem3A, %ne3A_68 : i32
      %and3A = arith.andi %ne3A, %ne3A_69 : i1
      %sub3A = arith.constant 1 : i32
      %sub3A_70 = arith.subi %div3A, %sub3A : i32
      %select_n3A = arith.select %and3A, %sub3A_70, %div3A : i32
      %jit3A_71 = arith.constant 5 : i32
      %eq3A = arith.constant 0 : i32
      %eq3A_72 = arith.cmpi eq, %jit3A_71, %eq3A : i32
      %jit3A_73 = arith.constant 1 : i32
      %select_n3A_74 = arith.select %eq3A_72, %jit3A_73, %jit3A_71 : i32
      %rem3A_75 = arith.remsi %scan3A_54, %select_n3A_74 : i32
      %ne3A_76 = arith.constant 0 : i32
      %ne3A_77 = arith.cmpi ne, %rem3A_75, %ne3A_76 : i32
      %lt3A = arith.constant 0 : i32
      %lt3A_78 = arith.cmpi slt, %rem3A_75, %lt3A : i32
      %lt3A_79 = arith.constant 0 : i32
      %lt3A_80 = arith.cmpi slt, %select_n3A_74, %lt3A_79 : i32
      %ne3A_81 = arith.xori %lt3A_78, %lt3A_80 : i1
      %and3A_82 = arith.andi %ne3A_81, %ne3A_77 : i1
      %add3A_83 = arith.addi %rem3A_75, %select_n3A_74 : i32
      %select_n3A_84 = arith.select %and3A_82, %add3A_83, %rem3A_75 : i32
      %mul3A_85 = arith.constant 80 : i32
      %mul3A_86 = arith.muli %select_n3A, %mul3A_85 : i32
      %add3A_87 = arith.addi %mul3A_22, %mul3A_86 : i32
      %mul3A_88 = arith.constant 16 : i32
      %mul3A_89 = arith.muli %select_n3A_84, %mul3A_88 : i32
      %add3A_90 = arith.addi %add3A_87, %mul3A_89 : i32
      %add3A_91 = vector.broadcast %add3A_90 : i32 to vector<16xi32>
      %add3A_92 = arith.addi %add3A_91, %iota3A : vector<16xi32>
      %mul3A_93 = arith.constant 16 : i32
      %mul3A_94 = arith.muli %select_n3A_84, %mul3A_93 : i32
      %swap3A = arith.index_cast %select_n3A : i32 to index
      %swap3A_95 = arith.index_cast %mul3A_94 : i32 to index
      %swap3A_96 = tpu.vector_load %arg7[%swap3A, %swap3A_95] {strides = array<i32>} : memref<4x80xi32, #tpu.memory_space<vmem>>, vector<1x16xi32>,
      %swap3A_97 = vector.shape_cast %swap3A_96 : vector<1x16xi32> to vector<16xi32>
      %swap3A_98 = vector.shape_cast %add3A_92 : vector<16xi32> to vector<1x16xi32>
      tpu.vector_store %arg7[%swap3A, %swap3A_95], %swap3A_98 {strides = array<i32>} : memref<4x80xi32, #tpu.memory_space<vmem>>, vector<1x16xi32>,
    }
    %scan3A_28 = arith.constant 20 : i32
    %scan3A_29 = arith.constant 0 : i32
    %scan3A_30 = arith.constant 0 : i32
    %scan3A_31 = arith.constant 4 : i32
    %scan3A_32 = arith.addi %scan3A_30, %scan3A_31 : i32
    %scan3A_33 = arith.constant 1 : i32
    scf.for %scan3A_54 = %scan3A_30 to %scan3A_32 step %scan3A_33  : i32 {
      "tpu.region"() ({
        %run_scoped3A = tpu.sem_alloc : memref<!tpu.dma_semaphore, #tpu.memory_space<semaphore_mem>>
        %dma_start3A = arith.constant 0 : i32
        %dma_start3A_55 = tpu.memref_slice %arg7[%scan3A_54, %dma_start3A] : memref<4x80xi32, #tpu.memory_space<vmem>> -> memref<1x80xi32, #tpu.memory_space<vmem>>
        %dma_start3A_56 = tpu.memref_squeeze %dma_start3A_55 : memref<1x80xi32, #tpu.memory_space<vmem>> -> memref<80xi32, #tpu.memory_space<vmem>>
        %dma_start3A_57 = arith.constant 0 : i32
        %dma_start3A_58 = arith.constant 0 : i32
        %dma_start3A_59 = tpu.memref_slice %arg8[%dma_start3A_57, %dma_start3A_58] : memref<5120x128xf32, #tpu.memory_space<vmem_shared>> -> memref<5120x128xf32, #tpu.memory_space<vmem_shared>>
        tpu.enqueue_indirect_dma source(%arg6 : memref<80x128xf32, #tpu.memory_space<vmem>>) target(%dma_start3A_59 : memref<5120x128xf32, #tpu.memory_space<vmem_shared>>) offsets(%dma_start3A_56 : memref<80xi32, #tpu.memory_space<vmem>>) semaphore(%run_scoped3A : memref<!tpu.dma_semaphore, #tpu.memory_space<semaphore_mem>>)
        %dma_wait3A = arith.constant 0 : i32
        %dma_wait3A_60 = tpu.memref_slice %arg7[%scan3A_54, %dma_wait3A] : memref<4x80xi32, #tpu.memory_space<vmem>> -> memref<1x80xi32, #tpu.memory_space<vmem>>
        %dma_wait3A_61 = tpu.memref_squeeze %dma_wait3A_60 : memref<1x80xi32, #tpu.memory_space<vmem>> -> memref<80xi32, #tpu.memory_space<vmem>>
        %dma_wait3A_62 = arith.constant 0 : i32
        %dma_wait3A_63 = arith.constant 0 : i32
        %dma_wait3A_64 = tpu.memref_slice %arg8[%dma_wait3A_62, %dma_wait3A_63] : memref<5120x128xf32, #tpu.memory_space<vmem_shared>> -> memref<5120x128xf32, #tpu.memory_space<vmem_shared>>
        tpu.wait_indirect_dma semaphore(%run_scoped3A : memref<!tpu.dma_semaphore, #tpu.memory_space<semaphore_mem>>) src(%arg6 : memref<80x128xf32, #tpu.memory_space<vmem>>) dst(%dma_wait3A_64 : memref<5120x128xf32, #tpu.memory_space<vmem_shared>>)
        tpu.yield
      }) : () -> ()
    }
    %scan3A_34 = arith.constant 4 : i32
    %barrier3A = arith.constant 0 : index
    tpu.barrier barrier_id(%barrier3A)
    %scan3A_35 = arith.constant 0 : i32
    %scan3A_36 = arith.constant 0 : i32
    %scan3A_37 = arith.constant 125 : i32
    %scan3A_38 = arith.addi %scan3A_36, %scan3A_37 : i32
    %scan3A_39 = arith.constant 1 : i32
    scf.for %scan3A_54 = %scan3A_36 to %scan3A_38 step %scan3A_39  : i32 {
      %dma_start3A = arith.constant 0 : i32
      %dma_start3A_55 = tpu.memref_slice %arg4[%scan3A_54, %dma_start3A] : memref<125x80xi32, #tpu.memory_space<vmem>> -> memref<1x80xi32, #tpu.memory_space<vmem>>
      %dma_start3A_56 = tpu.memref_squeeze %dma_start3A_55 : memref<1x80xi32, #tpu.memory_space<vmem>> -> memref<80xi32, #tpu.memory_space<vmem>>
      %dma_start3A_57 = arith.constant 0 : i32
      %dma_start3A_58 = arith.constant 0 : i32
      %dma_start3A_59 = tpu.memref_slice %arg8[%dma_start3A_57, %dma_start3A_58] : memref<5120x128xf32, #tpu.memory_space<vmem_shared>> -> memref<5120x128xf32, #tpu.memory_space<vmem_shared>>
      tpu.enqueue_indirect_dma source(%arg5 : memref<80x128xf32, #tpu.memory_space<vmem>>) target(%dma_start3A_59 : memref<5120x128xf32, #tpu.memory_space<vmem_shared>>) offsets(%dma_start3A_56 : memref<80xi32, #tpu.memory_space<vmem>>) semaphore(%arg9 : memref<!tpu.dma_semaphore, #tpu.memory_space<semaphore_mem>>) {add = true}
    }
    %scan3A_40 = arith.constant 125 : i32
    %scan3A_41 = arith.constant 0 : i32
    %scan3A_42 = arith.constant 0 : i32
    %scan3A_43 = arith.constant 125 : i32
    %scan3A_44 = arith.addi %scan3A_42, %scan3A_43 : i32
    %scan3A_45 = arith.constant 1 : i32
    scf.for %scan3A_54 = %scan3A_42 to %scan3A_44 step %scan3A_45  : i32 {
      %dma_wait3A = arith.constant 0 : i32
      %dma_wait3A_55 = tpu.memref_slice %arg4[%scan3A_54, %dma_wait3A] : memref<125x80xi32, #tpu.memory_space<vmem>> -> memref<1x80xi32, #tpu.memory_space<vmem>>
      %dma_wait3A_56 = tpu.memref_squeeze %dma_wait3A_55 : memref<1x80xi32, #tpu.memory_space<vmem>> -> memref<80xi32, #tpu.memory_space<vmem>>
      %dma_wait3A_57 = arith.constant 0 : i32
      %dma_wait3A_58 = arith.constant 0 : i32
      %dma_wait3A_59 = tpu.memref_slice %arg8[%dma_wait3A_57, %dma_wait3A_58] : memref<5120x128xf32, #tpu.memory_space<vmem_shared>> -> memref<5120x128xf32, #tpu.memory_space<vmem_shared>>
      tpu.wait_indirect_dma semaphore(%arg9 : memref<!tpu.dma_semaphore, #tpu.memory_space<semaphore_mem>>) src(%arg5 : memref<80x128xf32, #tpu.memory_space<vmem>>) dst(%dma_wait3A_59 : memref<5120x128xf32, #tpu.memory_space<vmem_shared>>)
    }
    %scan3A_46 = arith.constant 125 : i32
    %barrier3A_47 = arith.constant 0 : index
    tpu.barrier barrier_id(%barrier3A_47)
    %scan3A_48 = arith.constant 0 : i32
    %scan3A_49 = arith.constant 0 : i32
    %scan3A_50 = arith.constant 4 : i32
    %scan3A_51 = arith.addi %scan3A_49, %scan3A_50 : i32
    %scan3A_52 = arith.constant 1 : i32
    scf.for %scan3A_54 = %scan3A_49 to %scan3A_51 step %scan3A_52  : i32 {
      "tpu.region"() ({
        %run_scoped3A = tpu.sem_alloc : memref<!tpu.dma_semaphore, #tpu.memory_space<semaphore_mem>>
        %dma_start3A = arith.constant 0 : i32
        %dma_start3A_58 = tpu.memref_slice %arg7[%scan3A_54, %dma_start3A] : memref<4x80xi32, #tpu.memory_space<vmem>> -> memref<1x80xi32, #tpu.memory_space<vmem>>
        %dma_start3A_59 = tpu.memref_squeeze %dma_start3A_58 : memref<1x80xi32, #tpu.memory_space<vmem>> -> memref<80xi32, #tpu.memory_space<vmem>>
        %dma_start3A_60 = arith.constant 0 : i32
        %dma_start3A_61 = arith.constant 0 : i32
        %dma_start3A_62 = tpu.memref_slice %arg8[%dma_start3A_60, %dma_start3A_61] : memref<5120x128xf32, #tpu.memory_space<vmem_shared>> -> memref<5120x128xf32, #tpu.memory_space<vmem_shared>>
        tpu.enqueue_indirect_dma source(%dma_start3A_62 : memref<5120x128xf32, #tpu.memory_space<vmem_shared>>) target(%arg6 : memref<80x128xf32, #tpu.memory_space<vmem>>) offsets(%dma_start3A_59 : memref<80xi32, #tpu.memory_space<vmem>>) semaphore(%run_scoped3A : memref<!tpu.dma_semaphore, #tpu.memory_space<semaphore_mem>>)
        %dma_wait3A = arith.constant 0 : i32
        %dma_wait3A_63 = tpu.memref_slice %arg7[%scan3A_54, %dma_wait3A] : memref<4x80xi32, #tpu.memory_space<vmem>> -> memref<1x80xi32, #tpu.memory_space<vmem>>
        %dma_wait3A_64 = tpu.memref_squeeze %dma_wait3A_63 : memref<1x80xi32, #tpu.memory_space<vmem>> -> memref<80xi32, #tpu.memory_space<vmem>>
        %dma_wait3A_65 = arith.constant 0 : i32
        %dma_wait3A_66 = arith.constant 0 : i32
        %dma_wait3A_67 = tpu.memref_slice %arg8[%dma_wait3A_65, %dma_wait3A_66] : memref<5120x128xf32, #tpu.memory_space<vmem_shared>> -> memref<5120x128xf32, #tpu.memory_space<vmem_shared>>
        tpu.wait_indirect_dma semaphore(%run_scoped3A : memref<!tpu.dma_semaphore, #tpu.memory_space<semaphore_mem>>) src(%dma_wait3A_67 : memref<5120x128xf32, #tpu.memory_space<vmem_shared>>) dst(%arg6 : memref<80x128xf32, #tpu.memory_space<vmem>>)
        tpu.yield
      }) : () -> ()
      %mul3A_55 = arith.constant 4 : i32
      %mul3A_56 = arith.muli %add3A, %mul3A_55 : i32
      %add3A_57 = arith.addi %mul3A_56, %scan3A_54 : i32
      "tpu.region"() ({
        %run_scoped3A = tpu.sem_alloc : memref<!tpu.dma_semaphore, #tpu.memory_space<semaphore_mem>>
        %dma_start3A = arith.constant 0 : i32
        %dma_start3A_58 = arith.constant 0 : i32
        %dma_start3A_59 = tpu.memref_slice %arg3[%add3A_57, %dma_start3A, %dma_start3A_58] : memref<128x80x128xf32, #tpu.memory_space<hbm>> -> memref<1x80x128xf32, #tpu.memory_space<hbm>>
        %dma_start3A_60 = tpu.memref_squeeze %dma_start3A_59 : memref<1x80x128xf32, #tpu.memory_space<hbm>> -> memref<80x128xf32, #tpu.memory_space<hbm>>
        %dma_start3A_61 = arith.constant 0 : i32
        %dma_start3A_62 = arith.constant 0 : i32
        %dma_start3A_63 = tpu.memref_slice %arg3[%add3A_57, %dma_start3A_61, %dma_start3A_62] : memref<128x80x128xf32, #tpu.memory_space<hbm>> -> memref<1x80x128xf32, #tpu.memory_space<hbm>>
        %dma_start3A_64 = tpu.memref_squeeze %dma_start3A_63 : memref<1x80x128xf32, #tpu.memory_space<hbm>> -> memref<80x128xf32, #tpu.memory_space<hbm>>
        tpu.enqueue_dma source(%arg6 : memref<80x128xf32, #tpu.memory_space<vmem>>) target(%dma_start3A_64 : memref<80x128xf32, #tpu.memory_space<hbm>>) target_semaphore(%run_scoped3A : memref<!tpu.dma_semaphore, #tpu.memory_space<semaphore_mem>>)
        %dma_wait3A = arith.constant 0 : i32
        %dma_wait3A_65 = arith.constant 0 : i32
        %dma_wait3A_66 = tpu.memref_slice %arg3[%add3A_57, %dma_wait3A, %dma_wait3A_65] : memref<128x80x128xf32, #tpu.memory_space<hbm>> -> memref<1x80x128xf32, #tpu.memory_space<hbm>>
        %dma_wait3A_67 = tpu.memref_squeeze %dma_wait3A_66 : memref<1x80x128xf32, #tpu.memory_space<hbm>> -> memref<80x128xf32, #tpu.memory_space<hbm>>
        %dma_wait3A_68 = arith.constant 0 : i32
        %dma_wait3A_69 = arith.constant 0 : i32
        %dma_wait3A_70 = tpu.memref_slice %arg3[%add3A_57, %dma_wait3A_68, %dma_wait3A_69] : memref<128x80x128xf32, #tpu.memory_space<hbm>> -> memref<1x80x128xf32, #tpu.memory_space<hbm>>
        %dma_wait3A_71 = tpu.memref_squeeze %dma_wait3A_70 : memref<1x80x128xf32, #tpu.memory_space<hbm>> -> memref<80x128xf32, #tpu.memory_space<hbm>>
        tpu.wait_dma2 semaphore(%run_scoped3A : memref<!tpu.dma_semaphore, #tpu.memory_space<semaphore_mem>>) src(%arg6 : memref<80x128xf32, #tpu.memory_space<vmem>>) dst(%dma_wait3A_71 : memref<80x128xf32, #tpu.memory_space<hbm>>)
        tpu.yield
      }) : () -> ()
    }
    %scan3A_53 = arith.constant 4 : i32
    return
  }
}

#map = affine_map<(d0, d1) -> (0, 0, 0)>
module attributes {stable_mosaic.version = 14 : i64} {
  func.func @hist(%arg0: i32, %arg1: i32, %arg2: memref<32x125x80xi32, #tpu.memory_space<hbm>>, %arg3: memref<128x80x128xf32, #tpu.memory_space<hbm>>, %arg4: memref<125x80xi32, #tpu.memory_space<vmem>>, %arg5: memref<80x128xf32, #tpu.memory_space<vmem>>, %arg6: memref<80x128xf32, #tpu.memory_space<vmem>>, %arg7: memref<4x80xi32, #tpu.memory_space<vmem>>, %arg8: memref<5120x128xf32, #tpu.memory_space<vmem_shared>>, %arg9: memref<!tpu.dma_semaphore, #tpu.memory_space<semaphore_mem>>) attributes {dimension_semantics = [#tpu.dimension_semantics<core_parallel>, #tpu.dimension_semantics<subcore_parallel>], iteration_bounds = array<i64: 2, 16>, scalar_prefetch = 0 : i64, scratch_operands = 6 : i64, tpu.core_type = #tpu.core_type<sc_vector_subcore>, window_params = [{transform_indices = #map}, {transform_indices = #map}]} {
    %mul3A = arith.constant 16 : i32
    %mul3A_0 = arith.muli %arg0, %mul3A : i32
    %add3A = arith.addi %mul3A_0, %arg1 : i32
    "tpu.region"() ({
      %run_scoped3A = tpu.sem_alloc : memref<!tpu.dma_semaphore, #tpu.memory_space<semaphore_mem>>
      %dma_start3A = arith.constant 0 : i32
      %dma_start3A_54 = arith.constant 0 : i32
      %dma_start3A_55 = tpu.memref_slice %arg2[%add3A, %dma_start3A, %dma_start3A_54] : memref<32x125x80xi32, #tpu.memory_space<hbm>> -> memref<1x125x80xi32, #tpu.memory_space<hbm>>
      %dma_start3A_56 = tpu.memref_squeeze %dma_start3A_55 : memref<1x125x80xi32, #tpu.memory_space<hbm>> -> memref<125x80xi32, #tpu.memory_space<hbm>>
      %dma_start3A_57 = arith.constant 0 : i32
      %dma_start3A_58 = arith.constant 0 : i32
      %dma_start3A_59 = tpu.memref_slice %arg2[%add3A, %dma_start3A_57, %dma_start3A_58] : memref<32x125x80xi32, #tpu.memory_space<hbm>> -> memref<1x125x80xi32, #tpu.memory_space<hbm>>
      %dma_start3A_60 = tpu.memref_squeeze %dma_start3A_59 : memref<1x125x80xi32, #tpu.memory_space<hbm>> -> memref<125x80xi32, #tpu.memory_space<hbm>>
      tpu.enqueue_dma source(%dma_start3A_60 : memref<125x80xi32, #tpu.memory_space<hbm>>) target(%arg4 : memref<125x80xi32, #tpu.memory_space<vmem>>) target_semaphore(%run_scoped3A : memref<!tpu.dma_semaphore, #tpu.memory_space<semaphore_mem>>)
      %dma_wait3A = arith.constant 0 : i32
      %dma_wait3A_61 = arith.constant 0 : i32
      %dma_wait3A_62 = tpu.memref_slice %arg2[%add3A, %dma_wait3A, %dma_wait3A_61] : memref<32x125x80xi32, #tpu.memory_space<hbm>> -> memref<1x125x80xi32, #tpu.memory_space<hbm>>
      %dma_wait3A_63 = tpu.memref_squeeze %dma_wait3A_62 : memref<1x125x80xi32, #tpu.memory_space<hbm>> -> memref<125x80xi32, #tpu.memory_space<hbm>>
      %dma_wait3A_64 = arith.constant 0 : i32
      %dma_wait3A_65 = arith.constant 0 : i32
      %dma_wait3A_66 = tpu.memref_slice %arg2[%add3A, %dma_wait3A_64, %dma_wait3A_65] : memref<32x125x80xi32, #tpu.memory_space<hbm>> -> memref<1x125x80xi32, #tpu.memory_space<hbm>>
      %dma_wait3A_67 = tpu.memref_squeeze %dma_wait3A_66 : memref<1x125x80xi32, #tpu.memory_space<hbm>> -> memref<125x80xi32, #tpu.memory_space<hbm>>
      tpu.wait_dma2 semaphore(%run_scoped3A : memref<!tpu.dma_semaphore, #tpu.memory_space<semaphore_mem>>) src(%dma_wait3A_67 : memref<125x80xi32, #tpu.memory_space<hbm>>) dst(%arg4 : memref<125x80xi32, #tpu.memory_space<vmem>>)
      tpu.yield
    }) : () -> ()
    %broadcast_in_dim3A = arith.constant 0.000000e+00 : f32
    %broadcast_in_dim3A_1 = vector.broadcast %broadcast_in_dim3A : f32 to vector<16xf32>
    %broadcast_in_dim3A_2 = arith.constant 1.000000e+00 : f32
    %broadcast_in_dim3A_3 = vector.broadcast %broadcast_in_dim3A_2 : f32 to vector<16xf32>
    %scan3A = arith.constant 0 : i32
    %scan3A_4 = arith.constant 0 : i32
    %scan3A_5 = arith.constant 625 : i32
    %scan3A_6 = arith.addi %scan3A_4, %scan3A_5 : i32
    %scan3A_7 = arith.constant 1 : i32
    scf.for %scan3A_54 = %scan3A_4 to %scan3A_6 step %scan3A_7  : i32 {
      %jit3A = arith.constant 5 : i32
      %div3A = arith.divsi %scan3A_54, %jit3A : i32
      %sign3A = arith.constant 0 : i32
      %sign3A_55 = arith.cmpi sgt, %scan3A_54, %sign3A : i32
      %sign3A_56 = arith.extui %sign3A_55 : i1 to i32
      %sign3A_57 = arith.constant 0 : i32
      %sign3A_58 = arith.cmpi slt, %scan3A_54, %sign3A_57 : i32
      %sign3A_59 = arith.extui %sign3A_58 : i1 to i32
      %sign3A_60 = arith.subi %sign3A_56, %sign3A_59 : i32
      %sign3A_61 = arith.constant 0 : i32
      %sign3A_62 = arith.cmpi sgt, %jit3A, %sign3A_61 : i32
      %sign3A_63 = arith.extui %sign3A_62 : i1 to i32
      %sign3A_64 = arith.constant 0 : i32
      %sign3A_65 = arith.cmpi slt, %jit3A, %sign3A_64 : i32
      %sign3A_66 = arith.extui %sign3A_65 : i1 to i32
      %sign3A_67 = arith.subi %sign3A_63, %sign3A_66 : i32
      %ne3A = arith.cmpi ne, %sign3A_60, %sign3A_67 : i32
      %rem3A = arith.remsi %scan3A_54, %jit3A : i32
      %ne3A_68 = arith.constant 0 : i32
      %ne3A_69 = arith.cmpi ne, %rem3A, %ne3A_68 : i32
      %and3A = arith.andi %ne3A, %ne3A_69 : i1
      %sub3A = arith.constant 1 : i32
      %sub3A_70 = arith.subi %div3A, %sub3A : i32
      %select_n3A = arith.select %and3A, %sub3A_70, %div3A : i32
      %jit3A_71 = arith.constant 5 : i32
      %eq3A = arith.constant 0 : i32
      %eq3A_72 = arith.cmpi eq, %jit3A_71, %eq3A : i32
      %jit3A_73 = arith.constant 1 : i32
      %select_n3A_74 = arith.select %eq3A_72, %jit3A_73, %jit3A_71 : i32
      %rem3A_75 = arith.remsi %scan3A_54, %select_n3A_74 : i32
      %ne3A_76 = arith.constant 0 : i32
      %ne3A_77 = arith.cmpi ne, %rem3A_75, %ne3A_76 : i32
      %lt3A = arith.constant 0 : i32
      %lt3A_78 = arith.cmpi slt, %rem3A_75, %lt3A : i32
      %lt3A_79 = arith.constant 0 : i32
      %lt3A_80 = arith.cmpi slt, %select_n3A_74, %lt3A_79 : i32
      %ne3A_81 = arith.xori %lt3A_78, %lt3A_80 : i1
      %and3A_82 = arith.andi %ne3A_81, %ne3A_77 : i1
      %add3A_83 = arith.addi %rem3A_75, %select_n3A_74 : i32
      %select_n3A_84 = arith.select %and3A_82, %add3A_83, %rem3A_75 : i32
      %mul3A_85 = arith.constant 16 : i32
      %mul3A_86 = arith.muli %select_n3A_84, %mul3A_85 : i32
      %get3A = arith.index_cast %select_n3A : i32 to index
      %get3A_87 = arith.index_cast %mul3A_86 : i32 to index
      %get3A_88 = tpu.vector_load %arg4[%get3A, %get3A_87] {strides = array<i32>} : memref<125x80xi32, #tpu.memory_space<vmem>>, vector<1x16xi32>,
      %get3A_89 = vector.shape_cast %get3A_88 : vector<1x16xi32> to vector<16xi32>
      %sub3A_90 = arith.constant 5000 : i32
      %sub3A_91 = vector.broadcast %sub3A_90 : i32 to vector<16xi32>
      %sub3A_92 = arith.subi %get3A_89, %sub3A_91 : vector<16xi32>
      %ge3A = arith.constant 0 : i32
      %ge3A_93 = vector.broadcast %ge3A : i32 to vector<16xi32>
      %ge3A_94 = arith.cmpi sge, %sub3A_92, %ge3A_93 : vector<16xi32>
      %lt3A_95 = arith.constant 5000 : i32
      %lt3A_96 = vector.broadcast %lt3A_95 : i32 to vector<16xi32>
      %lt3A_97 = arith.cmpi slt, %sub3A_92, %lt3A_96 : vector<16xi32>
      %and3A_98 = arith.andi %ge3A_94, %lt3A_97 : vector<16xi1>
      %and3A_99 = arith.constant 63 : i32
      %and3A_100 = vector.broadcast %and3A_99 : i32 to vector<16xi32>
      %and3A_101 = arith.andi %get3A_89, %and3A_100 : vector<16xi32>
      %add3A_102 = arith.constant 5000 : i32
      %add3A_103 = vector.broadcast %add3A_102 : i32 to vector<16xi32>
      %add3A_104 = arith.addi %add3A_103, %and3A_101 : vector<16xi32>
      %select_n3A_105 = arith.select %and3A_98, %sub3A_92, %add3A_104 : vector<16xi1>, vector<16xi32>
      %swap3A = arith.index_cast %select_n3A : i32 to index
      %swap3A_106 = arith.index_cast %mul3A_86 : i32 to index
      %swap3A_107 = tpu.vector_load %arg4[%swap3A, %swap3A_106] {strides = array<i32>} : memref<125x80xi32, #tpu.memory_space<vmem>>, vector<1x16xi32>,
      %swap3A_108 = vector.shape_cast %swap3A_107 : vector<1x16xi32> to vector<16xi32>
      %swap3A_109 = vector.shape_cast %select_n3A_105 : vector<16xi32> to vector<1x16xi32>
      tpu.vector_store %arg4[%swap3A, %swap3A_106], %swap3A_109 {strides = array<i32>} : memref<125x80xi32, #tpu.memory_space<vmem>>, vector<1x16xi32>,
    }
    %scan3A_8 = arith.constant 625 : i32
    %scan3A_9 = arith.constant 0 : i32
    %scan3A_10 = arith.constant 0 : i32
    %scan3A_11 = arith.constant 80 : i32
    %scan3A_12 = arith.addi %scan3A_10, %scan3A_11 : i32
    %scan3A_13 = arith.constant 1 : i32
    scf.for %scan3A_54 = %scan3A_10 to %scan3A_12 step %scan3A_13  : i32 {
      %scan3A_55 = arith.constant 0 : i32
      %scan3A_56 = arith.constant 0 : i32
      %scan3A_57 = arith.constant 8 : i32
      %scan3A_58 = arith.addi %scan3A_56, %scan3A_57 : i32
      %scan3A_59 = arith.constant 1 : i32
      scf.for %scan3A_61 = %scan3A_56 to %scan3A_58 step %scan3A_59  : i32 {
        %mul3A_62 = arith.constant 16 : i32
        %mul3A_63 = arith.muli %scan3A_61, %mul3A_62 : i32
        %swap3A = arith.index_cast %scan3A_54 : i32 to index
        %swap3A_64 = arith.index_cast %mul3A_63 : i32 to index
        %swap3A_65 = tpu.vector_load %arg5[%swap3A, %swap3A_64] {strides = array<i32>} : memref<80x128xf32, #tpu.memory_space<vmem>>, vector<1x16xf32>,
        %swap3A_66 = vector.shape_cast %swap3A_65 : vector<1x16xf32> to vector<16xf32>
        %swap3A_67 = vector.shape_cast %broadcast_in_dim3A_3 : vector<16xf32> to vector<1x16xf32>
        tpu.vector_store %arg5[%swap3A, %swap3A_64], %swap3A_67 {strides = array<i32>} : memref<80x128xf32, #tpu.memory_space<vmem>>, vector<1x16xf32>,
      }
      %scan3A_60 = arith.constant 8 : i32
    }
    %scan3A_14 = arith.constant 80 : i32
    %scan3A_15 = arith.constant 0 : i32
    %scan3A_16 = arith.constant 0 : i32
    %scan3A_17 = arith.constant 80 : i32
    %scan3A_18 = arith.addi %scan3A_16, %scan3A_17 : i32
    %scan3A_19 = arith.constant 1 : i32
    scf.for %scan3A_54 = %scan3A_16 to %scan3A_18 step %scan3A_19  : i32 {
      %scan3A_55 = arith.constant 0 : i32
      %scan3A_56 = arith.constant 0 : i32
      %scan3A_57 = arith.constant 8 : i32
      %scan3A_58 = arith.addi %scan3A_56, %scan3A_57 : i32
      %scan3A_59 = arith.constant 1 : i32
      scf.for %scan3A_61 = %scan3A_56 to %scan3A_58 step %scan3A_59  : i32 {
        %mul3A_62 = arith.constant 16 : i32
        %mul3A_63 = arith.muli %scan3A_61, %mul3A_62 : i32
        %swap3A = arith.index_cast %scan3A_54 : i32 to index
        %swap3A_64 = arith.index_cast %mul3A_63 : i32 to index
        %swap3A_65 = tpu.vector_load %arg6[%swap3A, %swap3A_64] {strides = array<i32>} : memref<80x128xf32, #tpu.memory_space<vmem>>, vector<1x16xf32>,
        %swap3A_66 = vector.shape_cast %swap3A_65 : vector<1x16xf32> to vector<16xf32>
        %swap3A_67 = vector.shape_cast %broadcast_in_dim3A_1 : vector<16xf32> to vector<1x16xf32>
        tpu.vector_store %arg6[%swap3A, %swap3A_64], %swap3A_67 {strides = array<i32>} : memref<80x128xf32, #tpu.memory_space<vmem>>, vector<1x16xf32>,
      }
      %scan3A_60 = arith.constant 8 : i32
    }
    %scan3A_20 = arith.constant 80 : i32
    %mul3A_21 = arith.constant 320 : i32
    %mul3A_22 = arith.muli %arg1, %mul3A_21 : i32
    %iota3A = tpu.iota {dimensions = array<i32: 0>} : vector<16xi32>
    %scan3A_23 = arith.constant 0 : i32
    %scan3A_24 = arith.constant 0 : i32
    %scan3A_25 = arith.constant 20 : i32
    %scan3A_26 = arith.addi %scan3A_24, %scan3A_25 : i32
    %scan3A_27 = arith.constant 1 : i32
    scf.for %scan3A_54 = %scan3A_24 to %scan3A_26 step %scan3A_27  : i32 {
      %jit3A = arith.constant 5 : i32
      %div3A = arith.divsi %scan3A_54, %jit3A : i32
      %sign3A = arith.constant 0 : i32
      %sign3A_55 = arith.cmpi sgt, %scan3A_54, %sign3A : i32
      %sign3A_56 = arith.extui %sign3A_55 : i1 to i32
      %sign3A_57 = arith.constant 0 : i32
      %sign3A_58 = arith.cmpi slt, %scan3A_54, %sign3A_57 : i32
      %sign3A_59 = arith.extui %sign3A_58 : i1 to i32
      %sign3A_60 = arith.subi %sign3A_56, %sign3A_59 : i32
      %sign3A_61 = arith.constant 0 : i32
      %sign3A_62 = arith.cmpi sgt, %jit3A, %sign3A_61 : i32
      %sign3A_63 = arith.extui %sign3A_62 : i1 to i32
      %sign3A_64 = arith.constant 0 : i32
      %sign3A_65 = arith.cmpi slt, %jit3A, %sign3A_64 : i32
      %sign3A_66 = arith.extui %sign3A_65 : i1 to i32
      %sign3A_67 = arith.subi %sign3A_63, %sign3A_66 : i32
      %ne3A = arith.cmpi ne, %sign3A_60, %sign3A_67 : i32
      %rem3A = arith.remsi %scan3A_54, %jit3A : i32
      %ne3A_68 = arith.constant 0 : i32
      %ne3A_69 = arith.cmpi ne, %rem3A, %ne3A_68 : i32
      %and3A = arith.andi %ne3A, %ne3A_69 : i1
      %sub3A = arith.constant 1 : i32
      %sub3A_70 = arith.subi %div3A, %sub3A : i32
      %select_n3A = arith.select %and3A, %sub3A_70, %div3A : i32
      %jit3A_71 = arith.constant 5 : i32
      %eq3A = arith.constant 0 : i32
      %eq3A_72 = arith.cmpi eq, %jit3A_71, %eq3A : i32
      %jit3A_73 = arith.constant 1 : i32
      %select_n3A_74 = arith.select %eq3A_72, %jit3A_73, %jit3A_71 : i32
      %rem3A_75 = arith.remsi %scan3A_54, %select_n3A_74 : i32
      %ne3A_76 = arith.constant 0 : i32
      %ne3A_77 = arith.cmpi ne, %rem3A_75, %ne3A_76 : i32
      %lt3A = arith.constant 0 : i32
      %lt3A_78 = arith.cmpi slt, %rem3A_75, %lt3A : i32
      %lt3A_79 = arith.constant 0 : i32
      %lt3A_80 = arith.cmpi slt, %select_n3A_74, %lt3A_79 : i32
      %ne3A_81 = arith.xori %lt3A_78, %lt3A_80 : i1
      %and3A_82 = arith.andi %ne3A_81, %ne3A_77 : i1
      %add3A_83 = arith.addi %rem3A_75, %select_n3A_74 : i32
      %select_n3A_84 = arith.select %and3A_82, %add3A_83, %rem3A_75 : i32
      %mul3A_85 = arith.constant 80 : i32
      %mul3A_86 = arith.muli %select_n3A, %mul3A_85 : i32
      %add3A_87 = arith.addi %mul3A_22, %mul3A_86 : i32
      %mul3A_88 = arith.constant 16 : i32
      %mul3A_89 = arith.muli %select_n3A_84, %mul3A_88 : i32
      %add3A_90 = arith.addi %add3A_87, %mul3A_89 : i32
      %add3A_91 = vector.broadcast %add3A_90 : i32 to vector<16xi32>
      %add3A_92 = arith.addi %add3A_91, %iota3A : vector<16xi32>
      %mul3A_93 = arith.constant 16 : i32
      %mul3A_94 = arith.muli %select_n3A_84, %mul3A_93 : i32
      %swap3A = arith.index_cast %select_n3A : i32 to index
      %swap3A_95 = arith.index_cast %mul3A_94 : i32 to index
      %swap3A_96 = tpu.vector_load %arg7[%swap3A, %swap3A_95] {strides = array<i32>} : memref<4x80xi32, #tpu.memory_space<vmem>>, vector<1x16xi32>,
      %swap3A_97 = vector.shape_cast %swap3A_96 : vector<1x16xi32> to vector<16xi32>
      %swap3A_98 = vector.shape_cast %add3A_92 : vector<16xi32> to vector<1x16xi32>
      tpu.vector_store %arg7[%swap3A, %swap3A_95], %swap3A_98 {strides = array<i32>} : memref<4x80xi32, #tpu.memory_space<vmem>>, vector<1x16xi32>,
    }
    %scan3A_28 = arith.constant 20 : i32
    %scan3A_29 = arith.constant 0 : i32
    %scan3A_30 = arith.constant 0 : i32
    %scan3A_31 = arith.constant 4 : i32
    %scan3A_32 = arith.addi %scan3A_30, %scan3A_31 : i32
    %scan3A_33 = arith.constant 1 : i32
    scf.for %scan3A_54 = %scan3A_30 to %scan3A_32 step %scan3A_33  : i32 {
      "tpu.region"() ({
        %run_scoped3A = tpu.sem_alloc : memref<!tpu.dma_semaphore, #tpu.memory_space<semaphore_mem>>
        %dma_start3A = arith.constant 0 : i32
        %dma_start3A_55 = tpu.memref_slice %arg7[%scan3A_54, %dma_start3A] : memref<4x80xi32, #tpu.memory_space<vmem>> -> memref<1x80xi32, #tpu.memory_space<vmem>>
        %dma_start3A_56 = tpu.memref_squeeze %dma_start3A_55 : memref<1x80xi32, #tpu.memory_space<vmem>> -> memref<80xi32, #tpu.memory_space<vmem>>
        %dma_start3A_57 = arith.constant 0 : i32
        %dma_start3A_58 = arith.constant 0 : i32
        %dma_start3A_59 = tpu.memref_slice %arg8[%dma_start3A_57, %dma_start3A_58] : memref<5120x128xf32, #tpu.memory_space<vmem_shared>> -> memref<5120x128xf32, #tpu.memory_space<vmem_shared>>
        tpu.enqueue_indirect_dma source(%arg6 : memref<80x128xf32, #tpu.memory_space<vmem>>) target(%dma_start3A_59 : memref<5120x128xf32, #tpu.memory_space<vmem_shared>>) offsets(%dma_start3A_56 : memref<80xi32, #tpu.memory_space<vmem>>) semaphore(%run_scoped3A : memref<!tpu.dma_semaphore, #tpu.memory_space<semaphore_mem>>)
        %dma_wait3A = arith.constant 0 : i32
        %dma_wait3A_60 = tpu.memref_slice %arg7[%scan3A_54, %dma_wait3A] : memref<4x80xi32, #tpu.memory_space<vmem>> -> memref<1x80xi32, #tpu.memory_space<vmem>>
        %dma_wait3A_61 = tpu.memref_squeeze %dma_wait3A_60 : memref<1x80xi32, #tpu.memory_space<vmem>> -> memref<80xi32, #tpu.memory_space<vmem>>
        %dma_wait3A_62 = arith.constant 0 : i32
        %dma_wait3A_63 = arith.constant 0 : i32
        %dma_wait3A_64 = tpu.memref_slice %arg8[%dma_wait3A_62, %dma_wait3A_63] : memref<5120x128xf32, #tpu.memory_space<vmem_shared>> -> memref<5120x128xf32, #tpu.memory_space<vmem_shared>>
        tpu.wait_indirect_dma semaphore(%run_scoped3A : memref<!tpu.dma_semaphore, #tpu.memory_space<semaphore_mem>>) src(%arg6 : memref<80x128xf32, #tpu.memory_space<vmem>>) dst(%dma_wait3A_64 : memref<5120x128xf32, #tpu.memory_space<vmem_shared>>)
        tpu.yield
      }) : () -> ()
    }
    %scan3A_34 = arith.constant 4 : i32
    %barrier3A = arith.constant 0 : index
    tpu.barrier barrier_id(%barrier3A)
    %scan3A_35 = arith.constant 0 : i32
    %scan3A_36 = arith.constant 0 : i32
    %scan3A_37 = arith.constant 125 : i32
    %scan3A_38 = arith.addi %scan3A_36, %scan3A_37 : i32
    %scan3A_39 = arith.constant 1 : i32
    scf.for %scan3A_54 = %scan3A_36 to %scan3A_38 step %scan3A_39  : i32 {
      %dma_start3A = arith.constant 0 : i32
      %dma_start3A_55 = tpu.memref_slice %arg4[%scan3A_54, %dma_start3A] : memref<125x80xi32, #tpu.memory_space<vmem>> -> memref<1x80xi32, #tpu.memory_space<vmem>>
      %dma_start3A_56 = tpu.memref_squeeze %dma_start3A_55 : memref<1x80xi32, #tpu.memory_space<vmem>> -> memref<80xi32, #tpu.memory_space<vmem>>
      %dma_start3A_57 = arith.constant 0 : i32
      %dma_start3A_58 = arith.constant 0 : i32
      %dma_start3A_59 = tpu.memref_slice %arg8[%dma_start3A_57, %dma_start3A_58] : memref<5120x128xf32, #tpu.memory_space<vmem_shared>> -> memref<5120x128xf32, #tpu.memory_space<vmem_shared>>
      tpu.enqueue_indirect_dma source(%arg5 : memref<80x128xf32, #tpu.memory_space<vmem>>) target(%dma_start3A_59 : memref<5120x128xf32, #tpu.memory_space<vmem_shared>>) offsets(%dma_start3A_56 : memref<80xi32, #tpu.memory_space<vmem>>) semaphore(%arg9 : memref<!tpu.dma_semaphore, #tpu.memory_space<semaphore_mem>>) {add = true}
    }
    %scan3A_40 = arith.constant 125 : i32
    %scan3A_41 = arith.constant 0 : i32
    %scan3A_42 = arith.constant 0 : i32
    %scan3A_43 = arith.constant 125 : i32
    %scan3A_44 = arith.addi %scan3A_42, %scan3A_43 : i32
    %scan3A_45 = arith.constant 1 : i32
    scf.for %scan3A_54 = %scan3A_42 to %scan3A_44 step %scan3A_45  : i32 {
      %dma_wait3A = arith.constant 0 : i32
      %dma_wait3A_55 = tpu.memref_slice %arg4[%scan3A_54, %dma_wait3A] : memref<125x80xi32, #tpu.memory_space<vmem>> -> memref<1x80xi32, #tpu.memory_space<vmem>>
      %dma_wait3A_56 = tpu.memref_squeeze %dma_wait3A_55 : memref<1x80xi32, #tpu.memory_space<vmem>> -> memref<80xi32, #tpu.memory_space<vmem>>
      %dma_wait3A_57 = arith.constant 0 : i32
      %dma_wait3A_58 = arith.constant 0 : i32
      %dma_wait3A_59 = tpu.memref_slice %arg8[%dma_wait3A_57, %dma_wait3A_58] : memref<5120x128xf32, #tpu.memory_space<vmem_shared>> -> memref<5120x128xf32, #tpu.memory_space<vmem_shared>>
      tpu.wait_indirect_dma semaphore(%arg9 : memref<!tpu.dma_semaphore, #tpu.memory_space<semaphore_mem>>) src(%arg5 : memref<80x128xf32, #tpu.memory_space<vmem>>) dst(%dma_wait3A_59 : memref<5120x128xf32, #tpu.memory_space<vmem_shared>>)
    }
    %scan3A_46 = arith.constant 125 : i32
    %barrier3A_47 = arith.constant 0 : index
    tpu.barrier barrier_id(%barrier3A_47)
    %scan3A_48 = arith.constant 0 : i32
    %scan3A_49 = arith.constant 0 : i32
    %scan3A_50 = arith.constant 4 : i32
    %scan3A_51 = arith.addi %scan3A_49, %scan3A_50 : i32
    %scan3A_52 = arith.constant 1 : i32
    scf.for %scan3A_54 = %scan3A_49 to %scan3A_51 step %scan3A_52  : i32 {
      "tpu.region"() ({
        %run_scoped3A = tpu.sem_alloc : memref<!tpu.dma_semaphore, #tpu.memory_space<semaphore_mem>>
        %dma_start3A = arith.constant 0 : i32
        %dma_start3A_58 = tpu.memref_slice %arg7[%scan3A_54, %dma_start3A] : memref<4x80xi32, #tpu.memory_space<vmem>> -> memref<1x80xi32, #tpu.memory_space<vmem>>
        %dma_start3A_59 = tpu.memref_squeeze %dma_start3A_58 : memref<1x80xi32, #tpu.memory_space<vmem>> -> memref<80xi32, #tpu.memory_space<vmem>>
        %dma_start3A_60 = arith.constant 0 : i32
        %dma_start3A_61 = arith.constant 0 : i32
        %dma_start3A_62 = tpu.memref_slice %arg8[%dma_start3A_60, %dma_start3A_61] : memref<5120x128xf32, #tpu.memory_space<vmem_shared>> -> memref<5120x128xf32, #tpu.memory_space<vmem_shared>>
        tpu.enqueue_indirect_dma source(%dma_start3A_62 : memref<5120x128xf32, #tpu.memory_space<vmem_shared>>) target(%arg6 : memref<80x128xf32, #tpu.memory_space<vmem>>) offsets(%dma_start3A_59 : memref<80xi32, #tpu.memory_space<vmem>>) semaphore(%run_scoped3A : memref<!tpu.dma_semaphore, #tpu.memory_space<semaphore_mem>>)
        %dma_wait3A = arith.constant 0 : i32
        %dma_wait3A_63 = tpu.memref_slice %arg7[%scan3A_54, %dma_wait3A] : memref<4x80xi32, #tpu.memory_space<vmem>> -> memref<1x80xi32, #tpu.memory_space<vmem>>
        %dma_wait3A_64 = tpu.memref_squeeze %dma_wait3A_63 : memref<1x80xi32, #tpu.memory_space<vmem>> -> memref<80xi32, #tpu.memory_space<vmem>>
        %dma_wait3A_65 = arith.constant 0 : i32
        %dma_wait3A_66 = arith.constant 0 : i32
        %dma_wait3A_67 = tpu.memref_slice %arg8[%dma_wait3A_65, %dma_wait3A_66] : memref<5120x128xf32, #tpu.memory_space<vmem_shared>> -> memref<5120x128xf32, #tpu.memory_space<vmem_shared>>
        tpu.wait_indirect_dma semaphore(%run_scoped3A : memref<!tpu.dma_semaphore, #tpu.memory_space<semaphore_mem>>) src(%dma_wait3A_67 : memref<5120x128xf32, #tpu.memory_space<vmem_shared>>) dst(%arg6 : memref<80x128xf32, #tpu.memory_space<vmem>>)
        tpu.yield
      }) : () -> ()
      %mul3A_55 = arith.constant 4 : i32
      %mul3A_56 = arith.muli %add3A, %mul3A_55 : i32
      %add3A_57 = arith.addi %mul3A_56, %scan3A_54 : i32
      "tpu.region"() ({
        %run_scoped3A = tpu.sem_alloc : memref<!tpu.dma_semaphore, #tpu.memory_space<semaphore_mem>>
        %dma_start3A = arith.constant 0 : i32
        %dma_start3A_58 = arith.constant 0 : i32
        %dma_start3A_59 = tpu.memref_slice %arg3[%add3A_57, %dma_start3A, %dma_start3A_58] : memref<128x80x128xf32, #tpu.memory_space<hbm>> -> memref<1x80x128xf32, #tpu.memory_space<hbm>>
        %dma_start3A_60 = tpu.memref_squeeze %dma_start3A_59 : memref<1x80x128xf32, #tpu.memory_space<hbm>> -> memref<80x128xf32, #tpu.memory_space<hbm>>
        %dma_start3A_61 = arith.constant 0 : i32
        %dma_start3A_62 = arith.constant 0 : i32
        %dma_start3A_63 = tpu.memref_slice %arg3[%add3A_57, %dma_start3A_61, %dma_start3A_62] : memref<128x80x128xf32, #tpu.memory_space<hbm>> -> memref<1x80x128xf32, #tpu.memory_space<hbm>>
        %dma_start3A_64 = tpu.memref_squeeze %dma_start3A_63 : memref<1x80x128xf32, #tpu.memory_space<hbm>> -> memref<80x128xf32, #tpu.memory_space<hbm>>
        tpu.enqueue_dma source(%arg6 : memref<80x128xf32, #tpu.memory_space<vmem>>) target(%dma_start3A_64 : memref<80x128xf32, #tpu.memory_space<hbm>>) target_semaphore(%run_scoped3A : memref<!tpu.dma_semaphore, #tpu.memory_space<semaphore_mem>>)
        %dma_wait3A = arith.constant 0 : i32
        %dma_wait3A_65 = arith.constant 0 : i32
        %dma_wait3A_66 = tpu.memref_slice %arg3[%add3A_57, %dma_wait3A, %dma_wait3A_65] : memref<128x80x128xf32, #tpu.memory_space<hbm>> -> memref<1x80x128xf32, #tpu.memory_space<hbm>>
        %dma_wait3A_67 = tpu.memref_squeeze %dma_wait3A_66 : memref<1x80x128xf32, #tpu.memory_space<hbm>> -> memref<80x128xf32, #tpu.memory_space<hbm>>
        %dma_wait3A_68 = arith.constant 0 : i32
        %dma_wait3A_69 = arith.constant 0 : i32
        %dma_wait3A_70 = tpu.memref_slice %arg3[%add3A_57, %dma_wait3A_68, %dma_wait3A_69] : memref<128x80x128xf32, #tpu.memory_space<hbm>> -> memref<1x80x128xf32, #tpu.memory_space<hbm>>
        %dma_wait3A_71 = tpu.memref_squeeze %dma_wait3A_70 : memref<1x80x128xf32, #tpu.memory_space<hbm>> -> memref<80x128xf32, #tpu.memory_space<hbm>>
        tpu.wait_dma2 semaphore(%run_scoped3A : memref<!tpu.dma_semaphore, #tpu.memory_space<semaphore_mem>>) src(%arg6 : memref<80x128xf32, #tpu.memory_space<vmem>>) dst(%dma_wait3A_71 : memref<80x128xf32, #tpu.memory_space<hbm>>)
        tpu.yield
      }) : () -> ()
    }
    %scan3A_53 = arith.constant 4 : i32
    return
  }
}

#map = affine_map<(d0, d1) -> (0, 0)>
#map1 = affine_map<(d0, d1) -> (0, 0, 0)>
module attributes {stable_mosaic.version = 14 : i64} {
  func.func @pool(%arg0: i32, %arg1: i32, %arg2: memref<10000x128xf32, #tpu.memory_space<hbm>>, %arg3: memref<32x125x80xi32, #tpu.memory_space<hbm>>, %arg4: memref<32x125x80xi32, #tpu.memory_space<hbm>>, %arg5: memref<128x80x128xf32, #tpu.memory_space<hbm>>, %arg6: memref<125x80xi32, #tpu.memory_space<vmem>>, %arg7: memref<125x80xi32, #tpu.memory_space<vmem>>, %arg8: memref<80x128xf32, #tpu.memory_space<vmem>>, %arg9: memref<80x128xf32, #tpu.memory_space<vmem>>, %arg10: memref<80x128xf32, #tpu.memory_space<vmem>>, %arg11: memref<4x80xi32, #tpu.memory_space<vmem>>, %arg12: memref<5120x128xf32, #tpu.memory_space<vmem_shared>>, %arg13: memref<!tpu.dma_semaphore, #tpu.memory_space<semaphore_mem>>, %arg14: memref<!tpu.dma_semaphore, #tpu.memory_space<semaphore_mem>>, %arg15: memref<!tpu.dma_semaphore, #tpu.memory_space<semaphore_mem>>) attributes {dimension_semantics = [#tpu.dimension_semantics<core_parallel>, #tpu.dimension_semantics<subcore_parallel>], iteration_bounds = array<i64: 2, 16>, scalar_prefetch = 0 : i64, scratch_operands = 10 : i64, tpu.core_type = #tpu.core_type<sc_vector_subcore>, window_params = [{transform_indices = #map}, {transform_indices = #map1}, {transform_indices = #map1}, {transform_indices = #map1}]} {
    %mul3A = arith.constant 16 : i32
    %mul3A_0 = arith.muli %arg0, %mul3A : i32
    %add3A = arith.addi %mul3A_0, %arg1 : i32
    "tpu.region"() ({
      %run_scoped3A = tpu.sem_alloc : memref<!tpu.dma_semaphore, #tpu.memory_space<semaphore_mem>>
      %dma_start3A = arith.constant 0 : i32
      %dma_start3A_53 = arith.constant 0 : i32
      %dma_start3A_54 = tpu.memref_slice %arg3[%add3A, %dma_start3A, %dma_start3A_53] : memref<32x125x80xi32, #tpu.memory_space<hbm>> -> memref<1x125x80xi32, #tpu.memory_space<hbm>>
      %dma_start3A_55 = tpu.memref_squeeze %dma_start3A_54 : memref<1x125x80xi32, #tpu.memory_space<hbm>> -> memref<125x80xi32, #tpu.memory_space<hbm>>
      %dma_start3A_56 = arith.constant 0 : i32
      %dma_start3A_57 = arith.constant 0 : i32
      %dma_start3A_58 = tpu.memref_slice %arg3[%add3A, %dma_start3A_56, %dma_start3A_57] : memref<32x125x80xi32, #tpu.memory_space<hbm>> -> memref<1x125x80xi32, #tpu.memory_space<hbm>>
      %dma_start3A_59 = tpu.memref_squeeze %dma_start3A_58 : memref<1x125x80xi32, #tpu.memory_space<hbm>> -> memref<125x80xi32, #tpu.memory_space<hbm>>
      tpu.enqueue_dma source(%dma_start3A_59 : memref<125x80xi32, #tpu.memory_space<hbm>>) target(%arg6 : memref<125x80xi32, #tpu.memory_space<vmem>>) target_semaphore(%run_scoped3A : memref<!tpu.dma_semaphore, #tpu.memory_space<semaphore_mem>>)
      %dma_wait3A_60 = arith.constant 0 : i32
      %dma_wait3A_61 = arith.constant 0 : i32
      %dma_wait3A_62 = tpu.memref_slice %arg3[%add3A, %dma_wait3A_60, %dma_wait3A_61] : memref<32x125x80xi32, #tpu.memory_space<hbm>> -> memref<1x125x80xi32, #tpu.memory_space<hbm>>
      %dma_wait3A_63 = tpu.memref_squeeze %dma_wait3A_62 : memref<1x125x80xi32, #tpu.memory_space<hbm>> -> memref<125x80xi32, #tpu.memory_space<hbm>>
      %dma_wait3A_64 = arith.constant 0 : i32
      %dma_wait3A_65 = arith.constant 0 : i32
      %dma_wait3A_66 = tpu.memref_slice %arg3[%add3A, %dma_wait3A_64, %dma_wait3A_65] : memref<32x125x80xi32, #tpu.memory_space<hbm>> -> memref<1x125x80xi32, #tpu.memory_space<hbm>>
      %dma_wait3A_67 = tpu.memref_squeeze %dma_wait3A_66 : memref<1x125x80xi32, #tpu.memory_space<hbm>> -> memref<125x80xi32, #tpu.memory_space<hbm>>
      tpu.wait_dma2 semaphore(%run_scoped3A : memref<!tpu.dma_semaphore, #tpu.memory_space<semaphore_mem>>) src(%dma_wait3A_67 : memref<125x80xi32, #tpu.memory_space<hbm>>) dst(%arg6 : memref<125x80xi32, #tpu.memory_space<vmem>>)
      tpu.yield
    }) : () -> ()
    "tpu.region"() ({
      %run_scoped3A = tpu.sem_alloc : memref<!tpu.dma_semaphore, #tpu.memory_space<semaphore_mem>>
      %dma_start3A = arith.constant 0 : i32
      %dma_start3A_53 = arith.constant 0 : i32
      %dma_start3A_54 = tpu.memref_slice %arg4[%add3A, %dma_start3A, %dma_start3A_53] : memref<32x125x80xi32, #tpu.memory_space<hbm>> -> memref<1x125x80xi32, #tpu.memory_space<hbm>>
      %dma_start3A_55 = tpu.memref_squeeze %dma_start3A_54 : memref<1x125x80xi32, #tpu.memory_space<hbm>> -> memref<125x80xi32, #tpu.memory_space<hbm>>
      %dma_start3A_56 = arith.constant 0 : i32
      %dma_start3A_57 = arith.constant 0 : i32
      %dma_start3A_58 = tpu.memref_slice %arg4[%add3A, %dma_start3A_56, %dma_start3A_57] : memref<32x125x80xi32, #tpu.memory_space<hbm>> -> memref<1x125x80xi32, #tpu.memory_space<hbm>>
      %dma_start3A_59 = tpu.memref_squeeze %dma_start3A_58 : memref<1x125x80xi32, #tpu.memory_space<hbm>> -> memref<125x80xi32, #tpu.memory_space<hbm>>
      tpu.enqueue_dma source(%dma_start3A_59 : memref<125x80xi32, #tpu.memory_space<hbm>>) target(%arg7 : memref<125x80xi32, #tpu.memory_space<vmem>>) target_semaphore(%run_scoped3A : memref<!tpu.dma_semaphore, #tpu.memory_space<semaphore_mem>>)
      %dma_wait3A_60 = arith.constant 0 : i32
      %dma_wait3A_61 = arith.constant 0 : i32
      %dma_wait3A_62 = tpu.memref_slice %arg4[%add3A, %dma_wait3A_60, %dma_wait3A_61] : memref<32x125x80xi32, #tpu.memory_space<hbm>> -> memref<1x125x80xi32, #tpu.memory_space<hbm>>
      %dma_wait3A_63 = tpu.memref_squeeze %dma_wait3A_62 : memref<1x125x80xi32, #tpu.memory_space<hbm>> -> memref<125x80xi32, #tpu.memory_space<hbm>>
      %dma_wait3A_64 = arith.constant 0 : i32
      %dma_wait3A_65 = arith.constant 0 : i32
      %dma_wait3A_66 = tpu.memref_slice %arg4[%add3A, %dma_wait3A_64, %dma_wait3A_65] : memref<32x125x80xi32, #tpu.memory_space<hbm>> -> memref<1x125x80xi32, #tpu.memory_space<hbm>>
      %dma_wait3A_67 = tpu.memref_squeeze %dma_wait3A_66 : memref<1x125x80xi32, #tpu.memory_space<hbm>> -> memref<125x80xi32, #tpu.memory_space<hbm>>
      tpu.wait_dma2 semaphore(%run_scoped3A : memref<!tpu.dma_semaphore, #tpu.memory_space<semaphore_mem>>) src(%dma_wait3A_67 : memref<125x80xi32, #tpu.memory_space<hbm>>) dst(%arg7 : memref<125x80xi32, #tpu.memory_space<vmem>>)
      tpu.yield
    }) : () -> ()
    %broadcast_in_dim3A = arith.constant 0.000000e+00 : f32
    %broadcast_in_dim3A_1 = vector.broadcast %broadcast_in_dim3A : f32 to vector<16xf32>
    %scan3A = arith.constant 0 : i32
    %scan3A_2 = arith.constant 0 : i32
    %scan3A_3 = arith.constant 625 : i32
    %scan3A_4 = arith.addi %scan3A_2, %scan3A_3 : i32
    %scan3A_5 = arith.constant 1 : i32
    scf.for %scan3A_53 = %scan3A_2 to %scan3A_4 step %scan3A_5  : i32 {
      %jit3A = arith.constant 5 : i32
      %div3A = arith.divsi %scan3A_53, %jit3A : i32
      %sign3A = arith.constant 0 : i32
      %sign3A_54 = arith.cmpi sgt, %scan3A_53, %sign3A : i32
      %sign3A_55 = arith.extui %sign3A_54 : i1 to i32
      %sign3A_56 = arith.constant 0 : i32
      %sign3A_57 = arith.cmpi slt, %scan3A_53, %sign3A_56 : i32
      %sign3A_58 = arith.extui %sign3A_57 : i1 to i32
      %sign3A_59 = arith.subi %sign3A_55, %sign3A_58 : i32
      %sign3A_60 = arith.constant 0 : i32
      %sign3A_61 = arith.cmpi sgt, %jit3A, %sign3A_60 : i32
      %sign3A_62 = arith.extui %sign3A_61 : i1 to i32
      %sign3A_63 = arith.constant 0 : i32
      %sign3A_64 = arith.cmpi slt, %jit3A, %sign3A_63 : i32
      %sign3A_65 = arith.extui %sign3A_64 : i1 to i32
      %sign3A_66 = arith.subi %sign3A_62, %sign3A_65 : i32
      %ne3A = arith.cmpi ne, %sign3A_59, %sign3A_66 : i32
      %rem3A = arith.remsi %scan3A_53, %jit3A : i32
      %ne3A_67 = arith.constant 0 : i32
      %ne3A_68 = arith.cmpi ne, %rem3A, %ne3A_67 : i32
      %and3A = arith.andi %ne3A, %ne3A_68 : i1
      %sub3A = arith.constant 1 : i32
      %sub3A_69 = arith.subi %div3A, %sub3A : i32
      %select_n3A = arith.select %and3A, %sub3A_69, %div3A : i32
      %jit3A_70 = arith.constant 5 : i32
      %eq3A = arith.constant 0 : i32
      %eq3A_71 = arith.cmpi eq, %jit3A_70, %eq3A : i32
      %jit3A_72 = arith.constant 1 : i32
      %select_n3A_73 = arith.select %eq3A_71, %jit3A_72, %jit3A_70 : i32
      %rem3A_74 = arith.remsi %scan3A_53, %select_n3A_73 : i32
      %ne3A_75 = arith.constant 0 : i32
      %ne3A_76 = arith.cmpi ne, %rem3A_74, %ne3A_75 : i32
      %lt3A = arith.constant 0 : i32
      %lt3A_77 = arith.cmpi slt, %rem3A_74, %lt3A : i32
      %lt3A_78 = arith.constant 0 : i32
      %lt3A_79 = arith.cmpi slt, %select_n3A_73, %lt3A_78 : i32
      %ne3A_80 = arith.xori %lt3A_77, %lt3A_79 : i1
      %and3A_81 = arith.andi %ne3A_80, %ne3A_76 : i1
      %add3A_82 = arith.addi %rem3A_74, %select_n3A_73 : i32
      %select_n3A_83 = arith.select %and3A_81, %add3A_82, %rem3A_74 : i32
      %mul3A_84 = arith.constant 16 : i32
      %mul3A_85 = arith.muli %select_n3A_83, %mul3A_84 : i32
      %get3A = arith.index_cast %select_n3A : i32 to index
      %get3A_86 = arith.index_cast %mul3A_85 : i32 to index
      %get3A_87 = tpu.vector_load %arg7[%get3A, %get3A_86] {strides = array<i32>} : memref<125x80xi32, #tpu.memory_space<vmem>>, vector<1x16xi32>,
      %get3A_88 = vector.shape_cast %get3A_87 : vector<1x16xi32> to vector<16xi32>
      %sub3A_89 = arith.constant 0 : i32
      %sub3A_90 = vector.broadcast %sub3A_89 : i32 to vector<16xi32>
      %sub3A_91 = arith.subi %get3A_88, %sub3A_90 : vector<16xi32>
      %ge3A = arith.constant 0 : i32
      %ge3A_92 = vector.broadcast %ge3A : i32 to vector<16xi32>
      %ge3A_93 = arith.cmpi sge, %sub3A_91, %ge3A_92 : vector<16xi32>
      %lt3A_94 = arith.constant 5000 : i32
      %lt3A_95 = vector.broadcast %lt3A_94 : i32 to vector<16xi32>
      %lt3A_96 = arith.cmpi slt, %sub3A_91, %lt3A_95 : vector<16xi32>
      %and3A_97 = arith.andi %ge3A_93, %lt3A_96 : vector<16xi1>
      %and3A_98 = arith.constant 63 : i32
      %and3A_99 = vector.broadcast %and3A_98 : i32 to vector<16xi32>
      %and3A_100 = arith.andi %get3A_88, %and3A_99 : vector<16xi32>
      %add3A_101 = arith.constant 5000 : i32
      %add3A_102 = vector.broadcast %add3A_101 : i32 to vector<16xi32>
      %add3A_103 = arith.addi %add3A_102, %and3A_100 : vector<16xi32>
      %select_n3A_104 = arith.select %and3A_97, %sub3A_91, %add3A_103 : vector<16xi1>, vector<16xi32>
      %swap3A = arith.index_cast %select_n3A : i32 to index
      %swap3A_105 = arith.index_cast %mul3A_85 : i32 to index
      %swap3A_106 = tpu.vector_load %arg7[%swap3A, %swap3A_105] {strides = array<i32>} : memref<125x80xi32, #tpu.memory_space<vmem>>, vector<1x16xi32>,
      %swap3A_107 = vector.shape_cast %swap3A_106 : vector<1x16xi32> to vector<16xi32>
      %swap3A_108 = vector.shape_cast %select_n3A_104 : vector<16xi32> to vector<1x16xi32>
      tpu.vector_store %arg7[%swap3A, %swap3A_105], %swap3A_108 {strides = array<i32>} : memref<125x80xi32, #tpu.memory_space<vmem>>, vector<1x16xi32>,
    }
    %scan3A_6 = arith.constant 625 : i32
    %scan3A_7 = arith.constant 0 : i32
    %scan3A_8 = arith.constant 0 : i32
    %scan3A_9 = arith.constant 80 : i32
    %scan3A_10 = arith.addi %scan3A_8, %scan3A_9 : i32
    %scan3A_11 = arith.constant 1 : i32
    scf.for %scan3A_53 = %scan3A_8 to %scan3A_10 step %scan3A_11  : i32 {
      %scan3A_54 = arith.constant 0 : i32
      %scan3A_55 = arith.constant 0 : i32
      %scan3A_56 = arith.constant 8 : i32
      %scan3A_57 = arith.addi %scan3A_55, %scan3A_56 : i32
      %scan3A_58 = arith.constant 1 : i32
      scf.for %scan3A_60 = %scan3A_55 to %scan3A_57 step %scan3A_58  : i32 {
        %mul3A_61 = arith.constant 16 : i32
        %mul3A_62 = arith.muli %scan3A_60, %mul3A_61 : i32
        %swap3A = arith.index_cast %scan3A_53 : i32 to index
        %swap3A_63 = arith.index_cast %mul3A_62 : i32 to index
        %swap3A_64 = tpu.vector_load %arg10[%swap3A, %swap3A_63] {strides = array<i32>} : memref<80x128xf32, #tpu.memory_space<vmem>>, vector<1x16xf32>,
        %swap3A_65 = vector.shape_cast %swap3A_64 : vector<1x16xf32> to vector<16xf32>
        %swap3A_66 = vector.shape_cast %broadcast_in_dim3A_1 : vector<16xf32> to vector<1x16xf32>
        tpu.vector_store %arg10[%swap3A, %swap3A_63], %swap3A_66 {strides = array<i32>} : memref<80x128xf32, #tpu.memory_space<vmem>>, vector<1x16xf32>,
      }
      %scan3A_59 = arith.constant 8 : i32
    }
    %scan3A_12 = arith.constant 80 : i32
    %mul3A_13 = arith.constant 320 : i32
    %mul3A_14 = arith.muli %arg1, %mul3A_13 : i32
    %iota3A = tpu.iota {dimensions = array<i32: 0>} : vector<16xi32>
    %scan3A_15 = arith.constant 0 : i32
    %scan3A_16 = arith.constant 0 : i32
    %scan3A_17 = arith.constant 20 : i32
    %scan3A_18 = arith.addi %scan3A_16, %scan3A_17 : i32
    %scan3A_19 = arith.constant 1 : i32
    scf.for %scan3A_53 = %scan3A_16 to %scan3A_18 step %scan3A_19  : i32 {
      %jit3A = arith.constant 5 : i32
      %div3A = arith.divsi %scan3A_53, %jit3A : i32
      %sign3A = arith.constant 0 : i32
      %sign3A_54 = arith.cmpi sgt, %scan3A_53, %sign3A : i32
      %sign3A_55 = arith.extui %sign3A_54 : i1 to i32
      %sign3A_56 = arith.constant 0 : i32
      %sign3A_57 = arith.cmpi slt, %scan3A_53, %sign3A_56 : i32
      %sign3A_58 = arith.extui %sign3A_57 : i1 to i32
      %sign3A_59 = arith.subi %sign3A_55, %sign3A_58 : i32
      %sign3A_60 = arith.constant 0 : i32
      %sign3A_61 = arith.cmpi sgt, %jit3A, %sign3A_60 : i32
      %sign3A_62 = arith.extui %sign3A_61 : i1 to i32
      %sign3A_63 = arith.constant 0 : i32
      %sign3A_64 = arith.cmpi slt, %jit3A, %sign3A_63 : i32
      %sign3A_65 = arith.extui %sign3A_64 : i1 to i32
      %sign3A_66 = arith.subi %sign3A_62, %sign3A_65 : i32
      %ne3A = arith.cmpi ne, %sign3A_59, %sign3A_66 : i32
      %rem3A = arith.remsi %scan3A_53, %jit3A : i32
      %ne3A_67 = arith.constant 0 : i32
      %ne3A_68 = arith.cmpi ne, %rem3A, %ne3A_67 : i32
      %and3A = arith.andi %ne3A, %ne3A_68 : i1
      %sub3A = arith.constant 1 : i32
      %sub3A_69 = arith.subi %div3A, %sub3A : i32
      %select_n3A = arith.select %and3A, %sub3A_69, %div3A : i32
      %jit3A_70 = arith.constant 5 : i32
      %eq3A = arith.constant 0 : i32
      %eq3A_71 = arith.cmpi eq, %jit3A_70, %eq3A : i32
      %jit3A_72 = arith.constant 1 : i32
      %select_n3A_73 = arith.select %eq3A_71, %jit3A_72, %jit3A_70 : i32
      %rem3A_74 = arith.remsi %scan3A_53, %select_n3A_73 : i32
      %ne3A_75 = arith.constant 0 : i32
      %ne3A_76 = arith.cmpi ne, %rem3A_74, %ne3A_75 : i32
      %lt3A = arith.constant 0 : i32
      %lt3A_77 = arith.cmpi slt, %rem3A_74, %lt3A : i32
      %lt3A_78 = arith.constant 0 : i32
      %lt3A_79 = arith.cmpi slt, %select_n3A_73, %lt3A_78 : i32
      %ne3A_80 = arith.xori %lt3A_77, %lt3A_79 : i1
      %and3A_81 = arith.andi %ne3A_80, %ne3A_76 : i1
      %add3A_82 = arith.addi %rem3A_74, %select_n3A_73 : i32
      %select_n3A_83 = arith.select %and3A_81, %add3A_82, %rem3A_74 : i32
      %mul3A_84 = arith.constant 80 : i32
      %mul3A_85 = arith.muli %select_n3A, %mul3A_84 : i32
      %add3A_86 = arith.addi %mul3A_14, %mul3A_85 : i32
      %mul3A_87 = arith.constant 16 : i32
      %mul3A_88 = arith.muli %select_n3A_83, %mul3A_87 : i32
      %add3A_89 = arith.addi %add3A_86, %mul3A_88 : i32
      %add3A_90 = vector.broadcast %add3A_89 : i32 to vector<16xi32>
      %add3A_91 = arith.addi %add3A_90, %iota3A : vector<16xi32>
      %mul3A_92 = arith.constant 16 : i32
      %mul3A_93 = arith.muli %select_n3A_83, %mul3A_92 : i32
      %swap3A = arith.index_cast %select_n3A : i32 to index
      %swap3A_94 = arith.index_cast %mul3A_93 : i32 to index
      %swap3A_95 = tpu.vector_load %arg11[%swap3A, %swap3A_94] {strides = array<i32>} : memref<4x80xi32, #tpu.memory_space<vmem>>, vector<1x16xi32>,
      %swap3A_96 = vector.shape_cast %swap3A_95 : vector<1x16xi32> to vector<16xi32>
      %swap3A_97 = vector.shape_cast %add3A_91 : vector<16xi32> to vector<1x16xi32>
      tpu.vector_store %arg11[%swap3A, %swap3A_94], %swap3A_97 {strides = array<i32>} : memref<4x80xi32, #tpu.memory_space<vmem>>, vector<1x16xi32>,
    }
    %scan3A_20 = arith.constant 20 : i32
    %scan3A_21 = arith.constant 0 : i32
    %scan3A_22 = arith.constant 0 : i32
    %scan3A_23 = arith.constant 4 : i32
    %scan3A_24 = arith.addi %scan3A_22, %scan3A_23 : i32
    %scan3A_25 = arith.constant 1 : i32
    scf.for %scan3A_53 = %scan3A_22 to %scan3A_24 step %scan3A_25  : i32 {
      "tpu.region"() ({
        %run_scoped3A = tpu.sem_alloc : memref<!tpu.dma_semaphore, #tpu.memory_space<semaphore_mem>>
        %dma_start3A = arith.constant 0 : i32
        %dma_start3A_54 = tpu.memref_slice %arg11[%scan3A_53, %dma_start3A] : memref<4x80xi32, #tpu.memory_space<vmem>> -> memref<1x80xi32, #tpu.memory_space<vmem>>
        %dma_start3A_55 = tpu.memref_squeeze %dma_start3A_54 : memref<1x80xi32, #tpu.memory_space<vmem>> -> memref<80xi32, #tpu.memory_space<vmem>>
        %dma_start3A_56 = arith.constant 0 : i32
        %dma_start3A_57 = arith.constant 0 : i32
        %dma_start3A_58 = tpu.memref_slice %arg12[%dma_start3A_56, %dma_start3A_57] : memref<5120x128xf32, #tpu.memory_space<vmem_shared>> -> memref<5120x128xf32, #tpu.memory_space<vmem_shared>>
        tpu.enqueue_indirect_dma source(%arg10 : memref<80x128xf32, #tpu.memory_space<vmem>>) target(%dma_start3A_58 : memref<5120x128xf32, #tpu.memory_space<vmem_shared>>) offsets(%dma_start3A_55 : memref<80xi32, #tpu.memory_space<vmem>>) semaphore(%run_scoped3A : memref<!tpu.dma_semaphore, #tpu.memory_space<semaphore_mem>>)
        %dma_wait3A_59 = arith.constant 0 : i32
        %dma_wait3A_60 = tpu.memref_slice %arg11[%scan3A_53, %dma_wait3A_59] : memref<4x80xi32, #tpu.memory_space<vmem>> -> memref<1x80xi32, #tpu.memory_space<vmem>>
        %dma_wait3A_61 = tpu.memref_squeeze %dma_wait3A_60 : memref<1x80xi32, #tpu.memory_space<vmem>> -> memref<80xi32, #tpu.memory_space<vmem>>
        %dma_wait3A_62 = arith.constant 0 : i32
        %dma_wait3A_63 = arith.constant 0 : i32
        %dma_wait3A_64 = tpu.memref_slice %arg12[%dma_wait3A_62, %dma_wait3A_63] : memref<5120x128xf32, #tpu.memory_space<vmem_shared>> -> memref<5120x128xf32, #tpu.memory_space<vmem_shared>>
        tpu.wait_indirect_dma semaphore(%run_scoped3A : memref<!tpu.dma_semaphore, #tpu.memory_space<semaphore_mem>>) src(%arg10 : memref<80x128xf32, #tpu.memory_space<vmem>>) dst(%dma_wait3A_64 : memref<5120x128xf32, #tpu.memory_space<vmem_shared>>)
        tpu.yield
      }) : () -> ()
    }
    %scan3A_26 = arith.constant 4 : i32
    %barrier3A = arith.constant 0 : index
    tpu.barrier barrier_id(%barrier3A)
    %scan3A_27 = arith.constant 0 : i32
    %scan3A_28 = arith.constant 0 : i32
    %scan3A_29 = arith.constant 125 : i32
    %scan3A_30 = arith.addi %scan3A_28, %scan3A_29 : i32
    %scan3A_31 = arith.constant 1 : i32
    scf.for %scan3A_53 = %scan3A_28 to %scan3A_30 step %scan3A_31  : i32 {
      %and3A = arith.constant 1 : i32
      %and3A_54 = arith.andi %scan3A_53, %and3A : i32
      %eq3A = arith.constant 0 : i32
      %eq3A_55 = arith.cmpi eq, %and3A_54, %eq3A : i32
      %convert_element_type3A = arith.extui %eq3A_55 : i1 to i32
      %cond3A = arith.constant 0 : i32
      %cond3A_56 = arith.cmpi ne, %convert_element_type3A, %cond3A : i32
      scf.if %cond3A_56 {
        %ge3A = arith.constant 2 : i32
        %ge3A_64 = arith.cmpi sge, %scan3A_53, %ge3A : i32
        %convert_element_type3A_65 = arith.extui %ge3A_64 : i1 to i32
        %cond3A_66 = arith.constant 0 : i32
        %cond3A_67 = arith.cmpi ne, %convert_element_type3A_65, %cond3A_66 : i32
        scf.if %cond3A_67 {
          %dma_wait3A_85 = arith.constant 0 : i32
          %dma_wait3A_86 = arith.constant 0 : i32
          %dma_wait3A_87 = tpu.memref_slice %arg11[%dma_wait3A_85, %dma_wait3A_86] : memref<4x80xi32, #tpu.memory_space<vmem>> -> memref<1x80xi32, #tpu.memory_space<vmem>>
          %dma_wait3A_88 = tpu.memref_squeeze %dma_wait3A_87 : memref<1x80xi32, #tpu.memory_space<vmem>> -> memref<80xi32, #tpu.memory_space<vmem>>
          %dma_wait3A_89 = arith.constant 0 : i32
          %dma_wait3A_90 = arith.constant 0 : i32
          %dma_wait3A_91 = tpu.memref_slice %arg12[%dma_wait3A_89, %dma_wait3A_90] : memref<5120x128xf32, #tpu.memory_space<vmem_shared>> -> memref<5120x128xf32, #tpu.memory_space<vmem_shared>>
          tpu.wait_indirect_dma semaphore(%arg14 : memref<!tpu.dma_semaphore, #tpu.memory_space<semaphore_mem>>) src(%arg8 : memref<80x128xf32, #tpu.memory_space<vmem>>) dst(%dma_wait3A_91 : memref<5120x128xf32, #tpu.memory_space<vmem_shared>>)
        } else {
        }
        %dma_start3A = arith.constant 0 : i32
        %dma_start3A_68 = tpu.memref_slice %arg6[%scan3A_53, %dma_start3A] : memref<125x80xi32, #tpu.memory_space<vmem>> -> memref<1x80xi32, #tpu.memory_space<vmem>>
        %dma_start3A_69 = tpu.memref_squeeze %dma_start3A_68 : memref<1x80xi32, #tpu.memory_space<vmem>> -> memref<80xi32, #tpu.memory_space<vmem>>
        %dma_start3A_70 = arith.constant 0 : i32
        %dma_start3A_71 = arith.constant 0 : i32
        %dma_start3A_72 = tpu.memref_slice %arg2[%dma_start3A_70, %dma_start3A_71] : memref<10000x128xf32, #tpu.memory_space<hbm>> -> memref<10000x128xf32, #tpu.memory_space<hbm>>
        tpu.enqueue_indirect_dma source(%dma_start3A_72 : memref<10000x128xf32, #tpu.memory_space<hbm>>) target(%arg8 : memref<80x128xf32, #tpu.memory_space<vmem>>) offsets(%dma_start3A_69 : memref<80xi32, #tpu.memory_space<vmem>>) semaphore(%arg13 : memref<!tpu.dma_semaphore, #tpu.memory_space<semaphore_mem>>)
        %dma_wait3A_73 = arith.constant 0 : i32
        %dma_wait3A_74 = tpu.memref_slice %arg6[%scan3A_53, %dma_wait3A_73] : memref<125x80xi32, #tpu.memory_space<vmem>> -> memref<1x80xi32, #tpu.memory_space<vmem>>
        %dma_wait3A_75 = tpu.memref_squeeze %dma_wait3A_74 : memref<1x80xi32, #tpu.memory_space<vmem>> -> memref<80xi32, #tpu.memory_space<vmem>>
        %dma_wait3A_76 = arith.constant 0 : i32
        %dma_wait3A_77 = arith.constant 0 : i32
        %dma_wait3A_78 = tpu.memref_slice %arg2[%dma_wait3A_76, %dma_wait3A_77] : memref<10000x128xf32, #tpu.memory_space<hbm>> -> memref<10000x128xf32, #tpu.memory_space<hbm>>
        tpu.wait_indirect_dma semaphore(%arg13 : memref<!tpu.dma_semaphore, #tpu.memory_space<semaphore_mem>>) src(%dma_wait3A_78 : memref<10000x128xf32, #tpu.memory_space<hbm>>) dst(%arg8 : memref<80x128xf32, #tpu.memory_space<vmem>>)
        %dma_start3A_79 = arith.constant 0 : i32
        %dma_start3A_80 = tpu.memref_slice %arg7[%scan3A_53, %dma_start3A_79] : memref<125x80xi32, #tpu.memory_space<vmem>> -> memref<1x80xi32, #tpu.memory_space<vmem>>
        %dma_start3A_81 = tpu.memref_squeeze %dma_start3A_80 : memref<1x80xi32, #tpu.memory_space<vmem>> -> memref<80xi32, #tpu.memory_space<vmem>>
        %dma_start3A_82 = arith.constant 0 : i32
        %dma_start3A_83 = arith.constant 0 : i32
        %dma_start3A_84 = tpu.memref_slice %arg12[%dma_start3A_82, %dma_start3A_83] : memref<5120x128xf32, #tpu.memory_space<vmem_shared>> -> memref<5120x128xf32, #tpu.memory_space<vmem_shared>>
        tpu.enqueue_indirect_dma source(%arg8 : memref<80x128xf32, #tpu.memory_space<vmem>>) target(%dma_start3A_84 : memref<5120x128xf32, #tpu.memory_space<vmem_shared>>) offsets(%dma_start3A_81 : memref<80xi32, #tpu.memory_space<vmem>>) semaphore(%arg14 : memref<!tpu.dma_semaphore, #tpu.memory_space<semaphore_mem>>) {add = true}
      } else {
      }
      %and3A_57 = arith.constant 1 : i32
      %and3A_58 = arith.andi %scan3A_53, %and3A_57 : i32
      %eq3A_59 = arith.constant 1 : i32
      %eq3A_60 = arith.cmpi eq, %and3A_58, %eq3A_59 : i32
      %convert_element_type3A_61 = arith.extui %eq3A_60 : i1 to i32
      %cond3A_62 = arith.constant 0 : i32
      %cond3A_63 = arith.cmpi ne, %convert_element_type3A_61, %cond3A_62 : i32
      scf.if %cond3A_63 {
        %ge3A = arith.constant 2 : i32
        %ge3A_64 = arith.cmpi sge, %scan3A_53, %ge3A : i32
        %convert_element_type3A_65 = arith.extui %ge3A_64 : i1 to i32
        %cond3A_66 = arith.constant 0 : i32
        %cond3A_67 = arith.cmpi ne, %convert_element_type3A_65, %cond3A_66 : i32
        scf.if %cond3A_67 {
          %dma_wait3A_85 = arith.constant 0 : i32
          %dma_wait3A_86 = arith.constant 0 : i32
          %dma_wait3A_87 = tpu.memref_slice %arg11[%dma_wait3A_85, %dma_wait3A_86] : memref<4x80xi32, #tpu.memory_space<vmem>> -> memref<1x80xi32, #tpu.memory_space<vmem>>
          %dma_wait3A_88 = tpu.memref_squeeze %dma_wait3A_87 : memref<1x80xi32, #tpu.memory_space<vmem>> -> memref<80xi32, #tpu.memory_space<vmem>>
          %dma_wait3A_89 = arith.constant 0 : i32
          %dma_wait3A_90 = arith.constant 0 : i32
          %dma_wait3A_91 = tpu.memref_slice %arg12[%dma_wait3A_89, %dma_wait3A_90] : memref<5120x128xf32, #tpu.memory_space<vmem_shared>> -> memref<5120x128xf32, #tpu.memory_space<vmem_shared>>
          tpu.wait_indirect_dma semaphore(%arg15 : memref<!tpu.dma_semaphore, #tpu.memory_space<semaphore_mem>>) src(%arg9 : memref<80x128xf32, #tpu.memory_space<vmem>>) dst(%dma_wait3A_91 : memref<5120x128xf32, #tpu.memory_space<vmem_shared>>)
        } else {
        }
        %dma_start3A = arith.constant 0 : i32
        %dma_start3A_68 = tpu.memref_slice %arg6[%scan3A_53, %dma_start3A] : memref<125x80xi32, #tpu.memory_space<vmem>> -> memref<1x80xi32, #tpu.memory_space<vmem>>
        %dma_start3A_69 = tpu.memref_squeeze %dma_start3A_68 : memref<1x80xi32, #tpu.memory_space<vmem>> -> memref<80xi32, #tpu.memory_space<vmem>>
        %dma_start3A_70 = arith.constant 0 : i32
        %dma_start3A_71 = arith.constant 0 : i32
        %dma_start3A_72 = tpu.memref_slice %arg2[%dma_start3A_70, %dma_start3A_71] : memref<10000x128xf32, #tpu.memory_space<hbm>> -> memref<10000x128xf32, #tpu.memory_space<hbm>>
        tpu.enqueue_indirect_dma source(%dma_start3A_72 : memref<10000x128xf32, #tpu.memory_space<hbm>>) target(%arg9 : memref<80x128xf32, #tpu.memory_space<vmem>>) offsets(%dma_start3A_69 : memref<80xi32, #tpu.memory_space<vmem>>) semaphore(%arg13 : memref<!tpu.dma_semaphore, #tpu.memory_space<semaphore_mem>>)
        %dma_wait3A_73 = arith.constant 0 : i32
        %dma_wait3A_74 = tpu.memref_slice %arg6[%scan3A_53, %dma_wait3A_73] : memref<125x80xi32, #tpu.memory_space<vmem>> -> memref<1x80xi32, #tpu.memory_space<vmem>>
        %dma_wait3A_75 = tpu.memref_squeeze %dma_wait3A_74 : memref<1x80xi32, #tpu.memory_space<vmem>> -> memref<80xi32, #tpu.memory_space<vmem>>
        %dma_wait3A_76 = arith.constant 0 : i32
        %dma_wait3A_77 = arith.constant 0 : i32
        %dma_wait3A_78 = tpu.memref_slice %arg2[%dma_wait3A_76, %dma_wait3A_77] : memref<10000x128xf32, #tpu.memory_space<hbm>> -> memref<10000x128xf32, #tpu.memory_space<hbm>>
        tpu.wait_indirect_dma semaphore(%arg13 : memref<!tpu.dma_semaphore, #tpu.memory_space<semaphore_mem>>) src(%dma_wait3A_78 : memref<10000x128xf32, #tpu.memory_space<hbm>>) dst(%arg9 : memref<80x128xf32, #tpu.memory_space<vmem>>)
        %dma_start3A_79 = arith.constant 0 : i32
        %dma_start3A_80 = tpu.memref_slice %arg7[%scan3A_53, %dma_start3A_79] : memref<125x80xi32, #tpu.memory_space<vmem>> -> memref<1x80xi32, #tpu.memory_space<vmem>>
        %dma_start3A_81 = tpu.memref_squeeze %dma_start3A_80 : memref<1x80xi32, #tpu.memory_space<vmem>> -> memref<80xi32, #tpu.memory_space<vmem>>
        %dma_start3A_82 = arith.constant 0 : i32
        %dma_start3A_83 = arith.constant 0 : i32
        %dma_start3A_84 = tpu.memref_slice %arg12[%dma_start3A_82, %dma_start3A_83] : memref<5120x128xf32, #tpu.memory_space<vmem_shared>> -> memref<5120x128xf32, #tpu.memory_space<vmem_shared>>
        tpu.enqueue_indirect_dma source(%arg9 : memref<80x128xf32, #tpu.memory_space<vmem>>) target(%dma_start3A_84 : memref<5120x128xf32, #tpu.memory_space<vmem_shared>>) offsets(%dma_start3A_81 : memref<80xi32, #tpu.memory_space<vmem>>) semaphore(%arg15 : memref<!tpu.dma_semaphore, #tpu.memory_space<semaphore_mem>>) {add = true}
      } else {
      }
    }
    %scan3A_32 = arith.constant 125 : i32
    %dma_wait3A = arith.constant 0 : i32
    %dma_wait3A_33 = arith.constant 0 : i32
    %dma_wait3A_34 = tpu.memref_slice %arg11[%dma_wait3A, %dma_wait3A_33] : memref<4x80xi32, #tpu.memory_space<vmem>> -> memref<1x80xi32, #tpu.memory_space<vmem>>
    %dma_wait3A_35 = tpu.memref_squeeze %dma_wait3A_34 : memref<1x80xi32, #tpu.memory_space<vmem>> -> memref<80xi32, #tpu.memory_space<vmem>>
    %dma_wait3A_36 = arith.constant 0 : i32
    %dma_wait3A_37 = arith.constant 0 : i32
    %dma_wait3A_38 = tpu.memref_slice %arg12[%dma_wait3A_36, %dma_wait3A_37] : memref<5120x128xf32, #tpu.memory_space<vmem_shared>> -> memref<5120x128xf32, #tpu.memory_space<vmem_shared>>
    tpu.wait_indirect_dma semaphore(%arg14 : memref<!tpu.dma_semaphore, #tpu.memory_space<semaphore_mem>>) src(%arg8 : memref<80x128xf32, #tpu.memory_space<vmem>>) dst(%dma_wait3A_38 : memref<5120x128xf32, #tpu.memory_space<vmem_shared>>)
    %dma_wait3A_39 = arith.constant 0 : i32
    %dma_wait3A_40 = arith.constant 0 : i32
    %dma_wait3A_41 = tpu.memref_slice %arg11[%dma_wait3A_39, %dma_wait3A_40] : memref<4x80xi32, #tpu.memory_space<vmem>> -> memref<1x80xi32, #tpu.memory_space<vmem>>
    %dma_wait3A_42 = tpu.memref_squeeze %dma_wait3A_41 : memref<1x80xi32, #tpu.memory_space<vmem>> -> memref<80xi32, #tpu.memory_space<vmem>>
    %dma_wait3A_43 = arith.constant 0 : i32
    %dma_wait3A_44 = arith.constant 0 : i32
    %dma_wait3A_45 = tpu.memref_slice %arg12[%dma_wait3A_43, %dma_wait3A_44] : memref<5120x128xf32, #tpu.memory_space<vmem_shared>> -> memref<5120x128xf32, #tpu.memory_space<vmem_shared>>
    tpu.wait_indirect_dma semaphore(%arg15 : memref<!tpu.dma_semaphore, #tpu.memory_space<semaphore_mem>>) src(%arg9 : memref<80x128xf32, #tpu.memory_space<vmem>>) dst(%dma_wait3A_45 : memref<5120x128xf32, #tpu.memory_space<vmem_shared>>)
    %barrier3A_46 = arith.constant 0 : index
    tpu.barrier barrier_id(%barrier3A_46)
    %scan3A_47 = arith.constant 0 : i32
    %scan3A_48 = arith.constant 0 : i32
    %scan3A_49 = arith.constant 4 : i32
    %scan3A_50 = arith.addi %scan3A_48, %scan3A_49 : i32
    %scan3A_51 = arith.constant 1 : i32
    scf.for %scan3A_53 = %scan3A_48 to %scan3A_50 step %scan3A_51  : i32 {
      "tpu.region"() ({
        %run_scoped3A = tpu.sem_alloc : memref<!tpu.dma_semaphore, #tpu.memory_space<semaphore_mem>>
        %dma_start3A = arith.constant 0 : i32
        %dma_start3A_57 = tpu.memref_slice %arg11[%scan3A_53, %dma_start3A] : memref<4x80xi32, #tpu.memory_space<vmem>> -> memref<1x80xi32, #tpu.memory_space<vmem>>
        %dma_start3A_58 = tpu.memref_squeeze %dma_start3A_57 : memref<1x80xi32, #tpu.memory_space<vmem>> -> memref<80xi32, #tpu.memory_space<vmem>>
        %dma_start3A_59 = arith.constant 0 : i32
        %dma_start3A_60 = arith.constant 0 : i32
        %dma_start3A_61 = tpu.memref_slice %arg12[%dma_start3A_59, %dma_start3A_60] : memref<5120x128xf32, #tpu.memory_space<vmem_shared>> -> memref<5120x128xf32, #tpu.memory_space<vmem_shared>>
        tpu.enqueue_indirect_dma source(%dma_start3A_61 : memref<5120x128xf32, #tpu.memory_space<vmem_shared>>) target(%arg10 : memref<80x128xf32, #tpu.memory_space<vmem>>) offsets(%dma_start3A_58 : memref<80xi32, #tpu.memory_space<vmem>>) semaphore(%run_scoped3A : memref<!tpu.dma_semaphore, #tpu.memory_space<semaphore_mem>>)
        %dma_wait3A_62 = arith.constant 0 : i32
        %dma_wait3A_63 = tpu.memref_slice %arg11[%scan3A_53, %dma_wait3A_62] : memref<4x80xi32, #tpu.memory_space<vmem>> -> memref<1x80xi32, #tpu.memory_space<vmem>>
        %dma_wait3A_64 = tpu.memref_squeeze %dma_wait3A_63 : memref<1x80xi32, #tpu.memory_space<vmem>> -> memref<80xi32, #tpu.memory_space<vmem>>
        %dma_wait3A_65 = arith.constant 0 : i32
        %dma_wait3A_66 = arith.constant 0 : i32
        %dma_wait3A_67 = tpu.memref_slice %arg12[%dma_wait3A_65, %dma_wait3A_66] : memref<5120x128xf32, #tpu.memory_space<vmem_shared>> -> memref<5120x128xf32, #tpu.memory_space<vmem_shared>>
        tpu.wait_indirect_dma semaphore(%run_scoped3A : memref<!tpu.dma_semaphore, #tpu.memory_space<semaphore_mem>>) src(%dma_wait3A_67 : memref<5120x128xf32, #tpu.memory_space<vmem_shared>>) dst(%arg10 : memref<80x128xf32, #tpu.memory_space<vmem>>)
        tpu.yield
      }) : () -> ()
      %mul3A_54 = arith.constant 4 : i32
      %mul3A_55 = arith.muli %add3A, %mul3A_54 : i32
      %add3A_56 = arith.addi %mul3A_55, %scan3A_53 : i32
      "tpu.region"() ({
        %run_scoped3A = tpu.sem_alloc : memref<!tpu.dma_semaphore, #tpu.memory_space<semaphore_mem>>
        %dma_start3A = arith.constant 0 : i32
        %dma_start3A_57 = arith.constant 0 : i32
        %dma_start3A_58 = tpu.memref_slice %arg5[%add3A_56, %dma_start3A, %dma_start3A_57] : memref<128x80x128xf32, #tpu.memory_space<hbm>> -> memref<1x80x128xf32, #tpu.memory_space<hbm>>
        %dma_start3A_59 = tpu.memref_squeeze %dma_start3A_58 : memref<1x80x128xf32, #tpu.memory_space<hbm>> -> memref<80x128xf32, #tpu.memory_space<hbm>>
        %dma_start3A_60 = arith.constant 0 : i32
        %dma_start3A_61 = arith.constant 0 : i32
        %dma_start3A_62 = tpu.memref_slice %arg5[%add3A_56, %dma_start3A_60, %dma_start3A_61] : memref<128x80x128xf32, #tpu.memory_space<hbm>> -> memref<1x80x128xf32, #tpu.memory_space<hbm>>
        %dma_start3A_63 = tpu.memref_squeeze %dma_start3A_62 : memref<1x80x128xf32, #tpu.memory_space<hbm>> -> memref<80x128xf32, #tpu.memory_space<hbm>>
        tpu.enqueue_dma source(%arg10 : memref<80x128xf32, #tpu.memory_space<vmem>>) target(%dma_start3A_63 : memref<80x128xf32, #tpu.memory_space<hbm>>) target_semaphore(%run_scoped3A : memref<!tpu.dma_semaphore, #tpu.memory_space<semaphore_mem>>)
        %dma_wait3A_64 = arith.constant 0 : i32
        %dma_wait3A_65 = arith.constant 0 : i32
        %dma_wait3A_66 = tpu.memref_slice %arg5[%add3A_56, %dma_wait3A_64, %dma_wait3A_65] : memref<128x80x128xf32, #tpu.memory_space<hbm>> -> memref<1x80x128xf32, #tpu.memory_space<hbm>>
        %dma_wait3A_67 = tpu.memref_squeeze %dma_wait3A_66 : memref<1x80x128xf32, #tpu.memory_space<hbm>> -> memref<80x128xf32, #tpu.memory_space<hbm>>
        %dma_wait3A_68 = arith.constant 0 : i32
        %dma_wait3A_69 = arith.constant 0 : i32
        %dma_wait3A_70 = tpu.memref_slice %arg5[%add3A_56, %dma_wait3A_68, %dma_wait3A_69] : memref<128x80x128xf32, #tpu.memory_space<hbm>> -> memref<1x80x128xf32, #tpu.memory_space<hbm>>
        %dma_wait3A_71 = tpu.memref_squeeze %dma_wait3A_70 : memref<1x80x128xf32, #tpu.memory_space<hbm>> -> memref<80x128xf32, #tpu.memory_space<hbm>>
        tpu.wait_dma2 semaphore(%run_scoped3A : memref<!tpu.dma_semaphore, #tpu.memory_space<semaphore_mem>>) src(%arg10 : memref<80x128xf32, #tpu.memory_space<vmem>>) dst(%dma_wait3A_71 : memref<80x128xf32, #tpu.memory_space<hbm>>)
        tpu.yield
      }) : () -> ()
    }
    %scan3A_52 = arith.constant 4 : i32
    return
  }
}

#map = affine_map<(d0, d1) -> (0, 0)>
#map1 = affine_map<(d0, d1) -> (0, 0, 0)>
module attributes {stable_mosaic.version = 14 : i64} {
  func.func @pool(%arg0: i32, %arg1: i32, %arg2: memref<10000x128xf32, #tpu.memory_space<hbm>>, %arg3: memref<32x125x80xi32, #tpu.memory_space<hbm>>, %arg4: memref<32x125x80xi32, #tpu.memory_space<hbm>>, %arg5: memref<128x80x128xf32, #tpu.memory_space<hbm>>, %arg6: memref<125x80xi32, #tpu.memory_space<vmem>>, %arg7: memref<125x80xi32, #tpu.memory_space<vmem>>, %arg8: memref<80x128xf32, #tpu.memory_space<vmem>>, %arg9: memref<80x128xf32, #tpu.memory_space<vmem>>, %arg10: memref<80x128xf32, #tpu.memory_space<vmem>>, %arg11: memref<4x80xi32, #tpu.memory_space<vmem>>, %arg12: memref<5120x128xf32, #tpu.memory_space<vmem_shared>>, %arg13: memref<!tpu.dma_semaphore, #tpu.memory_space<semaphore_mem>>, %arg14: memref<!tpu.dma_semaphore, #tpu.memory_space<semaphore_mem>>, %arg15: memref<!tpu.dma_semaphore, #tpu.memory_space<semaphore_mem>>) attributes {dimension_semantics = [#tpu.dimension_semantics<core_parallel>, #tpu.dimension_semantics<subcore_parallel>], iteration_bounds = array<i64: 2, 16>, scalar_prefetch = 0 : i64, scratch_operands = 10 : i64, tpu.core_type = #tpu.core_type<sc_vector_subcore>, window_params = [{transform_indices = #map}, {transform_indices = #map1}, {transform_indices = #map1}, {transform_indices = #map1}]} {
    %mul3A = arith.constant 16 : i32
    %mul3A_0 = arith.muli %arg0, %mul3A : i32
    %add3A = arith.addi %mul3A_0, %arg1 : i32
    "tpu.region"() ({
      %run_scoped3A = tpu.sem_alloc : memref<!tpu.dma_semaphore, #tpu.memory_space<semaphore_mem>>
      %dma_start3A = arith.constant 0 : i32
      %dma_start3A_53 = arith.constant 0 : i32
      %dma_start3A_54 = tpu.memref_slice %arg3[%add3A, %dma_start3A, %dma_start3A_53] : memref<32x125x80xi32, #tpu.memory_space<hbm>> -> memref<1x125x80xi32, #tpu.memory_space<hbm>>
      %dma_start3A_55 = tpu.memref_squeeze %dma_start3A_54 : memref<1x125x80xi32, #tpu.memory_space<hbm>> -> memref<125x80xi32, #tpu.memory_space<hbm>>
      %dma_start3A_56 = arith.constant 0 : i32
      %dma_start3A_57 = arith.constant 0 : i32
      %dma_start3A_58 = tpu.memref_slice %arg3[%add3A, %dma_start3A_56, %dma_start3A_57] : memref<32x125x80xi32, #tpu.memory_space<hbm>> -> memref<1x125x80xi32, #tpu.memory_space<hbm>>
      %dma_start3A_59 = tpu.memref_squeeze %dma_start3A_58 : memref<1x125x80xi32, #tpu.memory_space<hbm>> -> memref<125x80xi32, #tpu.memory_space<hbm>>
      tpu.enqueue_dma source(%dma_start3A_59 : memref<125x80xi32, #tpu.memory_space<hbm>>) target(%arg6 : memref<125x80xi32, #tpu.memory_space<vmem>>) target_semaphore(%run_scoped3A : memref<!tpu.dma_semaphore, #tpu.memory_space<semaphore_mem>>)
      %dma_wait3A_60 = arith.constant 0 : i32
      %dma_wait3A_61 = arith.constant 0 : i32
      %dma_wait3A_62 = tpu.memref_slice %arg3[%add3A, %dma_wait3A_60, %dma_wait3A_61] : memref<32x125x80xi32, #tpu.memory_space<hbm>> -> memref<1x125x80xi32, #tpu.memory_space<hbm>>
      %dma_wait3A_63 = tpu.memref_squeeze %dma_wait3A_62 : memref<1x125x80xi32, #tpu.memory_space<hbm>> -> memref<125x80xi32, #tpu.memory_space<hbm>>
      %dma_wait3A_64 = arith.constant 0 : i32
      %dma_wait3A_65 = arith.constant 0 : i32
      %dma_wait3A_66 = tpu.memref_slice %arg3[%add3A, %dma_wait3A_64, %dma_wait3A_65] : memref<32x125x80xi32, #tpu.memory_space<hbm>> -> memref<1x125x80xi32, #tpu.memory_space<hbm>>
      %dma_wait3A_67 = tpu.memref_squeeze %dma_wait3A_66 : memref<1x125x80xi32, #tpu.memory_space<hbm>> -> memref<125x80xi32, #tpu.memory_space<hbm>>
      tpu.wait_dma2 semaphore(%run_scoped3A : memref<!tpu.dma_semaphore, #tpu.memory_space<semaphore_mem>>) src(%dma_wait3A_67 : memref<125x80xi32, #tpu.memory_space<hbm>>) dst(%arg6 : memref<125x80xi32, #tpu.memory_space<vmem>>)
      tpu.yield
    }) : () -> ()
    "tpu.region"() ({
      %run_scoped3A = tpu.sem_alloc : memref<!tpu.dma_semaphore, #tpu.memory_space<semaphore_mem>>
      %dma_start3A = arith.constant 0 : i32
      %dma_start3A_53 = arith.constant 0 : i32
      %dma_start3A_54 = tpu.memref_slice %arg4[%add3A, %dma_start3A, %dma_start3A_53] : memref<32x125x80xi32, #tpu.memory_space<hbm>> -> memref<1x125x80xi32, #tpu.memory_space<hbm>>
      %dma_start3A_55 = tpu.memref_squeeze %dma_start3A_54 : memref<1x125x80xi32, #tpu.memory_space<hbm>> -> memref<125x80xi32, #tpu.memory_space<hbm>>
      %dma_start3A_56 = arith.constant 0 : i32
      %dma_start3A_57 = arith.constant 0 : i32
      %dma_start3A_58 = tpu.memref_slice %arg4[%add3A, %dma_start3A_56, %dma_start3A_57] : memref<32x125x80xi32, #tpu.memory_space<hbm>> -> memref<1x125x80xi32, #tpu.memory_space<hbm>>
      %dma_start3A_59 = tpu.memref_squeeze %dma_start3A_58 : memref<1x125x80xi32, #tpu.memory_space<hbm>> -> memref<125x80xi32, #tpu.memory_space<hbm>>
      tpu.enqueue_dma source(%dma_start3A_59 : memref<125x80xi32, #tpu.memory_space<hbm>>) target(%arg7 : memref<125x80xi32, #tpu.memory_space<vmem>>) target_semaphore(%run_scoped3A : memref<!tpu.dma_semaphore, #tpu.memory_space<semaphore_mem>>)
      %dma_wait3A_60 = arith.constant 0 : i32
      %dma_wait3A_61 = arith.constant 0 : i32
      %dma_wait3A_62 = tpu.memref_slice %arg4[%add3A, %dma_wait3A_60, %dma_wait3A_61] : memref<32x125x80xi32, #tpu.memory_space<hbm>> -> memref<1x125x80xi32, #tpu.memory_space<hbm>>
      %dma_wait3A_63 = tpu.memref_squeeze %dma_wait3A_62 : memref<1x125x80xi32, #tpu.memory_space<hbm>> -> memref<125x80xi32, #tpu.memory_space<hbm>>
      %dma_wait3A_64 = arith.constant 0 : i32
      %dma_wait3A_65 = arith.constant 0 : i32
      %dma_wait3A_66 = tpu.memref_slice %arg4[%add3A, %dma_wait3A_64, %dma_wait3A_65] : memref<32x125x80xi32, #tpu.memory_space<hbm>> -> memref<1x125x80xi32, #tpu.memory_space<hbm>>
      %dma_wait3A_67 = tpu.memref_squeeze %dma_wait3A_66 : memref<1x125x80xi32, #tpu.memory_space<hbm>> -> memref<125x80xi32, #tpu.memory_space<hbm>>
      tpu.wait_dma2 semaphore(%run_scoped3A : memref<!tpu.dma_semaphore, #tpu.memory_space<semaphore_mem>>) src(%dma_wait3A_67 : memref<125x80xi32, #tpu.memory_space<hbm>>) dst(%arg7 : memref<125x80xi32, #tpu.memory_space<vmem>>)
      tpu.yield
    }) : () -> ()
    %broadcast_in_dim3A = arith.constant 0.000000e+00 : f32
    %broadcast_in_dim3A_1 = vector.broadcast %broadcast_in_dim3A : f32 to vector<16xf32>
    %scan3A = arith.constant 0 : i32
    %scan3A_2 = arith.constant 0 : i32
    %scan3A_3 = arith.constant 625 : i32
    %scan3A_4 = arith.addi %scan3A_2, %scan3A_3 : i32
    %scan3A_5 = arith.constant 1 : i32
    scf.for %scan3A_53 = %scan3A_2 to %scan3A_4 step %scan3A_5  : i32 {
      %jit3A = arith.constant 5 : i32
      %div3A = arith.divsi %scan3A_53, %jit3A : i32
      %sign3A = arith.constant 0 : i32
      %sign3A_54 = arith.cmpi sgt, %scan3A_53, %sign3A : i32
      %sign3A_55 = arith.extui %sign3A_54 : i1 to i32
      %sign3A_56 = arith.constant 0 : i32
      %sign3A_57 = arith.cmpi slt, %scan3A_53, %sign3A_56 : i32
      %sign3A_58 = arith.extui %sign3A_57 : i1 to i32
      %sign3A_59 = arith.subi %sign3A_55, %sign3A_58 : i32
      %sign3A_60 = arith.constant 0 : i32
      %sign3A_61 = arith.cmpi sgt, %jit3A, %sign3A_60 : i32
      %sign3A_62 = arith.extui %sign3A_61 : i1 to i32
      %sign3A_63 = arith.constant 0 : i32
      %sign3A_64 = arith.cmpi slt, %jit3A, %sign3A_63 : i32
      %sign3A_65 = arith.extui %sign3A_64 : i1 to i32
      %sign3A_66 = arith.subi %sign3A_62, %sign3A_65 : i32
      %ne3A = arith.cmpi ne, %sign3A_59, %sign3A_66 : i32
      %rem3A = arith.remsi %scan3A_53, %jit3A : i32
      %ne3A_67 = arith.constant 0 : i32
      %ne3A_68 = arith.cmpi ne, %rem3A, %ne3A_67 : i32
      %and3A = arith.andi %ne3A, %ne3A_68 : i1
      %sub3A = arith.constant 1 : i32
      %sub3A_69 = arith.subi %div3A, %sub3A : i32
      %select_n3A = arith.select %and3A, %sub3A_69, %div3A : i32
      %jit3A_70 = arith.constant 5 : i32
      %eq3A = arith.constant 0 : i32
      %eq3A_71 = arith.cmpi eq, %jit3A_70, %eq3A : i32
      %jit3A_72 = arith.constant 1 : i32
      %select_n3A_73 = arith.select %eq3A_71, %jit3A_72, %jit3A_70 : i32
      %rem3A_74 = arith.remsi %scan3A_53, %select_n3A_73 : i32
      %ne3A_75 = arith.constant 0 : i32
      %ne3A_76 = arith.cmpi ne, %rem3A_74, %ne3A_75 : i32
      %lt3A = arith.constant 0 : i32
      %lt3A_77 = arith.cmpi slt, %rem3A_74, %lt3A : i32
      %lt3A_78 = arith.constant 0 : i32
      %lt3A_79 = arith.cmpi slt, %select_n3A_73, %lt3A_78 : i32
      %ne3A_80 = arith.xori %lt3A_77, %lt3A_79 : i1
      %and3A_81 = arith.andi %ne3A_80, %ne3A_76 : i1
      %add3A_82 = arith.addi %rem3A_74, %select_n3A_73 : i32
      %select_n3A_83 = arith.select %and3A_81, %add3A_82, %rem3A_74 : i32
      %mul3A_84 = arith.constant 16 : i32
      %mul3A_85 = arith.muli %select_n3A_83, %mul3A_84 : i32
      %get3A = arith.index_cast %select_n3A : i32 to index
      %get3A_86 = arith.index_cast %mul3A_85 : i32 to index
      %get3A_87 = tpu.vector_load %arg7[%get3A, %get3A_86] {strides = array<i32>} : memref<125x80xi32, #tpu.memory_space<vmem>>, vector<1x16xi32>,
      %get3A_88 = vector.shape_cast %get3A_87 : vector<1x16xi32> to vector<16xi32>
      %sub3A_89 = arith.constant 5000 : i32
      %sub3A_90 = vector.broadcast %sub3A_89 : i32 to vector<16xi32>
      %sub3A_91 = arith.subi %get3A_88, %sub3A_90 : vector<16xi32>
      %ge3A = arith.constant 0 : i32
      %ge3A_92 = vector.broadcast %ge3A : i32 to vector<16xi32>
      %ge3A_93 = arith.cmpi sge, %sub3A_91, %ge3A_92 : vector<16xi32>
      %lt3A_94 = arith.constant 5000 : i32
      %lt3A_95 = vector.broadcast %lt3A_94 : i32 to vector<16xi32>
      %lt3A_96 = arith.cmpi slt, %sub3A_91, %lt3A_95 : vector<16xi32>
      %and3A_97 = arith.andi %ge3A_93, %lt3A_96 : vector<16xi1>
      %and3A_98 = arith.constant 63 : i32
      %and3A_99 = vector.broadcast %and3A_98 : i32 to vector<16xi32>
      %and3A_100 = arith.andi %get3A_88, %and3A_99 : vector<16xi32>
      %add3A_101 = arith.constant 5000 : i32
      %add3A_102 = vector.broadcast %add3A_101 : i32 to vector<16xi32>
      %add3A_103 = arith.addi %add3A_102, %and3A_100 : vector<16xi32>
      %select_n3A_104 = arith.select %and3A_97, %sub3A_91, %add3A_103 : vector<16xi1>, vector<16xi32>
      %swap3A = arith.index_cast %select_n3A : i32 to index
      %swap3A_105 = arith.index_cast %mul3A_85 : i32 to index
      %swap3A_106 = tpu.vector_load %arg7[%swap3A, %swap3A_105] {strides = array<i32>} : memref<125x80xi32, #tpu.memory_space<vmem>>, vector<1x16xi32>,
      %swap3A_107 = vector.shape_cast %swap3A_106 : vector<1x16xi32> to vector<16xi32>
      %swap3A_108 = vector.shape_cast %select_n3A_104 : vector<16xi32> to vector<1x16xi32>
      tpu.vector_store %arg7[%swap3A, %swap3A_105], %swap3A_108 {strides = array<i32>} : memref<125x80xi32, #tpu.memory_space<vmem>>, vector<1x16xi32>,
    }
    %scan3A_6 = arith.constant 625 : i32
    %scan3A_7 = arith.constant 0 : i32
    %scan3A_8 = arith.constant 0 : i32
    %scan3A_9 = arith.constant 80 : i32
    %scan3A_10 = arith.addi %scan3A_8, %scan3A_9 : i32
    %scan3A_11 = arith.constant 1 : i32
    scf.for %scan3A_53 = %scan3A_8 to %scan3A_10 step %scan3A_11  : i32 {
      %scan3A_54 = arith.constant 0 : i32
      %scan3A_55 = arith.constant 0 : i32
      %scan3A_56 = arith.constant 8 : i32
      %scan3A_57 = arith.addi %scan3A_55, %scan3A_56 : i32
      %scan3A_58 = arith.constant 1 : i32
      scf.for %scan3A_60 = %scan3A_55 to %scan3A_57 step %scan3A_58  : i32 {
        %mul3A_61 = arith.constant 16 : i32
        %mul3A_62 = arith.muli %scan3A_60, %mul3A_61 : i32
        %swap3A = arith.index_cast %scan3A_53 : i32 to index
        %swap3A_63 = arith.index_cast %mul3A_62 : i32 to index
        %swap3A_64 = tpu.vector_load %arg10[%swap3A, %swap3A_63] {strides = array<i32>} : memref<80x128xf32, #tpu.memory_space<vmem>>, vector<1x16xf32>,
        %swap3A_65 = vector.shape_cast %swap3A_64 : vector<1x16xf32> to vector<16xf32>
        %swap3A_66 = vector.shape_cast %broadcast_in_dim3A_1 : vector<16xf32> to vector<1x16xf32>
        tpu.vector_store %arg10[%swap3A, %swap3A_63], %swap3A_66 {strides = array<i32>} : memref<80x128xf32, #tpu.memory_space<vmem>>, vector<1x16xf32>,
      }
      %scan3A_59 = arith.constant 8 : i32
    }
    %scan3A_12 = arith.constant 80 : i32
    %mul3A_13 = arith.constant 320 : i32
    %mul3A_14 = arith.muli %arg1, %mul3A_13 : i32
    %iota3A = tpu.iota {dimensions = array<i32: 0>} : vector<16xi32>
    %scan3A_15 = arith.constant 0 : i32
    %scan3A_16 = arith.constant 0 : i32
    %scan3A_17 = arith.constant 20 : i32
    %scan3A_18 = arith.addi %scan3A_16, %scan3A_17 : i32
    %scan3A_19 = arith.constant 1 : i32
    scf.for %scan3A_53 = %scan3A_16 to %scan3A_18 step %scan3A_19  : i32 {
      %jit3A = arith.constant 5 : i32
      %div3A = arith.divsi %scan3A_53, %jit3A : i32
      %sign3A = arith.constant 0 : i32
      %sign3A_54 = arith.cmpi sgt, %scan3A_53, %sign3A : i32
      %sign3A_55 = arith.extui %sign3A_54 : i1 to i32
      %sign3A_56 = arith.constant 0 : i32
      %sign3A_57 = arith.cmpi slt, %scan3A_53, %sign3A_56 : i32
      %sign3A_58 = arith.extui %sign3A_57 : i1 to i32
      %sign3A_59 = arith.subi %sign3A_55, %sign3A_58 : i32
      %sign3A_60 = arith.constant 0 : i32
      %sign3A_61 = arith.cmpi sgt, %jit3A, %sign3A_60 : i32
      %sign3A_62 = arith.extui %sign3A_61 : i1 to i32
      %sign3A_63 = arith.constant 0 : i32
      %sign3A_64 = arith.cmpi slt, %jit3A, %sign3A_63 : i32
      %sign3A_65 = arith.extui %sign3A_64 : i1 to i32
      %sign3A_66 = arith.subi %sign3A_62, %sign3A_65 : i32
      %ne3A = arith.cmpi ne, %sign3A_59, %sign3A_66 : i32
      %rem3A = arith.remsi %scan3A_53, %jit3A : i32
      %ne3A_67 = arith.constant 0 : i32
      %ne3A_68 = arith.cmpi ne, %rem3A, %ne3A_67 : i32
      %and3A = arith.andi %ne3A, %ne3A_68 : i1
      %sub3A = arith.constant 1 : i32
      %sub3A_69 = arith.subi %div3A, %sub3A : i32
      %select_n3A = arith.select %and3A, %sub3A_69, %div3A : i32
      %jit3A_70 = arith.constant 5 : i32
      %eq3A = arith.constant 0 : i32
      %eq3A_71 = arith.cmpi eq, %jit3A_70, %eq3A : i32
      %jit3A_72 = arith.constant 1 : i32
      %select_n3A_73 = arith.select %eq3A_71, %jit3A_72, %jit3A_70 : i32
      %rem3A_74 = arith.remsi %scan3A_53, %select_n3A_73 : i32
      %ne3A_75 = arith.constant 0 : i32
      %ne3A_76 = arith.cmpi ne, %rem3A_74, %ne3A_75 : i32
      %lt3A = arith.constant 0 : i32
      %lt3A_77 = arith.cmpi slt, %rem3A_74, %lt3A : i32
      %lt3A_78 = arith.constant 0 : i32
      %lt3A_79 = arith.cmpi slt, %select_n3A_73, %lt3A_78 : i32
      %ne3A_80 = arith.xori %lt3A_77, %lt3A_79 : i1
      %and3A_81 = arith.andi %ne3A_80, %ne3A_76 : i1
      %add3A_82 = arith.addi %rem3A_74, %select_n3A_73 : i32
      %select_n3A_83 = arith.select %and3A_81, %add3A_82, %rem3A_74 : i32
      %mul3A_84 = arith.constant 80 : i32
      %mul3A_85 = arith.muli %select_n3A, %mul3A_84 : i32
      %add3A_86 = arith.addi %mul3A_14, %mul3A_85 : i32
      %mul3A_87 = arith.constant 16 : i32
      %mul3A_88 = arith.muli %select_n3A_83, %mul3A_87 : i32
      %add3A_89 = arith.addi %add3A_86, %mul3A_88 : i32
      %add3A_90 = vector.broadcast %add3A_89 : i32 to vector<16xi32>
      %add3A_91 = arith.addi %add3A_90, %iota3A : vector<16xi32>
      %mul3A_92 = arith.constant 16 : i32
      %mul3A_93 = arith.muli %select_n3A_83, %mul3A_92 : i32
      %swap3A = arith.index_cast %select_n3A : i32 to index
      %swap3A_94 = arith.index_cast %mul3A_93 : i32 to index
      %swap3A_95 = tpu.vector_load %arg11[%swap3A, %swap3A_94] {strides = array<i32>} : memref<4x80xi32, #tpu.memory_space<vmem>>, vector<1x16xi32>,
      %swap3A_96 = vector.shape_cast %swap3A_95 : vector<1x16xi32> to vector<16xi32>
      %swap3A_97 = vector.shape_cast %add3A_91 : vector<16xi32> to vector<1x16xi32>
      tpu.vector_store %arg11[%swap3A, %swap3A_94], %swap3A_97 {strides = array<i32>} : memref<4x80xi32, #tpu.memory_space<vmem>>, vector<1x16xi32>,
    }
    %scan3A_20 = arith.constant 20 : i32
    %scan3A_21 = arith.constant 0 : i32
    %scan3A_22 = arith.constant 0 : i32
    %scan3A_23 = arith.constant 4 : i32
    %scan3A_24 = arith.addi %scan3A_22, %scan3A_23 : i32
    %scan3A_25 = arith.constant 1 : i32
    scf.for %scan3A_53 = %scan3A_22 to %scan3A_24 step %scan3A_25  : i32 {
      "tpu.region"() ({
        %run_scoped3A = tpu.sem_alloc : memref<!tpu.dma_semaphore, #tpu.memory_space<semaphore_mem>>
        %dma_start3A = arith.constant 0 : i32
        %dma_start3A_54 = tpu.memref_slice %arg11[%scan3A_53, %dma_start3A] : memref<4x80xi32, #tpu.memory_space<vmem>> -> memref<1x80xi32, #tpu.memory_space<vmem>>
        %dma_start3A_55 = tpu.memref_squeeze %dma_start3A_54 : memref<1x80xi32, #tpu.memory_space<vmem>> -> memref<80xi32, #tpu.memory_space<vmem>>
        %dma_start3A_56 = arith.constant 0 : i32
        %dma_start3A_57 = arith.constant 0 : i32
        %dma_start3A_58 = tpu.memref_slice %arg12[%dma_start3A_56, %dma_start3A_57] : memref<5120x128xf32, #tpu.memory_space<vmem_shared>> -> memref<5120x128xf32, #tpu.memory_space<vmem_shared>>
        tpu.enqueue_indirect_dma source(%arg10 : memref<80x128xf32, #tpu.memory_space<vmem>>) target(%dma_start3A_58 : memref<5120x128xf32, #tpu.memory_space<vmem_shared>>) offsets(%dma_start3A_55 : memref<80xi32, #tpu.memory_space<vmem>>) semaphore(%run_scoped3A : memref<!tpu.dma_semaphore, #tpu.memory_space<semaphore_mem>>)
        %dma_wait3A_59 = arith.constant 0 : i32
        %dma_wait3A_60 = tpu.memref_slice %arg11[%scan3A_53, %dma_wait3A_59] : memref<4x80xi32, #tpu.memory_space<vmem>> -> memref<1x80xi32, #tpu.memory_space<vmem>>
        %dma_wait3A_61 = tpu.memref_squeeze %dma_wait3A_60 : memref<1x80xi32, #tpu.memory_space<vmem>> -> memref<80xi32, #tpu.memory_space<vmem>>
        %dma_wait3A_62 = arith.constant 0 : i32
        %dma_wait3A_63 = arith.constant 0 : i32
        %dma_wait3A_64 = tpu.memref_slice %arg12[%dma_wait3A_62, %dma_wait3A_63] : memref<5120x128xf32, #tpu.memory_space<vmem_shared>> -> memref<5120x128xf32, #tpu.memory_space<vmem_shared>>
        tpu.wait_indirect_dma semaphore(%run_scoped3A : memref<!tpu.dma_semaphore, #tpu.memory_space<semaphore_mem>>) src(%arg10 : memref<80x128xf32, #tpu.memory_space<vmem>>) dst(%dma_wait3A_64 : memref<5120x128xf32, #tpu.memory_space<vmem_shared>>)
        tpu.yield
      }) : () -> ()
    }
    %scan3A_26 = arith.constant 4 : i32
    %barrier3A = arith.constant 0 : index
    tpu.barrier barrier_id(%barrier3A)
    %scan3A_27 = arith.constant 0 : i32
    %scan3A_28 = arith.constant 0 : i32
    %scan3A_29 = arith.constant 125 : i32
    %scan3A_30 = arith.addi %scan3A_28, %scan3A_29 : i32
    %scan3A_31 = arith.constant 1 : i32
    scf.for %scan3A_53 = %scan3A_28 to %scan3A_30 step %scan3A_31  : i32 {
      %and3A = arith.constant 1 : i32
      %and3A_54 = arith.andi %scan3A_53, %and3A : i32
      %eq3A = arith.constant 0 : i32
      %eq3A_55 = arith.cmpi eq, %and3A_54, %eq3A : i32
      %convert_element_type3A = arith.extui %eq3A_55 : i1 to i32
      %cond3A = arith.constant 0 : i32
      %cond3A_56 = arith.cmpi ne, %convert_element_type3A, %cond3A : i32
      scf.if %cond3A_56 {
        %ge3A = arith.constant 2 : i32
        %ge3A_64 = arith.cmpi sge, %scan3A_53, %ge3A : i32
        %convert_element_type3A_65 = arith.extui %ge3A_64 : i1 to i32
        %cond3A_66 = arith.constant 0 : i32
        %cond3A_67 = arith.cmpi ne, %convert_element_type3A_65, %cond3A_66 : i32
        scf.if %cond3A_67 {
          %dma_wait3A_85 = arith.constant 0 : i32
          %dma_wait3A_86 = arith.constant 0 : i32
          %dma_wait3A_87 = tpu.memref_slice %arg11[%dma_wait3A_85, %dma_wait3A_86] : memref<4x80xi32, #tpu.memory_space<vmem>> -> memref<1x80xi32, #tpu.memory_space<vmem>>
          %dma_wait3A_88 = tpu.memref_squeeze %dma_wait3A_87 : memref<1x80xi32, #tpu.memory_space<vmem>> -> memref<80xi32, #tpu.memory_space<vmem>>
          %dma_wait3A_89 = arith.constant 0 : i32
          %dma_wait3A_90 = arith.constant 0 : i32
          %dma_wait3A_91 = tpu.memref_slice %arg12[%dma_wait3A_89, %dma_wait3A_90] : memref<5120x128xf32, #tpu.memory_space<vmem_shared>> -> memref<5120x128xf32, #tpu.memory_space<vmem_shared>>
          tpu.wait_indirect_dma semaphore(%arg14 : memref<!tpu.dma_semaphore, #tpu.memory_space<semaphore_mem>>) src(%arg8 : memref<80x128xf32, #tpu.memory_space<vmem>>) dst(%dma_wait3A_91 : memref<5120x128xf32, #tpu.memory_space<vmem_shared>>)
        } else {
        }
        %dma_start3A = arith.constant 0 : i32
        %dma_start3A_68 = tpu.memref_slice %arg6[%scan3A_53, %dma_start3A] : memref<125x80xi32, #tpu.memory_space<vmem>> -> memref<1x80xi32, #tpu.memory_space<vmem>>
        %dma_start3A_69 = tpu.memref_squeeze %dma_start3A_68 : memref<1x80xi32, #tpu.memory_space<vmem>> -> memref<80xi32, #tpu.memory_space<vmem>>
        %dma_start3A_70 = arith.constant 0 : i32
        %dma_start3A_71 = arith.constant 0 : i32
        %dma_start3A_72 = tpu.memref_slice %arg2[%dma_start3A_70, %dma_start3A_71] : memref<10000x128xf32, #tpu.memory_space<hbm>> -> memref<10000x128xf32, #tpu.memory_space<hbm>>
        tpu.enqueue_indirect_dma source(%dma_start3A_72 : memref<10000x128xf32, #tpu.memory_space<hbm>>) target(%arg8 : memref<80x128xf32, #tpu.memory_space<vmem>>) offsets(%dma_start3A_69 : memref<80xi32, #tpu.memory_space<vmem>>) semaphore(%arg13 : memref<!tpu.dma_semaphore, #tpu.memory_space<semaphore_mem>>)
        %dma_wait3A_73 = arith.constant 0 : i32
        %dma_wait3A_74 = tpu.memref_slice %arg6[%scan3A_53, %dma_wait3A_73] : memref<125x80xi32, #tpu.memory_space<vmem>> -> memref<1x80xi32, #tpu.memory_space<vmem>>
        %dma_wait3A_75 = tpu.memref_squeeze %dma_wait3A_74 : memref<1x80xi32, #tpu.memory_space<vmem>> -> memref<80xi32, #tpu.memory_space<vmem>>
        %dma_wait3A_76 = arith.constant 0 : i32
        %dma_wait3A_77 = arith.constant 0 : i32
        %dma_wait3A_78 = tpu.memref_slice %arg2[%dma_wait3A_76, %dma_wait3A_77] : memref<10000x128xf32, #tpu.memory_space<hbm>> -> memref<10000x128xf32, #tpu.memory_space<hbm>>
        tpu.wait_indirect_dma semaphore(%arg13 : memref<!tpu.dma_semaphore, #tpu.memory_space<semaphore_mem>>) src(%dma_wait3A_78 : memref<10000x128xf32, #tpu.memory_space<hbm>>) dst(%arg8 : memref<80x128xf32, #tpu.memory_space<vmem>>)
        %dma_start3A_79 = arith.constant 0 : i32
        %dma_start3A_80 = tpu.memref_slice %arg7[%scan3A_53, %dma_start3A_79] : memref<125x80xi32, #tpu.memory_space<vmem>> -> memref<1x80xi32, #tpu.memory_space<vmem>>
        %dma_start3A_81 = tpu.memref_squeeze %dma_start3A_80 : memref<1x80xi32, #tpu.memory_space<vmem>> -> memref<80xi32, #tpu.memory_space<vmem>>
        %dma_start3A_82 = arith.constant 0 : i32
        %dma_start3A_83 = arith.constant 0 : i32
        %dma_start3A_84 = tpu.memref_slice %arg12[%dma_start3A_82, %dma_start3A_83] : memref<5120x128xf32, #tpu.memory_space<vmem_shared>> -> memref<5120x128xf32, #tpu.memory_space<vmem_shared>>
        tpu.enqueue_indirect_dma source(%arg8 : memref<80x128xf32, #tpu.memory_space<vmem>>) target(%dma_start3A_84 : memref<5120x128xf32, #tpu.memory_space<vmem_shared>>) offsets(%dma_start3A_81 : memref<80xi32, #tpu.memory_space<vmem>>) semaphore(%arg14 : memref<!tpu.dma_semaphore, #tpu.memory_space<semaphore_mem>>) {add = true}
      } else {
      }
      %and3A_57 = arith.constant 1 : i32
      %and3A_58 = arith.andi %scan3A_53, %and3A_57 : i32
      %eq3A_59 = arith.constant 1 : i32
      %eq3A_60 = arith.cmpi eq, %and3A_58, %eq3A_59 : i32
      %convert_element_type3A_61 = arith.extui %eq3A_60 : i1 to i32
      %cond3A_62 = arith.constant 0 : i32
      %cond3A_63 = arith.cmpi ne, %convert_element_type3A_61, %cond3A_62 : i32
      scf.if %cond3A_63 {
        %ge3A = arith.constant 2 : i32
        %ge3A_64 = arith.cmpi sge, %scan3A_53, %ge3A : i32
        %convert_element_type3A_65 = arith.extui %ge3A_64 : i1 to i32
        %cond3A_66 = arith.constant 0 : i32
        %cond3A_67 = arith.cmpi ne, %convert_element_type3A_65, %cond3A_66 : i32
        scf.if %cond3A_67 {
          %dma_wait3A_85 = arith.constant 0 : i32
          %dma_wait3A_86 = arith.constant 0 : i32
          %dma_wait3A_87 = tpu.memref_slice %arg11[%dma_wait3A_85, %dma_wait3A_86] : memref<4x80xi32, #tpu.memory_space<vmem>> -> memref<1x80xi32, #tpu.memory_space<vmem>>
          %dma_wait3A_88 = tpu.memref_squeeze %dma_wait3A_87 : memref<1x80xi32, #tpu.memory_space<vmem>> -> memref<80xi32, #tpu.memory_space<vmem>>
          %dma_wait3A_89 = arith.constant 0 : i32
          %dma_wait3A_90 = arith.constant 0 : i32
          %dma_wait3A_91 = tpu.memref_slice %arg12[%dma_wait3A_89, %dma_wait3A_90] : memref<5120x128xf32, #tpu.memory_space<vmem_shared>> -> memref<5120x128xf32, #tpu.memory_space<vmem_shared>>
          tpu.wait_indirect_dma semaphore(%arg15 : memref<!tpu.dma_semaphore, #tpu.memory_space<semaphore_mem>>) src(%arg9 : memref<80x128xf32, #tpu.memory_space<vmem>>) dst(%dma_wait3A_91 : memref<5120x128xf32, #tpu.memory_space<vmem_shared>>)
        } else {
        }
        %dma_start3A = arith.constant 0 : i32
        %dma_start3A_68 = tpu.memref_slice %arg6[%scan3A_53, %dma_start3A] : memref<125x80xi32, #tpu.memory_space<vmem>> -> memref<1x80xi32, #tpu.memory_space<vmem>>
        %dma_start3A_69 = tpu.memref_squeeze %dma_start3A_68 : memref<1x80xi32, #tpu.memory_space<vmem>> -> memref<80xi32, #tpu.memory_space<vmem>>
        %dma_start3A_70 = arith.constant 0 : i32
        %dma_start3A_71 = arith.constant 0 : i32
        %dma_start3A_72 = tpu.memref_slice %arg2[%dma_start3A_70, %dma_start3A_71] : memref<10000x128xf32, #tpu.memory_space<hbm>> -> memref<10000x128xf32, #tpu.memory_space<hbm>>
        tpu.enqueue_indirect_dma source(%dma_start3A_72 : memref<10000x128xf32, #tpu.memory_space<hbm>>) target(%arg9 : memref<80x128xf32, #tpu.memory_space<vmem>>) offsets(%dma_start3A_69 : memref<80xi32, #tpu.memory_space<vmem>>) semaphore(%arg13 : memref<!tpu.dma_semaphore, #tpu.memory_space<semaphore_mem>>)
        %dma_wait3A_73 = arith.constant 0 : i32
        %dma_wait3A_74 = tpu.memref_slice %arg6[%scan3A_53, %dma_wait3A_73] : memref<125x80xi32, #tpu.memory_space<vmem>> -> memref<1x80xi32, #tpu.memory_space<vmem>>
        %dma_wait3A_75 = tpu.memref_squeeze %dma_wait3A_74 : memref<1x80xi32, #tpu.memory_space<vmem>> -> memref<80xi32, #tpu.memory_space<vmem>>
        %dma_wait3A_76 = arith.constant 0 : i32
        %dma_wait3A_77 = arith.constant 0 : i32
        %dma_wait3A_78 = tpu.memref_slice %arg2[%dma_wait3A_76, %dma_wait3A_77] : memref<10000x128xf32, #tpu.memory_space<hbm>> -> memref<10000x128xf32, #tpu.memory_space<hbm>>
        tpu.wait_indirect_dma semaphore(%arg13 : memref<!tpu.dma_semaphore, #tpu.memory_space<semaphore_mem>>) src(%dma_wait3A_78 : memref<10000x128xf32, #tpu.memory_space<hbm>>) dst(%arg9 : memref<80x128xf32, #tpu.memory_space<vmem>>)
        %dma_start3A_79 = arith.constant 0 : i32
        %dma_start3A_80 = tpu.memref_slice %arg7[%scan3A_53, %dma_start3A_79] : memref<125x80xi32, #tpu.memory_space<vmem>> -> memref<1x80xi32, #tpu.memory_space<vmem>>
        %dma_start3A_81 = tpu.memref_squeeze %dma_start3A_80 : memref<1x80xi32, #tpu.memory_space<vmem>> -> memref<80xi32, #tpu.memory_space<vmem>>
        %dma_start3A_82 = arith.constant 0 : i32
        %dma_start3A_83 = arith.constant 0 : i32
        %dma_start3A_84 = tpu.memref_slice %arg12[%dma_start3A_82, %dma_start3A_83] : memref<5120x128xf32, #tpu.memory_space<vmem_shared>> -> memref<5120x128xf32, #tpu.memory_space<vmem_shared>>
        tpu.enqueue_indirect_dma source(%arg9 : memref<80x128xf32, #tpu.memory_space<vmem>>) target(%dma_start3A_84 : memref<5120x128xf32, #tpu.memory_space<vmem_shared>>) offsets(%dma_start3A_81 : memref<80xi32, #tpu.memory_space<vmem>>) semaphore(%arg15 : memref<!tpu.dma_semaphore, #tpu.memory_space<semaphore_mem>>) {add = true}
      } else {
      }
    }
    %scan3A_32 = arith.constant 125 : i32
    %dma_wait3A = arith.constant 0 : i32
    %dma_wait3A_33 = arith.constant 0 : i32
    %dma_wait3A_34 = tpu.memref_slice %arg11[%dma_wait3A, %dma_wait3A_33] : memref<4x80xi32, #tpu.memory_space<vmem>> -> memref<1x80xi32, #tpu.memory_space<vmem>>
    %dma_wait3A_35 = tpu.memref_squeeze %dma_wait3A_34 : memref<1x80xi32, #tpu.memory_space<vmem>> -> memref<80xi32, #tpu.memory_space<vmem>>
    %dma_wait3A_36 = arith.constant 0 : i32
    %dma_wait3A_37 = arith.constant 0 : i32
    %dma_wait3A_38 = tpu.memref_slice %arg12[%dma_wait3A_36, %dma_wait3A_37] : memref<5120x128xf32, #tpu.memory_space<vmem_shared>> -> memref<5120x128xf32, #tpu.memory_space<vmem_shared>>
    tpu.wait_indirect_dma semaphore(%arg14 : memref<!tpu.dma_semaphore, #tpu.memory_space<semaphore_mem>>) src(%arg8 : memref<80x128xf32, #tpu.memory_space<vmem>>) dst(%dma_wait3A_38 : memref<5120x128xf32, #tpu.memory_space<vmem_shared>>)
    %dma_wait3A_39 = arith.constant 0 : i32
    %dma_wait3A_40 = arith.constant 0 : i32
    %dma_wait3A_41 = tpu.memref_slice %arg11[%dma_wait3A_39, %dma_wait3A_40] : memref<4x80xi32, #tpu.memory_space<vmem>> -> memref<1x80xi32, #tpu.memory_space<vmem>>
    %dma_wait3A_42 = tpu.memref_squeeze %dma_wait3A_41 : memref<1x80xi32, #tpu.memory_space<vmem>> -> memref<80xi32, #tpu.memory_space<vmem>>
    %dma_wait3A_43 = arith.constant 0 : i32
    %dma_wait3A_44 = arith.constant 0 : i32
    %dma_wait3A_45 = tpu.memref_slice %arg12[%dma_wait3A_43, %dma_wait3A_44] : memref<5120x128xf32, #tpu.memory_space<vmem_shared>> -> memref<5120x128xf32, #tpu.memory_space<vmem_shared>>
    tpu.wait_indirect_dma semaphore(%arg15 : memref<!tpu.dma_semaphore, #tpu.memory_space<semaphore_mem>>) src(%arg9 : memref<80x128xf32, #tpu.memory_space<vmem>>) dst(%dma_wait3A_45 : memref<5120x128xf32, #tpu.memory_space<vmem_shared>>)
    %barrier3A_46 = arith.constant 0 : index
    tpu.barrier barrier_id(%barrier3A_46)
    %scan3A_47 = arith.constant 0 : i32
    %scan3A_48 = arith.constant 0 : i32
    %scan3A_49 = arith.constant 4 : i32
    %scan3A_50 = arith.addi %scan3A_48, %scan3A_49 : i32
    %scan3A_51 = arith.constant 1 : i32
    scf.for %scan3A_53 = %scan3A_48 to %scan3A_50 step %scan3A_51  : i32 {
      "tpu.region"() ({
        %run_scoped3A = tpu.sem_alloc : memref<!tpu.dma_semaphore, #tpu.memory_space<semaphore_mem>>
        %dma_start3A = arith.constant 0 : i32
        %dma_start3A_57 = tpu.memref_slice %arg11[%scan3A_53, %dma_start3A] : memref<4x80xi32, #tpu.memory_space<vmem>> -> memref<1x80xi32, #tpu.memory_space<vmem>>
        %dma_start3A_58 = tpu.memref_squeeze %dma_start3A_57 : memref<1x80xi32, #tpu.memory_space<vmem>> -> memref<80xi32, #tpu.memory_space<vmem>>
        %dma_start3A_59 = arith.constant 0 : i32
        %dma_start3A_60 = arith.constant 0 : i32
        %dma_start3A_61 = tpu.memref_slice %arg12[%dma_start3A_59, %dma_start3A_60] : memref<5120x128xf32, #tpu.memory_space<vmem_shared>> -> memref<5120x128xf32, #tpu.memory_space<vmem_shared>>
        tpu.enqueue_indirect_dma source(%dma_start3A_61 : memref<5120x128xf32, #tpu.memory_space<vmem_shared>>) target(%arg10 : memref<80x128xf32, #tpu.memory_space<vmem>>) offsets(%dma_start3A_58 : memref<80xi32, #tpu.memory_space<vmem>>) semaphore(%run_scoped3A : memref<!tpu.dma_semaphore, #tpu.memory_space<semaphore_mem>>)
        %dma_wait3A_62 = arith.constant 0 : i32
        %dma_wait3A_63 = tpu.memref_slice %arg11[%scan3A_53, %dma_wait3A_62] : memref<4x80xi32, #tpu.memory_space<vmem>> -> memref<1x80xi32, #tpu.memory_space<vmem>>
        %dma_wait3A_64 = tpu.memref_squeeze %dma_wait3A_63 : memref<1x80xi32, #tpu.memory_space<vmem>> -> memref<80xi32, #tpu.memory_space<vmem>>
        %dma_wait3A_65 = arith.constant 0 : i32
        %dma_wait3A_66 = arith.constant 0 : i32
        %dma_wait3A_67 = tpu.memref_slice %arg12[%dma_wait3A_65, %dma_wait3A_66] : memref<5120x128xf32, #tpu.memory_space<vmem_shared>> -> memref<5120x128xf32, #tpu.memory_space<vmem_shared>>
        tpu.wait_indirect_dma semaphore(%run_scoped3A : memref<!tpu.dma_semaphore, #tpu.memory_space<semaphore_mem>>) src(%dma_wait3A_67 : memref<5120x128xf32, #tpu.memory_space<vmem_shared>>) dst(%arg10 : memref<80x128xf32, #tpu.memory_space<vmem>>)
        tpu.yield
      }) : () -> ()
      %mul3A_54 = arith.constant 4 : i32
      %mul3A_55 = arith.muli %add3A, %mul3A_54 : i32
      %add3A_56 = arith.addi %mul3A_55, %scan3A_53 : i32
      "tpu.region"() ({
        %run_scoped3A = tpu.sem_alloc : memref<!tpu.dma_semaphore, #tpu.memory_space<semaphore_mem>>
        %dma_start3A = arith.constant 0 : i32
        %dma_start3A_57 = arith.constant 0 : i32
        %dma_start3A_58 = tpu.memref_slice %arg5[%add3A_56, %dma_start3A, %dma_start3A_57] : memref<128x80x128xf32, #tpu.memory_space<hbm>> -> memref<1x80x128xf32, #tpu.memory_space<hbm>>
        %dma_start3A_59 = tpu.memref_squeeze %dma_start3A_58 : memref<1x80x128xf32, #tpu.memory_space<hbm>> -> memref<80x128xf32, #tpu.memory_space<hbm>>
        %dma_start3A_60 = arith.constant 0 : i32
        %dma_start3A_61 = arith.constant 0 : i32
        %dma_start3A_62 = tpu.memref_slice %arg5[%add3A_56, %dma_start3A_60, %dma_start3A_61] : memref<128x80x128xf32, #tpu.memory_space<hbm>> -> memref<1x80x128xf32, #tpu.memory_space<hbm>>
        %dma_start3A_63 = tpu.memref_squeeze %dma_start3A_62 : memref<1x80x128xf32, #tpu.memory_space<hbm>> -> memref<80x128xf32, #tpu.memory_space<hbm>>
        tpu.enqueue_dma source(%arg10 : memref<80x128xf32, #tpu.memory_space<vmem>>) target(%dma_start3A_63 : memref<80x128xf32, #tpu.memory_space<hbm>>) target_semaphore(%run_scoped3A : memref<!tpu.dma_semaphore, #tpu.memory_space<semaphore_mem>>)
        %dma_wait3A_64 = arith.constant 0 : i32
        %dma_wait3A_65 = arith.constant 0 : i32
        %dma_wait3A_66 = tpu.memref_slice %arg5[%add3A_56, %dma_wait3A_64, %dma_wait3A_65] : memref<128x80x128xf32, #tpu.memory_space<hbm>> -> memref<1x80x128xf32, #tpu.memory_space<hbm>>
        %dma_wait3A_67 = tpu.memref_squeeze %dma_wait3A_66 : memref<1x80x128xf32, #tpu.memory_space<hbm>> -> memref<80x128xf32, #tpu.memory_space<hbm>>
        %dma_wait3A_68 = arith.constant 0 : i32
        %dma_wait3A_69 = arith.constant 0 : i32
        %dma_wait3A_70 = tpu.memref_slice %arg5[%add3A_56, %dma_wait3A_68, %dma_wait3A_69] : memref<128x80x128xf32, #tpu.memory_space<hbm>> -> memref<1x80x128xf32, #tpu.memory_space<hbm>>
        %dma_wait3A_71 = tpu.memref_squeeze %dma_wait3A_70 : memref<1x80x128xf32, #tpu.memory_space<hbm>> -> memref<80x128xf32, #tpu.memory_space<hbm>>
        tpu.wait_dma2 semaphore(%run_scoped3A : memref<!tpu.dma_semaphore, #tpu.memory_space<semaphore_mem>>) src(%arg10 : memref<80x128xf32, #tpu.memory_space<vmem>>) dst(%dma_wait3A_71 : memref<80x128xf32, #tpu.memory_space<hbm>>)
        tpu.yield
      }) : () -> ()
    }
    %scan3A_52 = arith.constant 4 : i32
    return
  }
}

module attributes {stable_mosaic.version = 14 : i64} {
  func.func @_invd_body(%arg0: memref<5120x128xf32, #tpu.memory_space<vmem>>, %arg1: memref<5120x128xf32, #tpu.memory_space<vmem>>, %arg2: memref<5120x128xf32, #tpu.memory_space<vmem>>, %arg3: memref<5120x128xf32, #tpu.memory_space<vmem>>, %arg4: memref<10000x1xf32, #tpu.memory_space<vmem>>) attributes {dimension_semantics = [], scalar_prefetch = 0 : i64, scratch_operands = 0 : i64, tpu.core_type = #tpu.core_type<tc>} {
    %get3A = arith.constant 0 : index
    %get3A_0 = arith.constant 0 : index
    %get3A_1 = vector.load %arg0[%get3A, %get3A_0] : memref<5120x128xf32, #tpu.memory_space<vmem>>, vector<5120x128xf32>
    %slice3A = vector.extract_strided_slice %get3A_1 {offsets = [0, 0], sizes = [5000, 1], strides = [1, 1]} : vector<5120x128xf32> to vector<5000x1xf32>
    %get3A_2 = arith.constant 0 : index
    %get3A_3 = arith.constant 0 : index
    %get3A_4 = vector.load %arg1[%get3A_2, %get3A_3] : memref<5120x128xf32, #tpu.memory_space<vmem>>, vector<5120x128xf32>
    %slice3A_5 = vector.extract_strided_slice %get3A_4 {offsets = [0, 0], sizes = [5000, 1], strides = [1, 1]} : vector<5120x128xf32> to vector<5000x1xf32>
    %add3A = arith.addf %slice3A, %slice3A_5 : vector<5000x1xf32>
    %get3A_6 = arith.constant 0 : index
    %get3A_7 = arith.constant 0 : index
    %get3A_8 = vector.load %arg2[%get3A_6, %get3A_7] : memref<5120x128xf32, #tpu.memory_space<vmem>>, vector<5120x128xf32>
    %slice3A_9 = vector.extract_strided_slice %get3A_8 {offsets = [0, 0], sizes = [5000, 1], strides = [1, 1]} : vector<5120x128xf32> to vector<5000x1xf32>
    %get3A_10 = arith.constant 0 : index
    %get3A_11 = arith.constant 0 : index
    %get3A_12 = vector.load %arg3[%get3A_10, %get3A_11] : memref<5120x128xf32, #tpu.memory_space<vmem>>, vector<5120x128xf32>
    %slice3A_13 = vector.extract_strided_slice %get3A_12 {offsets = [0, 0], sizes = [5000, 1], strides = [1, 1]} : vector<5120x128xf32> to vector<5000x1xf32>
    %add3A_14 = arith.addf %slice3A_9, %slice3A_13 : vector<5000x1xf32>
    %concatenate3A = tpu.concatenate %add3A, %add3A_14 in 0 : vector<5000x1xf32>, vector<5000x1xf32> -> vector<10000x1xf32>
    %rsqrt3A = math.rsqrt %concatenate3A : vector<10000x1xf32>
    %swap3A = arith.constant 0 : index
    %swap3A_15 = arith.constant 0 : index
    %swap3A_16 = vector.load %arg4[%swap3A, %swap3A_15] : memref<10000x1xf32, #tpu.memory_space<vmem>>, vector<10000x1xf32>
    tpu.vector_store %arg4[%swap3A, %swap3A_15], %rsqrt3A {strides = array<i32>} : memref<10000x1xf32, #tpu.memory_space<vmem>>, vector<10000x1xf32>,
    return
  }
}

module attributes {stable_mosaic.version = 14 : i64} {
  func.func @_scale_body(%arg0: i32, %arg1: memref<2000x128xf32, #tpu.memory_space<vmem>>, %arg2: memref<2000x1xf32, #tpu.memory_space<vmem>>, %arg3: memref<2000x128xf32, #tpu.memory_space<vmem>>) attributes {dimension_semantics = [#tpu.dimension_semantics<arbitrary>], iteration_bounds = array<i64: 5>, scalar_prefetch = 0 : i64, scratch_operands = 0 : i64, tpu.core_type = #tpu.core_type<tc>, window_params = [{transform_indices = @transform_0, window_bounds = array<i64: 2000, 128>}, {transform_indices = @transform_1, window_bounds = array<i64: 2000, 1>}, {transform_indices = @transform_2, window_bounds = array<i64: 2000, 128>}]} {
    %get3A = arith.constant 0 : index
    %get3A_0 = arith.constant 0 : index
    %get3A_1 = vector.load %arg1[%get3A, %get3A_0] : memref<2000x128xf32, #tpu.memory_space<vmem>>, vector<2000x128xf32>
    %get3A_2 = arith.constant 0 : index
    %get3A_3 = arith.constant 0 : index
    %get3A_4 = vector.load %arg2[%get3A_2, %get3A_3] : memref<2000x1xf32, #tpu.memory_space<vmem>>, vector<2000x1xf32>
    %mul3A = vector.broadcast %get3A_4 : vector<2000x1xf32> to vector<2000x128xf32>
    %mul3A_5 = arith.mulf %get3A_1, %mul3A : vector<2000x128xf32>
    %swap3A = arith.constant 0 : index
    %swap3A_6 = arith.constant 0 : index
    %swap3A_7 = vector.load %arg3[%swap3A, %swap3A_6] : memref<2000x128xf32, #tpu.memory_space<vmem>>, vector<2000x128xf32>
    tpu.vector_store %arg3[%swap3A, %swap3A_6], %mul3A_5 {strides = array<i32>} : memref<2000x128xf32, #tpu.memory_space<vmem>>, vector<2000x128xf32>,
    return
  }
  func.func @transform_0(%arg0: i32) -> (i32, i32) {
    %c0_i32 = arith.constant 0 : i32
    %c0_i32_0 = arith.constant 0 : i32
    return %arg0, %c0_i32 : i32, i32
  }
  func.func @transform_1(%arg0: i32) -> (i32, i32) {
    %c0_i32 = arith.constant 0 : i32
    %c0_i32_0 = arith.constant 0 : i32
    return %arg0, %c0_i32 : i32, i32
  }
  func.func @transform_2(%arg0: i32) -> (i32, i32) {
    %c0_i32 = arith.constant 0 : i32
    %c0_i32_0 = arith.constant 0 : i32
    return %arg0, %c0_i32 : i32, i32
  }
}

module attributes {stable_mosaic.version = 14 : i64} {
  func.func @_out_body(%arg0: i32, %arg1: memref<2000x128xf32, #tpu.memory_space<vmem>>, %arg2: memref<2000x128xf32, #tpu.memory_space<vmem>>, %arg3: memref<2000x1xf32, #tpu.memory_space<vmem>>, %arg4: memref<128x128xf32, #tpu.memory_space<vmem>>, %arg5: memref<1x128xf32, #tpu.memory_space<vmem>>, %arg6: memref<2000x128xf32, #tpu.memory_space<vmem>>) attributes {dimension_semantics = [#tpu.dimension_semantics<arbitrary>], iteration_bounds = array<i64: 5>, scalar_prefetch = 0 : i64, scratch_operands = 0 : i64, tpu.core_type = #tpu.core_type<tc>, window_params = [{transform_indices = @transform_0, window_bounds = array<i64: 2000, 128>}, {transform_indices = @transform_1, window_bounds = array<i64: 2000, 128>}, {transform_indices = @transform_2, window_bounds = array<i64: 2000, 1>}, {pipeline_mode = #tpu.pipeline_mode<synchronous>, transform_indices = @transform_3, window_bounds = array<i64: 128, 128>}, {pipeline_mode = #tpu.pipeline_mode<synchronous>, transform_indices = @transform_4, window_bounds = array<i64: 1, 128>}, {transform_indices = @transform_5, window_bounds = array<i64: 2000, 128>}]} {
    %get3A = arith.constant 0 : index
    %get3A_0 = arith.constant 0 : index
    %get3A_1 = vector.load %arg1[%get3A, %get3A_0] : memref<2000x128xf32, #tpu.memory_space<vmem>>, vector<2000x128xf32>
    %get3A_2 = arith.constant 0 : index
    %get3A_3 = arith.constant 0 : index
    %get3A_4 = vector.load %arg2[%get3A_2, %get3A_3] : memref<2000x128xf32, #tpu.memory_space<vmem>>, vector<2000x128xf32>
    %add3A = arith.addf %get3A_1, %get3A_4 : vector<2000x128xf32>
    %get3A_5 = arith.constant 0 : index
    %get3A_6 = arith.constant 0 : index
    %get3A_7 = vector.load %arg3[%get3A_5, %get3A_6] : memref<2000x1xf32, #tpu.memory_space<vmem>>, vector<2000x1xf32>
    %mul3A = vector.broadcast %get3A_7 : vector<2000x1xf32> to vector<2000x128xf32>
    %mul3A_8 = arith.mulf %add3A, %mul3A : vector<2000x128xf32>
    %get3A_9 = arith.constant 0 : index
    %get3A_10 = arith.constant 0 : index
    %get3A_11 = vector.load %arg4[%get3A_9, %get3A_10] : memref<128x128xf32, #tpu.memory_space<vmem>>, vector<128x128xf32>
    %dot_general3A = arith.constant dense<0.000000e+00> : vector<2000x128xf32>
    %dot_general3A_12 = tpu.matmul %mul3A_8, %get3A_11, %dot_general3A {dimension_numbers = #tpu.dot_dimension_numbers<[1], [0], [0], [1], [0, 0, 1, 1], [], []>, transpose_lhs_hint = false} : vector<2000x128xf32>, vector<128x128xf32>, vector<2000x128xf32> -> vector<2000x128xf32>
    %get3A_13 = arith.constant 0 : index
    %get3A_14 = arith.constant 0 : index
    %get3A_15 = vector.load %arg5[%get3A_13, %get3A_14] : memref<1x128xf32, #tpu.memory_space<vmem>>, vector<1x128xf32>
    %add3A_16 = vector.broadcast %get3A_15 : vector<1x128xf32> to vector<2000x128xf32>
    %add3A_17 = arith.addf %dot_general3A_12, %add3A_16 : vector<2000x128xf32>
    %max3A = arith.constant 0.000000e+00 : f32
    %max3A_18 = vector.broadcast %max3A : f32 to vector<2000x128xf32>
    %max3A_19 = arith.maximumf %add3A_17, %max3A_18 : vector<2000x128xf32>
    %swap3A = arith.constant 0 : index
    %swap3A_20 = arith.constant 0 : index
    %swap3A_21 = vector.load %arg6[%swap3A, %swap3A_20] : memref<2000x128xf32, #tpu.memory_space<vmem>>, vector<2000x128xf32>
    tpu.vector_store %arg6[%swap3A, %swap3A_20], %max3A_19 {strides = array<i32>} : memref<2000x128xf32, #tpu.memory_space<vmem>>, vector<2000x128xf32>,
    return
  }
  func.func @transform_0(%arg0: i32) -> (i32, i32) {
    %c0_i32 = arith.constant 0 : i32
    %c0_i32_0 = arith.constant 0 : i32
    return %arg0, %c0_i32 : i32, i32
  }
  func.func @transform_1(%arg0: i32) -> (i32, i32) {
    %c0_i32 = arith.constant 0 : i32
    %c0_i32_0 = arith.constant 0 : i32
    return %arg0, %c0_i32 : i32, i32
  }
  func.func @transform_2(%arg0: i32) -> (i32, i32) {
    %c0_i32 = arith.constant 0 : i32
    %c0_i32_0 = arith.constant 0 : i32
    return %arg0, %c0_i32 : i32, i32
  }
  func.func @transform_3(%arg0: i32) -> (i32, i32) {
    %c0_i32 = arith.constant 0 : i32
    %c0_i32_0 = arith.constant 0 : i32
    %c0_i32_1 = arith.constant 0 : i32
    return %c0_i32, %c0_i32_0 : i32, i32
  }
  func.func @transform_4(%arg0: i32) -> (i32, i32) {
    %c0_i32 = arith.constant 0 : i32
    %c0_i32_0 = arith.constant 0 : i32
    %c0_i32_1 = arith.constant 0 : i32
    return %c0_i32, %c0_i32_0 : i32, i32
  }
  func.func @transform_5(%arg0: i32) -> (i32, i32) {
    %c0_i32 = arith.constant 0 : i32
    %c0_i32_0 = arith.constant 0 : i32
    return %arg0, %c0_i32 : i32, i32
  }
}

</mosaic_0001>

<sc_bundles>
// kernel: kernel.12.cloned.1.call-start
scs
__scs_entry_jumppad:
0x0: {  	(pc) =	sbr.rel $0x88, $3  }
0x1: {  	(tag) =	ssettag $0x0;
	lr =	simm.s32 $0x1  }
0x2: {  	[smem:$0x3F9D] =	sst lr;
	_ =	strace $0xD0000000  }
0x3: {  	_ = 	snop  }
0x4: {  	_ = 	snop  }
0x5: {  	_ = 	snop  }
0x6: {  	_ = 	snop  }
0x7: {  	_ = 	snop  }
__scs_overlays_trampoline_lowered:
0x8: {  	[smem:$0x3FAC] =	sst s0  }
0x9: {  	[smem:$0x3FAD] =	sst s1  }
0xa: {  	[smem:$0x3FAE] =	sst s2  }
0xb: {  	[smem:$0x3FAF] =	sst s3  }
0xc: {  	[smem:$0x3FB0] =	sst s4  }
0xd: {  	[smem:$0x3FB1] =	sst s5  }
0xe: {  	[smem:$0x3FB2] =	sst s6  }
0xf: {  	[smem:$0x3FB3] =	sst s7  }
0x10: {  	[smem:$0x3FB4] =	sst s8  }
0x11: {  	[smem:$0x3FB5] =	sst s9;
	s0 =	simm.s32 @!p0 $0x0  }
0x12: {  	s1 =	sld [smem:$0x3F9B];
	s0 =	simm.s32 @p0 $0x1  }
0x13: {  	[smem:$0x3FB6] =	sst s0;
	s0 =	simm.s32 @!p1 $0x0  }
0x14: {  	s2 =	sld [smem:$0x3F9A];
	s0 =	simm.s32 @p1 $0x1  }
0x15: {  	[smem:$0x3FB7] =	sst s0;
	s0 =	simm.s32 @!p2 $0x0  }
0x16: {  	s3 =	sld [smem:$0x3FDB];
	s0 =	simm.s32 @p2 $0x1  }
0x17: {  	s4 =	simm.s32 $0x1BF5;
	[smem:$0x3FB9] =	sst s0  }
0x18: {  	s0 =	sld [smem:$0x3F9C];
	_ =	swait.ge [sflag:s4], $0x0  }
0x19: {  	s7 =	sld [smem:$0x3F9D]  }
0x1a: {  	s8 =	sadd.s32 $0xFFFFE003, lr  }
0x1b: {  	s9 =	sadd.s32 $0xFFFFFEF7, lr;
	s5 =	simm.s32 $0xFFFFFFFF;
	p2 =	slt.u32 s8, $0xFFFFF086  }
0x1c: {  	p1 =	slt.u32 s9, $0xF7A;
	s5 =	simm.s32 @!p2 $0x0  }
0x1d: {  	s5 =	simm.s32 @p1 $0x1;
	p0 =	seq.s32 s7, s2  }
0x1e: {  	s7 =	smul.u32 @!p0 $0xF7A, s2;
	p2 =	seq.s32 @!p0 s5, $0x0  }
0x1f: {  	s9 =	smul.u32 $0xF7A, s1;
	s8 =	simm.s32 @!p0 $0x1BF5;
	p2 =	por !p2, p0  }
0x20: {  	[sflag:s8] =	ssyncset.s32 @!p0 $0xFFFFF086;
	s6 =	sadd.s32 @!p0 s3, s7;
	s7 =	simm.s32 @!p0 $0x108  }
0x21: {  	s3 =	sadd.s32 s3, s9;
	s6 =	sadd.s32 @!p0 $0x88, s6;
	s7 =	simm.s32 @p2 $0x1082  }
0x22: {  	[simem:s7], [sflag:s8] =	dma.local @!p0 [hbm:s6], $0xF7A  }
0x23: {  	s9 =	sor.u32 $0xD0000000, s2;
	s6 =	simm.s32 $0x108;
	_ =	swait.ge @!p0 [sflag:s8], $0x0  }
0x24: {  	s3 =	sadd.s32 $0x88, s3;
	s6 =	simm.s32 @!p1 $0x1082;
	[sflag:s4] =	ssyncset.s32 $0xFFFFF086  }
0x25: {  	[simem:s6], [sflag:s4] =	dma.local [hbm:s3], $0xF7A  }
0x26: {  	[smem:$0x3F9D] =	sst s1;
	(tag) =	ssettag s2;
	_ =	strace s9  }
0x27: {  	s1 =	sld [smem:$0x3FAD]  }
0x28: {  	s2 =	sld [smem:$0x3FAE]  }
0x29: {  	s4 =	sld [smem:$0x3FB0]  }
0x2a: {  	p0 =	seq.s32 s5, $0x0;
	s5 =	sld [smem:$0x3FB1]  }
0x2b: {  	s6 =	sld [smem:$0x3FB2]  }
0x2c: {  	s7 =	sld [smem:$0x3FB3]  }
0x2d: {  	s3 =	simm.s32 $0x108;
	s8 =	sld [smem:$0x3FB4]  }
0x2e: {  	s3 =	simm.s32 @!p0 $0x1082;
	s9 =	sld [smem:$0x3FB5]  }
0x2f: {  	lr =	sadd.s32 s0, s3;
	s0 =	sld [smem:$0x3FAC]  }
0x30: {  	s3 =	sld [smem:$0x3FAF]  }
0x31: {  	[smem:$0x3FB8] =	sst s10  }
0x32: {  	s10 =	sld [smem:$0x3FB6];
	_ =	sdelay $0x3  }
0x33: {  	p0 =	seq.s32 s10, $0x1;
	s10 =	sld [smem:$0x3FB8];
	_ =	sdelay $0x3  }
0x34: {  	[smem:$0x3FB8] =	sst s10  }
0x35: {  	s10 =	sld [smem:$0x3FB7];
	_ =	sdelay $0x3  }
0x36: {  	p1 =	seq.s32 s10, $0x1;
	s10 =	sld [smem:$0x3FB8];
	_ =	sdelay $0x3  }
0x37: {  	[smem:$0x3FB8] =	sst s10  }
0x38: {  	s10 =	sld [smem:$0x3FB9]  }
0x39: {  	_ = 	snop;
	(pc) =	sbr.ind lr, $3  }
0x3a: {  	_ = 	snop  }
0x3b: {  	_ = 	snop  }
0x3c: {  	p2 =	seq.s32 s10, $0x1;
	s10 =	sld [smem:$0x3FB8]  }
0x3d: {  	_ =	shalt  }
0x3e: {  	_ =	shalt  }
0x3f: {  	_ =	shalt  }
0x40: {  	_ =	shalt  }
0x41: {  	_ =	shalt  }
0x42: {  	_ =	shalt  }
0x43: {  	_ =	shalt  }
0x44: {  	_ =	shalt  }
0x45: {  	_ =	shalt  }
0x46: {  	_ =	shalt  }
0x47: {  	_ =	shalt  }
0x48: {  	_ =	shalt  }
0x49: {  	_ =	shalt  }
0x4a: {  	_ =	shalt  }
0x4b: {  	_ =	shalt  }
0x4c: {  	_ =	shalt  }
0x4d: {  	_ =	shalt  }
0x4e: {  	_ =	shalt  }
0x4f: {  	_ =	shalt  }
0x50: {  	_ =	shalt  }
0x51: {  	_ =	shalt  }
0x52: {  	_ =	shalt  }
0x53: {  	_ =	shalt  }
0x54: {  	_ =	shalt  }
0x55: {  	_ =	shalt  }
0x56: {  	_ =	shalt  }
0x57: {  	_ =	shalt  }
0x58: {  	_ =	shalt  }
0x59: {  	_ =	shalt  }
0x5a: {  	_ =	shalt  }
0x5b: {  	_ =	shalt  }
0x5c: {  	_ =	shalt  }
0x5d: {  	_ =	shalt  }
0x5e: {  	_ =	shalt  }
0x5f: {  	_ =	shalt  }
0x60: {  	_ =	shalt  }
0x61: {  	_ =	shalt  }
0x62: {  	_ =	shalt  }
0x63: {  	_ =	shalt  }
0x64: {  	_ =	shalt  }
0x65: {  	_ =	shalt  }
0x66: {  	_ =	shalt  }
0x67: {  	_ =	shalt  }
0x68: {  	_ =	shalt  }
0x69: {  	_ =	shalt  }
0x6a: {  	_ =	shalt  }
0x6b: {  	_ =	shalt  }
0x6c: {  	_ =	shalt  }
0x6d: {  	_ =	shalt  }
0x6e: {  	_ =	shalt  }
0x6f: {  	_ =	shalt  }
0x70: {  	_ =	shalt  }
0x71: {  	_ =	shalt  }
0x72: {  	_ =	shalt  }
0x73: {  	_ =	shalt  }
0x74: {  	_ =	shalt  }
0x75: {  	_ =	shalt  }
0x76: {  	_ =	shalt  }
0x77: {  	_ =	shalt  }
0x78: {  	_ =	shalt  }
0x79: {  	_ =	shalt  }
0x7a: {  	_ =	shalt  }
0x7b: {  	_ =	shalt  }
0x7c: {  	_ =	shalt  }
0x7d: {  	_ =	shalt  }
0x7e: {  	_ =	shalt  }
0x7f: {  	_ =	shalt  }
0x80: {  	_ =	shalt  }
0x81: {  	_ =	shalt  }
0x82: {  	_ =	shalt  }
0x83: {  	_ =	shalt  }
0x84: {  	_ =	shalt  }
0x85: {  	_ =	shalt  }
0x86: {  	_ =	shalt  }
0x87: {  	_ =	shalt  }
.Lfunc_end0:
.L_simem_size_0:
called_computation.1_lowered:
.L_overlay_start_0:
0x88: {  	s2 =	sld [smem:$0x3FD9]  }
0x89: {  	s3 =	sld [smem:$0x3FFE];
	_ =	sdelay $0x1  }
0x8a: {  	s1 =	srdreg.scid  }
0x8b: {  	s0 =	sand.u32 $0x1, s1  }
0x8c: {  	s16 =	sshll.u32 s0, $0xA;
	s2 =	sadd.s32 s3, s2  }
0x8d: {  	s2 =	sadd.s32 s2, s16  }
0x8e: {  	[smem:$0x3FC4] =	sst s2  }
0x8f: {  	_ = 	snop  }
0x90: {  	(tm) =	ssettm $0x1  }
0x91: {  	s17 =	sld [smem:$0x3FFB];
	_ =	sdelay $0x3  }
0x92: {  	_ =	strace s17  }
0x93: {  	s2 =	sld [smem:$0x3FFC];
	_ =	sdelay $0x3  }
0x94: {  	_ =	strace s2  }
0x95: {  	s2 =	sld [smem:$0x3FFD];
	_ =	sdelay $0x3  }
0x96: {  	_ =	strace s2  }
0x97: {  	_ =	strace $0x8FFFFFFF  }
0x98: {  	s18 =	sld [smem:$0x3FDB];
	_ =	sdelay $0x1  }
0x99: {  	s19 =	simm.s32 $_scs_section_size  }
0x9a: {  	s4 =	simm.s32 $_size__tile_overlayer_lowered;
	s5 =	simm.s32 $_tile_overlayer_lowered  }
0x9b: {  	s22 =	simm.s32 $0x1BFF;
	s21 =	sshll.u32 s5, $0x1;
	s2 =	sadd.s32 s19, s18  }
0x9c: {  	s6 =	simm.s32 $0x0;
	s20 =	sshll.u32 s4, $0x1;
	s4 =	sadd.s32 s21, s2  }
0x9d: {  	[timem:s6], [sflag:s22] =	dma.local [hbm:s4], s20  }
0x9e: {  	_ =	swait.ge [sflag:s22], s20  }
0x9f: {  	s3 =	ssub.s32 $0x0, s20;
	[sflag:s22] =	ssyncset.done $0x0  }
0xa0: {  	[sflag:s22] =	ssyncadd.s32 s3;
	_ =	sdelay $0x1  }
0xa1: {  	s23 =	simm.s32 $0x1B8B  }
0xa2: {  	_ =	swait.ge [sflag:s23], $0x1  }
0xa3: {  	[sflag:s23] =	ssyncset.done $0x0  }
0xa4: {  	s25 =	simm.s32 $0x1B8E;
	s24 =	sld [smem:$0x3FFE];
	[sflag:s23] =	ssyncadd.s32 $0xFFFFFFFF  }
0xa5: {  	s26 =	simm.s32 $execute0_lowered;
	[smem:$0x3FD2] =	sst s25  }
0xa6: {  	s4 =	sshll.u32 s26, $0x1;
	_ =	strace $0x80000046;
	[dreg:$0x1] =	wrdreg $0xFFFFFFFF  }
0xa7: {  	s28 =	simm.s32 $_size_execute0_lowered;
	s2 =	sadd.s32 s2, s4;
	[dreg:$0x0] =	wrdreg $0x0  }
0xa8: {  	s4 =	sshll.u32 s28, $0x1;
	[dreg:$0x2] =	wrdreg s2  }
0xa9: {  	[dreg:$0x3] =	wrdreg s4  }
0xaa: {  	[dreg:$0x4] =	wrdreg $0xC0  }
0xab: {  	_ =	task [dreg:s6], $0x5FFFF  }
0xac: {  	[dreg:$0x1] =	wrdreg $0xFFFFFFFF  }
0xad: {  	[dreg:$0x0] =	wrdreg $0x60  }
0xae: {  	[dreg:$0x2] =	wrdreg s24  }
0xaf: {  	[dreg:$0x3] =	wrdreg $0x92000  }
0xb0: {  	[dreg:$0x4] =	wrdreg $0xA  }
0xb1: {  	_ =	task.clear_ibuf [dreg:s6], $0x5FFFF;
	_ =	strace $0x90000046  }
0xb2: {  	s29 =	simm.s32 $0xA;
	_ =	strace $0x80000048  }
0xb3: {  	_ =	swait.ge [sflag:s29], $0x1  }
0xb4: {  	[sflag:s29] =	ssyncadd.s32 $0xFFFFFFFF  }
0xb5: {  	_ =	strace $0x90000048  }
0xb6: {  	_ =	sfence  }
0xb7: {  	s30 =	sld [smem:$0x0];
	_ =	sdelay $0x2  }
0xb8: {  	s31 =	sshll.u32 s1, $0xD;
	s1 =	sshrl.u32 s1, $0x2  }
0xb9: {  	s3 =	sand.u32 $0x4000, s31;
	s1 =	sadd.s32 s1, s30  }
0xba: {  	s0 =	sor.u32 s3, s0;
	s1 =	sshll.u32 s1, $0x11  }
0xbb: {  	s0 =	sor.u32 s1, s0  }
0xbc: {  	s0 =	sadd.s32 $0x8F2B, s0  }
0xbd: {  	[sflag:s0] =	ssyncadd.remote.s32 $0x1  }
0xbe: {  	_ =	sfence.sel $0xFFFF  }
0xbf: {  	[dreg:$0x0] =	wrdreg $0xFFFFFFFF;
	(pc) =	sbr.abs _section_cstart, $3  }
0xc0: {  	[dreg:$0x1] =	wrdreg $0xFFFFFFFF  }
0xc1: {  	_ =	task.clear_ibuf [dreg:s6], $0x2FFFF;
	_ =	strace $0x9FFFFFFF  }
0xc2: {  	(tm) =	ssettm $0x7FFFFFFF  }
0xc3: {  	_ =	shalt  }
tec
execute0_lowered:
.L_overlay_start_1:
0x0: {  	(tag) =	ssettag $0x1  }
0x1: {  	s0 =	srdreg.scid;
	s4 =	rddreg [dreg:$0x0]  }
0x2: {  	s2 =	rddreg [dreg:$0x1];
	s1 =	stileid.u32;
	s3 =	simm.s32 $0x0  }
0x3: {  	s11 =	simm.s32 $0x2;
	s12 =	simm.s32 $0x50;
	s13 =	simm.s32 $0x9000  }
0x4: {  	s14 =	simm.s32 $0x6800;
	s15 =	simm.s32 $0x9080;
	s16 =	simm.s32 $0x9100  }
0x5: {  	s17 =	simm.s32 $0x9180;
	s18 =	simm.s32 $0x4000;
	s5 =	sand.u32 $0x1, s0  }
0x6: {  	s19 =	simm.s32 $0x1;
	s20 =	simm.s32 $0x0;
	s6 =	sshll.u32 s5, $0x4  }
0x7: {  	s0 =	rddreg [dreg:$0x2];
	s5 =	ssub.s32 $0x2, s5;
	s6 =	sor.u32 s1, s6  }
0x8: {  	[smem:$0x7FF] =	sst s3;
	s30 =	sshrl.u32 s5, $0x1;
	s7 =	smul.u32 $0x1400, s6  }
0x9: {  	_ =	strace $0x80000047;
	s6 =	sshll.u32 s6, $0xB;
	s31 =	ssub.s32 s5, s30  }
0xa: {  	s5 =	smul.u32 $0x140, s1;
	s6 =	sadd.s32 s6, s4;
	s10 =	sadd.s32 s7, s4  }
0xb: {  	s4 =	sadd.s32 $0x2000, s6;
	s6 =	smax.u32 s31, $0x1;
	s7 =	sadd.s32 $0x12000, s10  }
0xc: {  	v0 =	vimm.f32 $1.000000000e+00;
	v1 =	vimm.f32 $0.0e+00;
	v2 =	vlaneseq.u32;
	s8 =	sadd.s32 $0x12500, s10;
	s9 =	sadd.s32 $0x12A00, s10;
	s10 =	sadd.s32 $0x12F00, s10  }
.LBB2_1:
0xd: {  	s21 =	smul.u32 $0xCCCD, s3;
	_ =	sdelay $0x1  }
0xe: {  	s21 =	sshrl.u32 s21, $0x12  }
0xf: {  	s22 =	smul.u32 $0x5, s21  }
0x10: {  	[tilespmem:s3], [sflag:$0x2] =	stream.linear.gather [hbm4b:s4+s3], $0x3E80, $0x38;
	[tilespmem:$0x13200] =	vst v63  }
0x11: {  	s22 =	ssub.s32 $0x0, s22  }
0x12: {  	_ =	swait.ge [sflag:s11], $0x3E80;
	s22 =	sand.u32 $0xFFFF, s22  }
0x13: {  	[sflag:s11] =	ssyncset.done $0x0;
	s21 =	sshll.u32 s21, $0x7;
	s23 =	sshll.u32 s22, $0x4  }
0x14: {  	[sflag:s11] =	ssyncadd.s32 $0xFFFFC180;
	s22 =	simm.s32 $0x1;
	s21 =	sor.u32 s23, s21  }
0x15: {  	s24 =	smul.u32 $0xCCCD, s22;
	s23 =	simm.s32 $0x2;
	v3 =	vld [tilespmem:s21+$0x0]  }
.LBB2_2:
0x16: {  	p0 =	sne.s32 s23, $0x270  }
0x17: {  	s24 =	sshrl.u32 s24, $0x12  }
0x18: {  	s25 =	smul.u32 $0x5, s24;
	_ =	sdelay $0x1  }
.Ltmp0:
0x19: {  	s25 =	ssub.s32 s22, s25;
	v4 =	vadd.s32 $0xFFFFEC78, v3;
	v3 =	vand.u32 $0x3F, v3;
	s22 =	smov.u32 s23;
	(pc) =	sbr.rel @p0 .LBB2_2-.Ltmp0, $4  }
0x1a: {  	s25 =	sand.u32 $0xFFFF, s25;
	vm0 =	vlt.u32 v4, $0x1388;
	v3 =	vadd.s32 $0x1388, v3  }
0x1b: {  	s24 =	sshll.u32 s24, $0x7;
	s25 =	sshll.u32 s25, $0x4;
	v3 =	vsel vm0, v4, v3  }
0x1c: {  	[tilespmem:s21+$0x0] =	vst v3;
	s21 =	sor.u32 s25, s24  }
0x1d: {  	s23 =	sadd.s32 $0x1, s23;
	s24 =	smul.u32 $0xCCCD, s22;
	v3 =	vld [tilespmem:s21+$0x0]  }
0x1e: {  	_ = 	snop  }
0x1f: {  	s23 =	sshrl.u32 s24, $0x12  }
0x20: {  	s24 =	smul.u32 $0x5, s23;
	_ =	sdelay $0x1  }
0x21: {  	s22 =	ssub.s32 s22, s24;
	v4 =	vadd.s32 $0xFFFFEC78, v3;
	v3 =	vand.u32 $0x3F, v3  }
0x22: {  	s22 =	sand.u32 $0xFFFF, s22;
	vm0 =	vlt.u32 v4, $0x1388;
	v3 =	vadd.s32 $0x1388, v3  }
0x23: {  	s23 =	sshll.u32 s23, $0x7;
	s22 =	sshll.u32 s22, $0x4;
	v3 =	vsel vm0, v4, v3  }
0x24: {  	s22 =	sor.u32 s22, s23;
	[tilespmem:s21+$0x0] =	vst v3  }
0x25: {  	v3 =	vld [tilespmem:s22+$0x0];
	_ =	sdelay $0x4  }
0x26: {  	v63 =	vadd.s32 $0xFFFFEC78, v3;
	v3 =	vand.u32 $0x3F, v3  }
0x27: {  	vm15 =	vlt.u32 v63, $0x1388;
	v3 =	vadd.s32 $0x1388, v3  }
0x28: {  	v3 =	vsel vm15, v63, v3  }
0x29: {  	s21 =	simm.s32 $0x70;
	[tilespmem:s22+$0x0] =	vst v3;
	s22 =	simm.s32 $0x3C0  }
.LBB2_4:
0x2a: {  	p0 =	sne.s32 s22, $0x9FC0;
	[tilespmem:s21+$0x4000] =	vst v0  }
0x2b: {  	[tilespmem:s21+$0x3F90] =	vst v0  }
0x2c: {  	[tilespmem:s21+$0x3FA0] =	vst v0  }
.Ltmp1:
0x2d: {  	[tilespmem:s21+$0x3FB0] =	vst v0;
	(pc) =	sbr.rel @p0 .LBB2_4-.Ltmp1, $4  }
0x2e: {  	[tilespmem:s21+$0x3FC0] =	vst v0  }
0x2f: {  	[tilespmem:s21+$0x3FD0] =	vst v0  }
0x30: {  	[tilespmem:s21+$0x3FE0] =	vst v0  }
0x31: {  	[tilespmem:s21+$0x3FF0] =	vst v0;
	s21 =	sshra.s32 s22, $0x2;
	s22 =	sadd.s32 $0x200, s22  }
0x32: {  	[tilespmem:s21+$0x4000] =	vst v0  }
0x33: {  	[tilespmem:s21+$0x3F90] =	vst v0  }
0x34: {  	[tilespmem:s21+$0x3FA0] =	vst v0  }
0x35: {  	[tilespmem:s21+$0x3FB0] =	vst v0  }
0x36: {  	[tilespmem:s21+$0x3FC0] =	vst v0  }
0x37: {  	[tilespmem:s21+$0x3FD0] =	vst v0  }
0x38: {  	[tilespmem:s21+$0x3FE0] =	vst v0  }
0x39: {  	[tilespmem:s21+$0x3FF0] =	vst v0;
	s21 =	simm.s32 $0x70;
	s22 =	simm.s32 $0x3C0  }
.LBB2_6:
0x3a: {  	p0 =	sne.s32 s22, $0x9FC0;
	[tilespmem:s21+$0x6800] =	vst v1  }
0x3b: {  	[tilespmem:s21+$0x6790] =	vst v1  }
0x3c: {  	[tilespmem:s21+$0x67A0] =	vst v1  }
.Ltmp2:
0x3d: {  	[tilespmem:s21+$0x67B0] =	vst v1;
	(pc) =	sbr.rel @p0 .LBB2_6-.Ltmp2, $4  }
0x3e: {  	[tilespmem:s21+$0x67C0] =	vst v1  }
0x3f: {  	[tilespmem:s21+$0x67D0] =	vst v1  }
0x40: {  	[tilespmem:s21+$0x67E0] =	vst v1  }
0x41: {  	[tilespmem:s21+$0x67F0] =	vst v1;
	s21 =	sshra.s32 s22, $0x2;
	s22 =	sadd.s32 $0x200, s22  }
0x42: {  	s22 =	simm.s32 $0x0  }
0x43: {  	s22 =	smul.u32 $0xCD, s22;
	_ =	sdelay $0x1  }
0x44: {  	[tilespmem:s21+$0x6800] =	vst v1;
	s22 =	sshrl.u32 s22, $0xA  }
0x45: {  	[tilespmem:s21+$0x6790] =	vst v1;
	s23 =	smul.u32 $0x5, s22  }
0x46: {  	[tilespmem:s21+$0x67A0] =	vst v1;
	s24 =	sand.u32 $0x3F, s22  }
0x47: {  	[tilespmem:s21+$0x67B0] =	vst v1;
	s22 =	simm.s32 $0x1;
	s25 =	smul.u32 $0x50, s24;
	s23 =	ssub.s32 $0x0, s23  }
0x48: {  	[tilespmem:s21+$0x67C0] =	vst v1;
	s26 =	smul.u32 $0xCD, s22;
	s23 =	sshll.u32 s23, $0x4  }
0x49: {  	[tilespmem:s21+$0x67D0] =	vst v1;
	s25 =	sadd.s32 s5, s25;
	s28 =	sand.u32 $0xF0, s23  }
0x4a: {  	[tilespmem:s21+$0x67E0] =	vst v1;
	s24 =	sshll.u32 s24, $0x7;
	s23 =	sshrl.u32 s26, $0xA;
	s31 =	sadd.s32 s28, s25  }
0x4b: {  	[tilespmem:s21+$0x67F0] =	vst v1;
	s21 =	simm.s32 $0x2;
	s25 =	smul.u32 $0x5, s23;
	s24 =	sor.u32 s28, s24;
	v3 =	vor.u32 s31, v2  }
.LBB2_8:
0x4c: {  	s26 =	smul.u32 $0xCD, s21;
	s28 =	sand.u32 $0x3F, s23  }
0x4d: {  	[tilespmem:s24+$0x9000] =	vst v3;
	s23 =	smov.u32 s21;
	p0 =	sne.s32 s21, $0x13;
	s24 =	smul.u32 $0x50, s28  }
.Ltmp3:
0x4e: {  	s22 =	ssub.s32 s22, s25;
	(pc) =	sbr.rel @p0 .LBB2_8-.Ltmp3, $4  }
0x4f: {  	s21 =	sadd.s32 $0x1, s21;
	s22 =	sshll.u32 s22, $0x4  }
0x50: {  	s24 =	sadd.s32 s5, s24;
	s29 =	sand.u32 $0xF0, s22;
	s22 =	smov.u32 s23  }
0x51: {  	s23 =	sshrl.u32 s26, $0xA;
	s26 =	sshll.u32 s28, $0x7;
	s24 =	sadd.s32 s29, s24  }
0x52: {  	s25 =	smul.u32 $0x5, s23;
	v3 =	vor.u32 s24, v2;
	s24 =	sor.u32 s29, s26  }
0x53: {  	s21 =	sand.u32 $0x3F, s23  }
0x54: {  	s22 =	ssub.s32 s22, s25;
	s23 =	smul.u32 $0x50, s21  }
0x55: {  	s22 =	sshll.u32 s22, $0x4  }
0x56: {  	s23 =	sadd.s32 s5, s23;
	s22 =	sand.u32 $0xF0, s22  }
0x57: {  	s21 =	sshll.u32 s21, $0x7;
	s23 =	sadd.s32 s22, s23  }
0x58: {  	[tilespmem:s24+$0x9000] =	vst v3;
	s21 =	sor.u32 s22, s21;
	v3 =	vor.u32 s23, v2  }
0x59: {  	[tilespmem:s21+$0x9000] =	vst v3  }
0x5a: {  	[spmem:s2] =	stream.indirect.scatter [tilespmem:s14], [sflag:$0x2], $0x80, s13, s12, $0xb8;
	[tilespmem:$0x13200] =	vst v63  }
0x5b: {  	_ =	swait.ge [sflag:s11], $0x2800  }
0x5c: {  	[sflag:s11] =	ssyncset.done $0x0  }
0x5d: {  	[sflag:s11] =	ssyncadd.s32 $0xFFFFD800  }
0x5e: {  	[spmem:s2] =	stream.indirect.scatter [tilespmem:s14], [sflag:$0x2], $0x80, s15, s12, $0xb8;
	[tilespmem:$0x13200] =	vst v63  }
0x5f: {  	_ =	swait.ge [sflag:s11], $0x2800  }
0x60: {  	[sflag:s11] =	ssyncset.done $0x0  }
0x61: {  	[sflag:s11] =	ssyncadd.s32 $0xFFFFD800  }
0x62: {  	[spmem:s2] =	stream.indirect.scatter [tilespmem:s14], [sflag:$0x2], $0x80, s16, s12, $0xb8;
	[tilespmem:$0x13200] =	vst v63  }
0x63: {  	_ =	swait.ge [sflag:s11], $0x2800  }
0x64: {  	[sflag:s11] =	ssyncset.done $0x0  }
0x65: {  	[sflag:s11] =	ssyncadd.s32 $0xFFFFD800  }
0x66: {  	[spmem:s2] =	stream.indirect.scatter [tilespmem:s14], [sflag:$0x2], $0x80, s17, s12, $0xb8;
	[tilespmem:$0x13200] =	vst v63  }
0x67: {  	_ =	swait.ge [sflag:s11], $0x2800  }
0x68: {  	[sflag:s11] =	ssyncset.done $0x0  }
0x69: {  	[sflag:s11] =	ssyncadd.s32 $0xFFFFD800  }
0x6a: {  	s21 =	simm.s32 $0x0;
	[bflag:$0x0] =	sbarrier.arrive $0xFFFF  }
.LBB2_10:
0x6b: {  	p0 =	sne.s32 s21, $0xF800  }
.Ltmp4:
0x6c: {  	_ = 	snop;
	(pc) =	sbr.rel @p0 .LBB2_10-.Ltmp4, $3  }
0x6d: {  	_ =	sdelay $0x1  }
0x6e: {  	s22 =	sshra.s32 s21, $0x2;
	s21 =	sadd.s32 $0x200, s21  }
0x6f: {  	[spmem:s2] =	stream.indirect.scatter.add.f32 [tilespmem:s18], [sflag:$0x1], $0x80, s22, s12, $0xb8;
	[tilespmem:$0x13200] =	vst v63  }
0x70: {  	_ =	swait.ge [sflag:s19], $0x2800  }
0x71: {  	s21 =	simm.s32 $0x7C;
	[sflag:s19] =	ssyncset.done $0x0  }
.LBB2_12:
0x72: {  	p0 =	sne.s32 s21, $0x1;
	s21 =	sadd.s32 $0xFFFFFFFF, s21;
	[sflag:s19] =	ssyncadd.s32 $0xFFFFD800  }
.Ltmp5:
0x73: {  	(pc) =	sbr.rel @p0 .LBB2_12-.Ltmp5, $3  }
0x74: {  	_ =	sdelay $0x1  }
0x75: {  	_ =	swait.ge [sflag:s19], $0x2800  }
0x76: {  	[sflag:s19] =	ssyncset.done $0x0  }
0x77: {  	[sflag:s19] =	ssyncadd.s32 $0xFFFFD800  }
0x78: {  	[bflag:$0x0] =	sbarrier.arrive $0xFFFF  }
0x79: {  	[tilespmem:s14], [sflag:$0x2] =	stream.indirect.gather [spmem:s2], $0x80, s13, s12, $0xb8;
	[tilespmem:$0x13200] =	vst v63  }
0x7a: {  	_ =	swait.ge [sflag:s11], $0x2800  }
0x7b: {  	[sflag:s11] =	ssyncset.done $0x0  }
0x7c: {  	[sflag:s11] =	ssyncadd.s32 $0xFFFFD800  }
0x7d: {  	[hbm4b:s7+s3] =	stream.linear.scatter [tilespmem:s14], [sflag:$0x2], $0x2800, $0x38;
	[tilespmem:$0x13200] =	vst v63  }
0x7e: {  	_ =	swait.ge [sflag:s11], $0x2800  }
0x7f: {  	[sflag:s11] =	ssyncset.done $0x0  }
0x80: {  	[sflag:s11] =	ssyncadd.s32 $0xFFFFD800  }
0x81: {  	[tilespmem:s14], [sflag:$0x2] =	stream.indirect.gather [spmem:s2], $0x80, s15, s12, $0xb8;
	[tilespmem:$0x13200] =	vst v63  }
0x82: {  	_ =	swait.ge [sflag:s11], $0x2800  }
0x83: {  	[sflag:s11] =	ssyncset.done $0x0  }
0x84: {  	[sflag:s11] =	ssyncadd.s32 $0xFFFFD800  }
0x85: {  	[hbm4b:s8+s3] =	stream.linear.scatter [tilespmem:s14], [sflag:$0x2], $0x2800, $0x38;
	[tilespmem:$0x13200] =	vst v63  }
0x86: {  	_ =	swait.ge [sflag:s11], $0x2800  }
0x87: {  	[sflag:s11] =	ssyncset.done $0x0  }
0x88: {  	[sflag:s11] =	ssyncadd.s32 $0xFFFFD800  }
0x89: {  	[tilespmem:s14], [sflag:$0x2] =	stream.indirect.gather [spmem:s2], $0x80, s16, s12, $0xb8;
	[tilespmem:$0x13200] =	vst v63  }
0x8a: {  	_ =	swait.ge [sflag:s11], $0x2800  }
0x8b: {  	[sflag:s11] =	ssyncset.done $0x0  }
0x8c: {  	[sflag:s11] =	ssyncadd.s32 $0xFFFFD800  }
0x8d: {  	[hbm4b:s9+s3] =	stream.linear.scatter [tilespmem:s14], [sflag:$0x2], $0x2800, $0x38;
	[tilespmem:$0x13200] =	vst v63  }
0x8e: {  	_ =	swait.ge [sflag:s11], $0x2800  }
0x8f: {  	[sflag:s11] =	ssyncset.done $0x0  }
0x90: {  	[sflag:s11] =	ssyncadd.s32 $0xFFFFD800  }
0x91: {  	[tilespmem:s14], [sflag:$0x2] =	stream.indirect.gather [spmem:s2], $0x80, s17, s12, $0xb8;
	[tilespmem:$0x13200] =	vst v63  }
0x92: {  	s20 =	sadd.s32 $0x1, s20;
	_ =	swait.ge [sflag:s11], $0x2800  }
0x93: {  	p0 =	sne.s32 s20, s6;
	[sflag:s11] =	ssyncset.done $0x0  }
.Ltmp6:
0x94: {  	[sflag:s11] =	ssyncadd.s32 $0xFFFFD800;
	(pc) =	sbr.rel @p0 .LBB2_1-.Ltmp6, $4  }
0x95: {  	[hbm4b:s10+s3] =	stream.linear.scatter [tilespmem:s14], [sflag:$0x2], $0x2800, $0x38;
	[tilespmem:$0x13200] =	vst v63  }
0x96: {  	_ =	swait.ge [sflag:s11], $0x2800  }
0x97: {  	[sflag:s11] =	ssyncset.done $0x0  }
0x98: {  	[sflag:s11] =	ssyncadd.s32 $0xFFFFD800  }
0x99: {  	_ =	sfence.sel $0x180000  }
0x9a: {  	[bflag:$0x0] =	sbarrier.arrive $0xFFFF  }
0x9b: {  	p0 =	sne.s32 s1, $0x0;
	_ =	strace $0x90000047  }
0x9c: {  	s0 =	sadd.s32 @!p0 $0x100000, s0;
	[bflag:$0x2] =	sbarrier.arrive $0xFFFF  }
0x9d: {  	[sflag:s0] =	ssyncadd.tile.s32 @!p0 $0x1;
	_ =	shalt  }
.Lfunc_end2:
_tile_overlayer_lowered:
.L_overlay_start_2:
0x9e: {  	(tag) =	ssettag $0x2  }
0x9f: {  	s0 =	rddreg [dreg:$0x0];
	s2 =	stileid.u32  }
0xa0: {  	s1 =	rddreg [dreg:$0x1];
	p0 =	sne.s32 s2, $0x0  }
0xa1: {  	s3 =	rddreg [dreg:$0x2];
	[bflag:$0x3] =	sbarrier.arrive $0xFFFF;
	s2 =	simm.s32 @!p0 $0x1C02  }
0xa2: {  	[timem:s3], [sflag:s2] =	dma.local @!p0 [hbm:s0], s1  }
0xa3: {  	s0 =	simm.s32 @!p0 $0x2  }
0xa4: {  	_ =	swait.ge @!p0 [sflag:s0], s1  }
0xa5: {  	s1 =	ssub.s32 @!p0 $0x0, s1;
	[sflag:s0] =	ssyncset.done @!p0 $0x0  }
0xa6: {  	[sflag:s0] =	ssyncadd.s32 @!p0 s1  }
0xa7: {  	[bflag:$0x3] =	sbarrier.arrive $0xFFFF  }
0xa8: {  	_ =	shalt  }

// kernel: kernel.15.cloned.1.call-start
scs
__scs_entry_jumppad:
0x0: {  	(pc) =	sbr.rel $0x88, $3  }
0x1: {  	(tag) =	ssettag $0x0;
	lr =	simm.s32 $0x1  }
0x2: {  	[smem:$0x3F9D] =	sst lr;
	_ =	strace $0xD0000000  }
0x3: {  	_ = 	snop  }
0x4: {  	_ = 	snop  }
0x5: {  	_ = 	snop  }
0x6: {  	_ = 	snop  }
0x7: {  	_ = 	snop  }
__scs_overlays_trampoline_lowered:
0x8: {  	[smem:$0x3FAC] =	sst s0  }
0x9: {  	[smem:$0x3FAD] =	sst s1  }
0xa: {  	[smem:$0x3FAE] =	sst s2  }
0xb: {  	[smem:$0x3FAF] =	sst s3  }
0xc: {  	[smem:$0x3FB0] =	sst s4  }
0xd: {  	[smem:$0x3FB1] =	sst s5  }
0xe: {  	[smem:$0x3FB2] =	sst s6  }
0xf: {  	[smem:$0x3FB3] =	sst s7  }
0x10: {  	[smem:$0x3FB4] =	sst s8  }
0x11: {  	[smem:$0x3FB5] =	sst s9;
	s0 =	simm.s32 @!p0 $0x0  }
0x12: {  	s1 =	sld [smem:$0x3F9B];
	s0 =	simm.s32 @p0 $0x1  }
0x13: {  	[smem:$0x3FB6] =	sst s0;
	s0 =	simm.s32 @!p1 $0x0  }
0x14: {  	s2 =	sld [smem:$0x3F9A];
	s0 =	simm.s32 @p1 $0x1  }
0x15: {  	[smem:$0x3FB7] =	sst s0;
	s0 =	simm.s32 @!p2 $0x0  }
0x16: {  	s3 =	sld [smem:$0x3FDB];
	s0 =	simm.s32 @p2 $0x1  }
0x17: {  	s4 =	simm.s32 $0x1BF5;
	[smem:$0x3FB9] =	sst s0  }
0x18: {  	s0 =	sld [smem:$0x3F9C];
	_ =	swait.ge [sflag:s4], $0x0  }
0x19: {  	s7 =	sld [smem:$0x3F9D]  }
0x1a: {  	s8 =	sadd.s32 $0xFFFFE003, lr  }
0x1b: {  	s9 =	sadd.s32 $0xFFFFFEF7, lr;
	s5 =	simm.s32 $0xFFFFFFFF;
	p2 =	slt.u32 s8, $0xFFFFF086  }
0x1c: {  	p1 =	slt.u32 s9, $0xF7A;
	s5 =	simm.s32 @!p2 $0x0  }
0x1d: {  	s5 =	simm.s32 @p1 $0x1;
	p0 =	seq.s32 s7, s2  }
0x1e: {  	s7 =	smul.u32 @!p0 $0xF7A, s2;
	p2 =	seq.s32 @!p0 s5, $0x0  }
0x1f: {  	s9 =	smul.u32 $0xF7A, s1;
	s8 =	simm.s32 @!p0 $0x1BF5;
	p2 =	por !p2, p0  }
0x20: {  	[sflag:s8] =	ssyncset.s32 @!p0 $0xFFFFF086;
	s6 =	sadd.s32 @!p0 s3, s7;
	s7 =	simm.s32 @!p0 $0x108  }
0x21: {  	s3 =	sadd.s32 s3, s9;
	s6 =	sadd.s32 @!p0 $0x88, s6;
	s7 =	simm.s32 @p2 $0x1082  }
0x22: {  	[simem:s7], [sflag:s8] =	dma.local @!p0 [hbm:s6], $0xF7A  }
0x23: {  	s9 =	sor.u32 $0xD0000000, s2;
	s6 =	simm.s32 $0x108;
	_ =	swait.ge @!p0 [sflag:s8], $0x0  }
0x24: {  	s3 =	sadd.s32 $0x88, s3;
	s6 =	simm.s32 @!p1 $0x1082;
	[sflag:s4] =	ssyncset.s32 $0xFFFFF086  }
0x25: {  	[simem:s6], [sflag:s4] =	dma.local [hbm:s3], $0xF7A  }
0x26: {  	[smem:$0x3F9D] =	sst s1;
	(tag) =	ssettag s2;
	_ =	strace s9  }
0x27: {  	s1 =	sld [smem:$0x3FAD]  }
0x28: {  	s2 =	sld [smem:$0x3FAE]  }
0x29: {  	s4 =	sld [smem:$0x3FB0]  }
0x2a: {  	p0 =	seq.s32 s5, $0x0;
	s5 =	sld [smem:$0x3FB1]  }
0x2b: {  	s6 =	sld [smem:$0x3FB2]  }
0x2c: {  	s7 =	sld [smem:$0x3FB3]  }
0x2d: {  	s3 =	simm.s32 $0x108;
	s8 =	sld [smem:$0x3FB4]  }
0x2e: {  	s3 =	simm.s32 @!p0 $0x1082;
	s9 =	sld [smem:$0x3FB5]  }
0x2f: {  	lr =	sadd.s32 s0, s3;
	s0 =	sld [smem:$0x3FAC]  }
0x30: {  	s3 =	sld [smem:$0x3FAF]  }
0x31: {  	[smem:$0x3FB8] =	sst s10  }
0x32: {  	s10 =	sld [smem:$0x3FB6];
	_ =	sdelay $0x3  }
0x33: {  	p0 =	seq.s32 s10, $0x1;
	s10 =	sld [smem:$0x3FB8];
	_ =	sdelay $0x3  }
0x34: {  	[smem:$0x3FB8] =	sst s10  }
0x35: {  	s10 =	sld [smem:$0x3FB7];
	_ =	sdelay $0x3  }
0x36: {  	p1 =	seq.s32 s10, $0x1;
	s10 =	sld [smem:$0x3FB8];
	_ =	sdelay $0x3  }
0x37: {  	[smem:$0x3FB8] =	sst s10  }
0x38: {  	s10 =	sld [smem:$0x3FB9]  }
0x39: {  	_ = 	snop;
	(pc) =	sbr.ind lr, $3  }
0x3a: {  	_ = 	snop  }
0x3b: {  	_ = 	snop  }
0x3c: {  	p2 =	seq.s32 s10, $0x1;
	s10 =	sld [smem:$0x3FB8]  }
0x3d: {  	_ =	shalt  }
0x3e: {  	_ =	shalt  }
0x3f: {  	_ =	shalt  }
0x40: {  	_ =	shalt  }
0x41: {  	_ =	shalt  }
0x42: {  	_ =	shalt  }
0x43: {  	_ =	shalt  }
0x44: {  	_ =	shalt  }
0x45: {  	_ =	shalt  }
0x46: {  	_ =	shalt  }
0x47: {  	_ =	shalt  }
0x48: {  	_ =	shalt  }
0x49: {  	_ =	shalt  }
0x4a: {  	_ =	shalt  }
0x4b: {  	_ =	shalt  }
0x4c: {  	_ =	shalt  }
0x4d: {  	_ =	shalt  }
0x4e: {  	_ =	shalt  }
0x4f: {  	_ =	shalt  }
0x50: {  	_ =	shalt  }
0x51: {  	_ =	shalt  }
0x52: {  	_ =	shalt  }
0x53: {  	_ =	shalt  }
0x54: {  	_ =	shalt  }
0x55: {  	_ =	shalt  }
0x56: {  	_ =	shalt  }
0x57: {  	_ =	shalt  }
0x58: {  	_ =	shalt  }
0x59: {  	_ =	shalt  }
0x5a: {  	_ =	shalt  }
0x5b: {  	_ =	shalt  }
0x5c: {  	_ =	shalt  }
0x5d: {  	_ =	shalt  }
0x5e: {  	_ =	shalt  }
0x5f: {  	_ =	shalt  }
0x60: {  	_ =	shalt  }
0x61: {  	_ =	shalt  }
0x62: {  	_ =	shalt  }
0x63: {  	_ =	shalt  }
0x64: {  	_ =	shalt  }
0x65: {  	_ =	shalt  }
0x66: {  	_ =	shalt  }
0x67: {  	_ =	shalt  }
0x68: {  	_ =	shalt  }
0x69: {  	_ =	shalt  }
0x6a: {  	_ =	shalt  }
0x6b: {  	_ =	shalt  }
0x6c: {  	_ =	shalt  }
0x6d: {  	_ =	shalt  }
0x6e: {  	_ =	shalt  }
0x6f: {  	_ =	shalt  }
0x70: {  	_ =	shalt  }
0x71: {  	_ =	shalt  }
0x72: {  	_ =	shalt  }
0x73: {  	_ =	shalt  }
0x74: {  	_ =	shalt  }
0x75: {  	_ =	shalt  }
0x76: {  	_ =	shalt  }
0x77: {  	_ =	shalt  }
0x78: {  	_ =	shalt  }
0x79: {  	_ =	shalt  }
0x7a: {  	_ =	shalt  }
0x7b: {  	_ =	shalt  }
0x7c: {  	_ =	shalt  }
0x7d: {  	_ =	shalt  }
0x7e: {  	_ =	shalt  }
0x7f: {  	_ =	shalt  }
0x80: {  	_ =	shalt  }
0x81: {  	_ =	shalt  }
0x82: {  	_ =	shalt  }
0x83: {  	_ =	shalt  }
0x84: {  	_ =	shalt  }
0x85: {  	_ =	shalt  }
0x86: {  	_ =	shalt  }
0x87: {  	_ =	shalt  }
.Lfunc_end0:
.L_simem_size_0:
called_computation.2_lowered:
.L_overlay_start_0:
0x88: {  	s2 =	sld [smem:$0x3FD9]  }
0x89: {  	s3 =	sld [smem:$0x3FFE];
	_ =	sdelay $0x1  }
0x8a: {  	s1 =	srdreg.scid  }
0x8b: {  	s0 =	sand.u32 $0x1, s1  }
0x8c: {  	s17 =	sshll.u32 s0, $0xA;
	s2 =	sadd.s32 s3, s2  }
0x8d: {  	s2 =	sadd.s32 s2, s17  }
0x8e: {  	[smem:$0x3FC4] =	sst s2  }
0x8f: {  	_ = 	snop  }
0x90: {  	s18 =	sld [smem:$0x3FD0];
	(tm) =	ssettm $0x1  }
0x91: {  	s19 =	sld [smem:$0x3FFB];
	_ =	sdelay $0x3  }
0x92: {  	_ =	strace s19  }
0x93: {  	s2 =	sld [smem:$0x3FFC];
	_ =	sdelay $0x3  }
0x94: {  	_ =	strace s2  }
0x95: {  	s2 =	sld [smem:$0x3FFD];
	_ =	sdelay $0x3  }
0x96: {  	_ =	strace s2  }
0x97: {  	_ =	strace $0x8FFFFFFF  }
0x98: {  	s20 =	sld [smem:$0x3FDB];
	_ =	sdelay $0x1  }
0x99: {  	s4 =	simm.s32 $_scs_section_size  }
0x9a: {  	s5 =	simm.s32 $_size__tile_overlayer_lowered;
	s6 =	simm.s32 $_tile_overlayer_lowered  }
0x9b: {  	s7 =	simm.s32 $0x1BFF;
	s21 =	sshll.u32 s6, $0x1;
	s4 =	sadd.s32 s4, s20  }
0x9c: {  	s22 =	simm.s32 $0x0;
	s5 =	sshll.u32 s5, $0x1;
	s6 =	sadd.s32 s21, s4  }
0x9d: {  	[timem:s22], [sflag:s7] =	dma.local [hbm:s6], s5  }
0x9e: {  	_ =	swait.ge [sflag:s7], s5  }
0x9f: {  	s5 =	ssub.s32 $0x0, s5;
	[sflag:s7] =	ssyncset.done $0x0  }
0xa0: {  	[sflag:s7] =	ssyncadd.s32 s5;
	_ =	sdelay $0x1  }
0xa1: {  	s23 =	simm.s32 $0x1B8B  }
0xa2: {  	_ =	swait.ge [sflag:s23], $0x1  }
0xa3: {  	[sflag:s23] =	ssyncset.done $0x0  }
0xa4: {  	[sflag:s23] =	ssyncadd.s32 $0xFFFFFFFF  }
0xa5: {  	s5 =	sld [smem:$0x0]  }
0xa6: {  	s6 =	sand.u32 $0xFFFFFFFE, s1  }
0xa7: {  	p0 =	sne.s32 s1, s6  }
0xa8: {  	s6 =	sshll.u32 @p0 s6, $0xE  }
0xa9: {  	s6 =	sadd.s32 @p0 $0x11B8D, s6;
	s7 =	sshll.u32 @p0 s5, $0x11  }
0xaa: {  	s6 =	sor.u32 @p0 s7, s6  }
0xab: {  	[sflag:s6] =	ssyncadd.remote.s32 @p0 $0x1;
	_ =	sdelay $0x1  }
0xac: {  	s6 =	simm.s32 @p0 $0x1B8D  }
0xad: {  	_ =	swait.eq @p0 [sflag:s6], $0x1  }
0xae: {  	[sflag:s6] =	ssyncadd.s32 @p0 $0xFFFFFFFF  }
0xaf: {  	s7 =	sshll.u32 @!p0 s1, $0xE  }
0xb0: {  	s7 =	sor.u32 @!p0 $0x4000, s7;
	s6 =	simm.s32 @!p0 $0x1B8D  }
0xb1: {  	s5 =	sshll.u32 @!p0 s5, $0x11;
	s7 =	sadd.s32 @!p0 $0x11B8D, s7;
	_ =	swait.eq @!p0 [sflag:s6], $0x1  }
0xb2: {  	s5 =	sor.u32 @!p0 s5, s7;
	[sflag:s6] =	ssyncadd.s32 @!p0 $0xFFFFFFFF  }
0xb3: {  	s25 =	simm.s32 $0x1B8E;
	s24 =	sld [smem:$0x3FFE];
	[sflag:s5] =	ssyncadd.remote.s32 @!p0 $0x1  }
0xb4: {  	s26 =	simm.s32 $execute0_lowered;
	[smem:$0x3FD2] =	sst s25  }
0xb5: {  	s6 =	sshll.u32 s26, $0x1;
	_ =	strace $0x8000004F;
	[dreg:$0x1] =	wrdreg $0xFFFFFFFF  }
0xb6: {  	s28 =	simm.s32 $_size_execute0_lowered;
	s4 =	sadd.s32 s4, s6;
	[dreg:$0x0] =	wrdreg $0x0  }
0xb7: {  	s6 =	sshll.u32 s28, $0x1;
	[dreg:$0x2] =	wrdreg s4  }
0xb8: {  	[dreg:$0x3] =	wrdreg s6  }
0xb9: {  	[dreg:$0x4] =	wrdreg $0xC0  }
0xba: {  	_ =	task [dreg:s22], $0x5FFFF  }
0xbb: {  	[dreg:$0x1] =	wrdreg $0xFFFFFFFF  }
0xbc: {  	[dreg:$0x0] =	wrdreg $0x60  }
0xbd: {  	[dreg:$0x2] =	wrdreg s18  }
0xbe: {  	[dreg:$0x3] =	wrdreg s24  }
0xbf: {  	[dreg:$0x4] =	wrdreg $0xFA000  }
0xc0: {  	[dreg:$0x5] =	wrdreg $0x9  }
0xc1: {  	_ =	task.clear_ibuf [dreg:s22], $0x6FFFF;
	_ =	strace $0x9000004F  }
0xc2: {  	s29 =	simm.s32 $0x9;
	_ =	strace $0x80000051  }
0xc3: {  	_ =	swait.ge [sflag:s29], $0x1  }
0xc4: {  	[sflag:s29] =	ssyncadd.s32 $0xFFFFFFFF  }
0xc5: {  	_ =	strace $0x90000051  }
0xc6: {  	_ =	sfence  }
0xc7: {  	s30 =	sld [smem:$0x0];
	_ =	sdelay $0x2  }
0xc8: {  	s31 =	sshll.u32 s1, $0xD;
	s1 =	sshrl.u32 s1, $0x2  }
0xc9: {  	s4 =	sand.u32 $0x4000, s31;
	s1 =	sadd.s32 s1, s30  }
0xca: {  	s0 =	sor.u32 s4, s0;
	s1 =	sshll.u32 s1, $0x11  }
0xcb: {  	s0 =	sor.u32 s1, s0  }
0xcc: {  	s0 =	sadd.s32 $0x8F2B, s0  }
0xcd: {  	[sflag:s0] =	ssyncadd.remote.s32 $0x1  }
0xce: {  	_ =	sfence.sel $0xFFFF  }
0xcf: {  	[dreg:$0x0] =	wrdreg $0xFFFFFFFF;
	(pc) =	sbr.abs _section_cstart, $3  }
0xd0: {  	[dreg:$0x1] =	wrdreg $0xFFFFFFFF  }
0xd1: {  	_ =	task.clear_ibuf [dreg:s22], $0x2FFFF;
	_ =	strace $0x9FFFFFFF  }
0xd2: {  	(tm) =	ssettm $0x7FFFFFFF  }
0xd3: {  	_ =	shalt  }
tec
execute0_lowered:
.L_overlay_start_1:
0x0: {  	(tag) =	ssettag $0x1  }
0x1: {  	s0 =	rddreg [dreg:$0x0]  }
0x2: {  	s2 =	rddreg [dreg:$0x1]  }
0x3: {  	s1 =	srdreg.scid;
	s3 =	rddreg [dreg:$0x2]  }
0x4: {  	s8 =	stileid.u32;
	s4 =	simm.s32 $0x0;
	s13 =	simm.s32 $0x4  }
0x5: {  	s14 =	simm.s32 $0x4000;
	s15 =	simm.s32 $0x50;
	s16 =	simm.s32 $0xF800  }
0x6: {  	s17 =	simm.s32 $0xD000;
	s18 =	simm.s32 $0xF880;
	s19 =	simm.s32 $0xF900  }
0x7: {  	s20 =	simm.s32 $0xF980;
	s21 =	simm.s32 $0x8000;
	s22 =	simm.s32 $0x1  }
0x8: {  	s24 =	simm.s32 $0xA800;
	s26 =	simm.s32 $0x2;
	s1 =	sand.u32 $0x1, s1  }
0x9: {  	s28 =	simm.s32 $0x3;
	s5 =	sshll.u32 s1, $0x4;
	s1 =	ssub.s32 $0x2, s1  }
0xa: {  	s29 =	simm.s32 $0x0;
	s5 =	sor.u32 s8, s5;
	s7 =	sshrl.u32 s1, $0x1  }
0xb: {  	s6 =	smul.u32 $0x1400, s5;
	s5 =	sshll.u32 s5, $0xB;
	s1 =	ssub.s32 s1, s7  }
0xc: {  	[smem:$0x7FF] =	sst s4;
	s5 =	sadd.s32 s5, s2;
	s1 =	smax.u32 s1, $0x1  }
0xd: {  	_ =	strace $0x80000050;
	s31 =	sadd.s32 $0x62000, s5;
	[dreg:$0x6] =	wrdreg s1  }
0xe: {  	s2 =	sadd.s32 s6, s2;
	s5 =	sadd.s32 $0x2000, s5;
	[dreg:$0x4] =	wrdreg s31  }
0xf: {  	s7 =	smul.u32 $0x140, s8;
	[dreg:$0x5] =	wrdreg s5;
	s9 =	sadd.s32 $0x3A000, s2  }
0x10: {  	v0 =	vimm.f32 $0.0e+00;
	v1 =	vlaneseq.u32;
	s10 =	sadd.s32 $0x3A500, s2;
	s11 =	sadd.s32 $0x3AA00, s2;
	s12 =	sadd.s32 $0x3AF00, s2  }
.LBB2_1:
0x11: {  	s1 =	rddreg [dreg:$0x4];
	s30 =	smul.u32 $0xCCCD, s4  }
0x12: {  	[tilespmem:s4], [sflag:$0x4] =	stream.linear.gather [hbm4b:s1+s4], $0x3E80, $0x38;
	[tilespmem:$0x19A00] =	vst v63  }
0x13: {  	_ =	swait.ge [sflag:s13], $0x3E80  }
0x14: {  	s1 =	sshrl.u32 s30, $0x12;
	[sflag:s13] =	ssyncset.done $0x0  }
0x15: {  	s2 =	smul.u32 $0x5, s1;
	s5 =	rddreg [dreg:$0x5];
	[sflag:s13] =	ssyncadd.s32 $0xFFFFC180  }
0x16: {  	[tilespmem:s14], [sflag:$0x4] =	stream.linear.gather [hbm4b:s5+s4], $0x3E80, $0x38;
	[tilespmem:$0x19A00] =	vst v63  }
0x17: {  	s2 =	ssub.s32 $0x0, s2  }
0x18: {  	_ =	swait.ge [sflag:s13], $0x3E80;
	s2 =	sand.u32 $0xFFFF, s2  }
0x19: {  	s1 =	sshll.u32 s1, $0x7;
	[sflag:s13] =	ssyncset.done $0x0;
	s31 =	sshll.u32 s2, $0x4  }
0x1a: {  	s2 =	simm.s32 $0x1;
	[sflag:s13] =	ssyncadd.s32 $0xFFFFC180;
	s1 =	sor.u32 s31, s1  }
0x1b: {  	s5 =	simm.s32 $0x2;
	s23 =	smul.u32 $0xCCCD, s2;
	v2 =	vld [tilespmem:s1+$0x4000]  }
.LBB2_2:
0x1c: {  	p0 =	sne.s32 s5, $0x270  }
0x1d: {  	s23 =	sshrl.u32 s23, $0x12  }
0x1e: {  	s25 =	smul.u32 $0x5, s23;
	_ =	sdelay $0x1  }
.Ltmp0:
0x1f: {  	s25 =	ssub.s32 s2, s25;
	v3 =	vand.u32 $0x3F, v2;
	s2 =	smov.u32 s5;
	(pc) =	sbr.rel @p0 .LBB2_2-.Ltmp0, $4  }
0x20: {  	vm0 =	vlt.u32 v2, $0x1388;
	s25 =	sand.u32 $0xFFFF, s25;
	v3 =	vadd.s32 $0x1388, v3  }
0x21: {  	s23 =	sshll.u32 s23, $0x7;
	s25 =	sshll.u32 s25, $0x4;
	v2 =	vsel vm0, v2, v3  }
0x22: {  	[tilespmem:s1+$0x4000] =	vst v2;
	s1 =	sor.u32 s25, s23  }
0x23: {  	s5 =	sadd.s32 $0x1, s5;
	s23 =	smul.u32 $0xCCCD, s2;
	v2 =	vld [tilespmem:s1+$0x4000]  }
0x24: {  	_ = 	snop  }
0x25: {  	s5 =	sshrl.u32 s23, $0x12  }
0x26: {  	s23 =	smul.u32 $0x5, s5;
	_ =	sdelay $0x1  }
0x27: {  	s2 =	ssub.s32 s2, s23;
	v3 =	vand.u32 $0x3F, v2  }
0x28: {  	vm0 =	vlt.u32 v2, $0x1388;
	s2 =	sand.u32 $0xFFFF, s2;
	v3 =	vadd.s32 $0x1388, v3  }
0x29: {  	s5 =	sshll.u32 s5, $0x7;
	s2 =	sshll.u32 s2, $0x4;
	v2 =	vsel vm0, v2, v3  }
0x2a: {  	s2 =	sor.u32 s2, s5;
	[tilespmem:s1+$0x4000] =	vst v2  }
0x2b: {  	v2 =	vld [tilespmem:s2+$0x4000];
	_ =	sdelay $0x4  }
0x2c: {  	v3 =	vand.u32 $0x3F, v2  }
0x2d: {  	vm15 =	vlt.u32 v2, $0x1388;
	v3 =	vadd.s32 $0x1388, v3  }
0x2e: {  	v2 =	vsel vm15, v2, v3  }
0x2f: {  	s1 =	simm.s32 $0x70;
	[tilespmem:s2+$0x4000] =	vst v2;
	s2 =	simm.s32 $0x3C0  }
.LBB2_4:
0x30: {  	p0 =	sne.s32 s2, $0x9FC0;
	[tilespmem:s1+$0xD000] =	vst v0  }
0x31: {  	[tilespmem:s1+$0xCF90] =	vst v0  }
0x32: {  	[tilespmem:s1+$0xCFA0] =	vst v0  }
.Ltmp1:
0x33: {  	[tilespmem:s1+$0xCFB0] =	vst v0;
	(pc) =	sbr.rel @p0 .LBB2_4-.Ltmp1, $4  }
0x34: {  	[tilespmem:s1+$0xCFC0] =	vst v0  }
0x35: {  	[tilespmem:s1+$0xCFD0] =	vst v0  }
0x36: {  	[tilespmem:s1+$0xCFE0] =	vst v0  }
0x37: {  	[tilespmem:s1+$0xCFF0] =	vst v0;
	s1 =	sshra.s32 s2, $0x2;
	s2 =	sadd.s32 $0x200, s2  }
0x38: {  	s2 =	simm.s32 $0x0  }
0x39: {  	s2 =	smul.u32 $0xCD, s2;
	_ =	sdelay $0x1  }
0x3a: {  	[tilespmem:s1+$0xD000] =	vst v0;
	s2 =	sshrl.u32 s2, $0xA  }
0x3b: {  	[tilespmem:s1+$0xCF90] =	vst v0;
	s5 =	smul.u32 $0x5, s2  }
0x3c: {  	[tilespmem:s1+$0xCFA0] =	vst v0;
	s23 =	sand.u32 $0x3F, s2  }
0x3d: {  	[tilespmem:s1+$0xCFB0] =	vst v0;
	s2 =	simm.s32 $0x1;
	s25 =	smul.u32 $0x50, s23;
	s5 =	ssub.s32 $0x0, s5  }
0x3e: {  	[tilespmem:s1+$0xCFC0] =	vst v0;
	s30 =	smul.u32 $0xCD, s2;
	s5 =	sshll.u32 s5, $0x4  }
0x3f: {  	[tilespmem:s1+$0xCFD0] =	vst v0;
	s25 =	sadd.s32 s7, s25;
	s31 =	sand.u32 $0xF0, s5  }
0x40: {  	[tilespmem:s1+$0xCFE0] =	vst v0;
	s23 =	sshll.u32 s23, $0x7;
	s5 =	sshrl.u32 s30, $0xA;
	s8 =	sadd.s32 s31, s25  }
0x41: {  	[tilespmem:s1+$0xCFF0] =	vst v0;
	s1 =	simm.s32 $0x2;
	s25 =	smul.u32 $0x5, s5;
	s23 =	sor.u32 s31, s23;
	v2 =	vor.u32 s8, v1  }
.LBB2_6:
0x42: {  	s30 =	smul.u32 $0xCD, s1;
	s31 =	sand.u32 $0x3F, s5  }
0x43: {  	[tilespmem:s23+$0xF800] =	vst v2;
	s5 =	smov.u32 s1;
	p0 =	sne.s32 s1, $0x13;
	s23 =	smul.u32 $0x50, s31  }
.Ltmp2:
0x44: {  	s2 =	ssub.s32 s2, s25;
	(pc) =	sbr.rel @p0 .LBB2_6-.Ltmp2, $4  }
0x45: {  	s1 =	sadd.s32 $0x1, s1;
	s2 =	sshll.u32 s2, $0x4  }
0x46: {  	s23 =	sadd.s32 s7, s23;
	s6 =	sand.u32 $0xF0, s2;
	s2 =	smov.u32 s5  }
0x47: {  	s5 =	sshrl.u32 s30, $0xA;
	s30 =	sshll.u32 s31, $0x7;
	s23 =	sadd.s32 s6, s23  }
0x48: {  	s25 =	smul.u32 $0x5, s5;
	v2 =	vor.u32 s23, v1;
	s23 =	sor.u32 s6, s30  }
0x49: {  	s1 =	sand.u32 $0x3F, s5  }
0x4a: {  	s2 =	ssub.s32 s2, s25;
	s5 =	smul.u32 $0x50, s1  }
0x4b: {  	s2 =	sshll.u32 s2, $0x4  }
0x4c: {  	s5 =	sadd.s32 s7, s5;
	s2 =	sand.u32 $0xF0, s2  }
0x4d: {  	s1 =	sshll.u32 s1, $0x7;
	s5 =	sadd.s32 s2, s5  }
0x4e: {  	[tilespmem:s23+$0xF800] =	vst v2;
	s1 =	sor.u32 s2, s1;
	v2 =	vor.u32 s5, v1  }
0x4f: {  	[tilespmem:s1+$0xF800] =	vst v2  }
0x50: {  	[spmem:s3] =	stream.indirect.scatter [tilespmem:s17], [sflag:$0x4], $0x80, s16, s15, $0xb8;
	[tilespmem:$0x19A00] =	vst v63  }
0x51: {  	_ =	swait.ge [sflag:s13], $0x2800  }
0x52: {  	[sflag:s13] =	ssyncset.done $0x0  }
0x53: {  	[sflag:s13] =	ssyncadd.s32 $0xFFFFD800  }
0x54: {  	[spmem:s3] =	stream.indirect.scatter [tilespmem:s17], [sflag:$0x4], $0x80, s18, s15, $0xb8;
	[tilespmem:$0x19A00] =	vst v63  }
0x55: {  	_ =	swait.ge [sflag:s13], $0x2800  }
0x56: {  	[sflag:s13] =	ssyncset.done $0x0  }
0x57: {  	[sflag:s13] =	ssyncadd.s32 $0xFFFFD800  }
0x58: {  	[spmem:s3] =	stream.indirect.scatter [tilespmem:s17], [sflag:$0x4], $0x80, s19, s15, $0xb8;
	[tilespmem:$0x19A00] =	vst v63  }
0x59: {  	_ =	swait.ge [sflag:s13], $0x2800  }
0x5a: {  	[sflag:s13] =	ssyncset.done $0x0  }
0x5b: {  	[sflag:s13] =	ssyncadd.s32 $0xFFFFD800  }
0x5c: {  	[spmem:s3] =	stream.indirect.scatter [tilespmem:s17], [sflag:$0x4], $0x80, s20, s15, $0xb8;
	[tilespmem:$0x19A00] =	vst v63  }
0x5d: {  	_ =	swait.ge [sflag:s13], $0x2800  }
0x5e: {  	[sflag:s13] =	ssyncset.done $0x0  }
0x5f: {  	[sflag:s13] =	ssyncadd.s32 $0xFFFFD800  }
0x60: {  	[bflag:$0x0] =	sbarrier.arrive $0xFFFF  }
0x61: {  	[tilespmem:s21], [sflag:$0x1] =	stream.indirect.gather [hbm4b:s0+s15], $0x80, s4, s15, $0xb8;
	[tilespmem:$0x19A00] =	vst v63  }
0x62: {  	_ =	swait.ge [sflag:s22], $0x2800  }
0x63: {  	[sflag:s22] =	ssyncset.done $0x0  }
0x64: {  	[sflag:s22] =	ssyncadd.s32 $0xFFFFD800  }
0x65: {  	[spmem:s3] =	stream.indirect.scatter.add.f32 [tilespmem:s21], [sflag:$0x2], $0x80, s14, s15, $0xb8;
	[tilespmem:$0x19A00] =	vst v63  }
0x66: {  	s6 =	simm.s32 $0x2;
	s2 =	simm.s32 $0x80  }
0x67: {  	[tilespmem:s24], [sflag:$0x1] =	stream.indirect.gather [hbm4b:s0+s15], $0x80, s2, s15, $0xb8;
	[tilespmem:$0x19A00] =	vst v63  }
0x68: {  	s1 =	sand.u32 $0x1, s6;
	_ =	swait.ge [sflag:s22], $0x2800  }
0x69: {  	p0 =	seq.s32 s1, $0x1;
	[sflag:s22] =	ssyncset.done $0x0  }
0x6a: {  	s5 =	simm.s32 $0x4080;
	s1 =	simm.s32 @p0 $0x3;
	[sflag:s22] =	ssyncadd.s32 $0xFFFFD800  }
0x6b: {  	[spmem:s3] =	stream.indirect.scatter.add.f32 [tilespmem:s24], [sflag:$0x3], $0x80, s5, s15, $0xb8;
	[tilespmem:$0x19A00] =	vst v63  }
0x6c: {  	s6 =	simm.s32 $0x100;
	_ =	swait.ge @p0 [sflag:s1], $0x2800  }
0x6d: {  	s2 =	simm.s32 @p0 $0x1;
	[sflag:s1] =	ssyncset.done @p0 $0x0;
	p0 =	por p0, p0  }
0x6e: {  	[sflag:s1] =	ssyncadd.s32 @p0 $0xFFFFD800;
	s5 =	simm.s32 @p0 $0x50;
	s23 =	simm.s32 @p0 $0xA800  }
0x6f: {  	[tilespmem:s23], [sflag:$0x1] =	stream.indirect.gather @p0 [hbm4b:s0+s5], $0x80, s6, s5, $0xb8;
	[tilespmem:$0x19A00] =	vst v63  }
0x70: {  	_ =	swait.ge @p0 [sflag:s2], $0x2800  }
0x71: {  	[sflag:s2] =	ssyncset.done @p0 $0x0  }
0x72: {  	s1 =	simm.s32 $0x4100;
	s25 =	simm.s32 @!p0 $0x2;
	[sflag:s2] =	ssyncadd.s32 @p0 $0xFFFFD800  }
0x73: {  	[spmem:s3] =	stream.indirect.scatter.add.f32 @p0 [tilespmem:s23], [sflag:$0x3], $0x80, s1, s5, $0xb8;
	[tilespmem:$0x19A00] =	vst v63  }
0x74: {  	s30 =	simm.s32 $0x3;
	_ =	swait.ge @!p0 [sflag:s25], $0x2800  }
0x75: {  	s31 =	simm.s32 $0x180;
	s23 =	simm.s32 @!p0 $0x1;
	[sflag:s25] =	ssyncset.done @!p0 $0x0  }
0x76: {  	s5 =	simm.s32 @!p0 $0x8000;
	[sflag:s25] =	ssyncadd.s32 @!p0 $0xFFFFD800;
	s25 =	simm.s32 @!p0 $0x50  }
0x77: {  	[tilespmem:s5], [sflag:$0x1] =	stream.indirect.gather @!p0 [hbm4b:s0+s25], $0x80, s6, s25, $0xb8;
	[tilespmem:$0x19A00] =	vst v63  }
0x78: {  	s8 =	sand.u32 $0x1, s30;
	s30 =	simm.s32 $0x4180;
	_ =	swait.ge @!p0 [sflag:s23], $0x2800  }
0x79: {  	p2 =	seq.s32 s8, $0x1;
	s2 =	simm.s32 $0x4;
	[sflag:s23] =	ssyncset.done @!p0 $0x0  }
.LBB2_8:
0x7a: {  	s6 =	simm.s32 @p2 $0x3  }
0x7b: {  	[sflag:s23] =	ssyncadd.s32 @!p0 $0xFFFFD800;
	s8 =	smov.u32 s2;
	s2 =	sadd.s32 $0x1, s2  }
0x7c: {  	[spmem:s3] =	stream.indirect.scatter.add.f32 @!p0 [tilespmem:s5], [sflag:$0x2], $0x80, s1, s25, $0xb8;
	[tilespmem:$0x19A00] =	vst v63  }
0x7d: {  	p1 =	sne.s32 s2, $0x7D;
	s1 =	smov.u32 s30;
	_ =	swait.ge @p2 [sflag:s6], $0x2800  }
0x7e: {  	s5 =	simm.s32 @p2 $0x1;
	p0 =	por p2, p2;
	[sflag:s6] =	ssyncset.done @p2 $0x0  }
0x7f: {  	s23 =	simm.s32 @p0 $0xA800;
	[sflag:s6] =	ssyncadd.s32 @p0 $0xFFFFD800;
	s6 =	simm.s32 @p0 $0x50  }
0x80: {  	[tilespmem:s23], [sflag:$0x1] =	stream.indirect.gather @p0 [hbm4b:s0+s6], $0x80, s31, s6, $0xb8;
	[tilespmem:$0x19A00] =	vst v63  }
0x81: {  	_ =	swait.ge @p0 [sflag:s5], $0x2800  }
0x82: {  	[sflag:s5] =	ssyncset.done @p0 $0x0  }
0x83: {  	[sflag:s5] =	ssyncadd.s32 @p0 $0xFFFFD800;
	s5 =	simm.s32 @!p0 $0x2  }
0x84: {  	[spmem:s3] =	stream.indirect.scatter.add.f32 @p0 [tilespmem:s23], [sflag:$0x3], $0x80, s30, s6, $0xb8;
	[tilespmem:$0x19A00] =	vst v63  }
0x85: {  	_ =	swait.ge @!p0 [sflag:s5], $0x2800  }
.Ltmp3:
0x86: {  	s23 =	simm.s32 @!p0 $0x1;
	[sflag:s5] =	ssyncset.done @!p0 $0x0;
	(pc) =	sbr.rel @p1 .LBB2_8-.Ltmp3, $4  }
0x87: {  	s25 =	simm.s32 @!p0 $0x50;
	[sflag:s5] =	ssyncadd.s32 @!p0 $0xFFFFD800;
	s5 =	simm.s32 @!p0 $0x8000  }
0x88: {  	[tilespmem:s5], [sflag:$0x1] =	stream.indirect.gather @!p0 [hbm4b:s0+s25], $0x80, s31, s25, $0xb8;
	[tilespmem:$0x19A00] =	vst v63  }
0x89: {  	s6 =	sand.u32 $0x1, s8;
	s30 =	sadd.s32 $0x80, s30;
	_ =	swait.ge @!p0 [sflag:s23], $0x2800  }
0x8a: {  	p2 =	seq.s32 s6, $0x1;
	s31 =	sadd.s32 $0x80, s31;
	[sflag:s23] =	ssyncset.done @!p0 $0x0  }
0x8b: {  	s2 =	simm.s32 @p2 $0x3;
	[sflag:s23] =	ssyncadd.s32 @!p0 $0xFFFFD800  }
0x8c: {  	[spmem:s3] =	stream.indirect.scatter.add.f32 @!p0 [tilespmem:s5], [sflag:$0x2], $0x80, s1, s25, $0xb8;
	[tilespmem:$0x19A00] =	vst v63  }
0x8d: {  	_ =	swait.ge @p2 [sflag:s2], $0x2800  }
0x8e: {  	s1 =	simm.s32 @p2 $0x1;
	p0 =	por p2, p2;
	[sflag:s2] =	ssyncset.done @p2 $0x0  }
0x8f: {  	s5 =	simm.s32 @p0 $0xA800;
	[sflag:s2] =	ssyncadd.s32 @p0 $0xFFFFD800;
	s2 =	simm.s32 @p0 $0x50  }
0x90: {  	[tilespmem:s5], [sflag:$0x1] =	stream.indirect.gather @p0 [hbm4b:s0+s2], $0x80, s31, s2, $0xb8;
	[tilespmem:$0x19A00] =	vst v63  }
0x91: {  	_ =	swait.ge @p0 [sflag:s1], $0x2800  }
0x92: {  	[sflag:s1] =	ssyncset.done @p0 $0x0  }
0x93: {  	[sflag:s1] =	ssyncadd.s32 @p0 $0xFFFFD800;
	s1 =	simm.s32 @!p0 $0x2  }
0x94: {  	[spmem:s3] =	stream.indirect.scatter.add.f32 @p0 [tilespmem:s5], [sflag:$0x3], $0x80, s30, s2, $0xb8;
	[tilespmem:$0x19A00] =	vst v63  }
0x95: {  	_ =	swait.ge @!p0 [sflag:s1], $0x2800  }
0x96: {  	s2 =	simm.s32 @!p0 $0x1;
	[sflag:s1] =	ssyncset.done @!p0 $0x0  }
0x97: {  	s5 =	simm.s32 @!p0 $0x8000;
	[sflag:s1] =	ssyncadd.s32 @!p0 $0xFFFFD800;
	s1 =	simm.s32 @!p0 $0x50  }
0x98: {  	[tilespmem:s5], [sflag:$0x1] =	stream.indirect.gather @!p0 [hbm4b:s0+s1], $0x80, s31, s1, $0xb8;
	[tilespmem:$0x19A00] =	vst v63  }
0x99: {  	_ =	swait.ge @!p0 [sflag:s2], $0x2800  }
0x9a: {  	[sflag:s2] =	ssyncset.done @!p0 $0x0  }
0x9b: {  	[sflag:s2] =	ssyncadd.s32 @!p0 $0xFFFFD800  }
0x9c: {  	[spmem:s3] =	stream.indirect.scatter.add.f32 @!p0 [tilespmem:s5], [sflag:$0x2], $0x80, s30, s1, $0xb8;
	[tilespmem:$0x19A00] =	vst v63  }
0x9d: {  	_ =	swait.ge [sflag:s26], $0x2800  }
0x9e: {  	[sflag:s26] =	ssyncset.done $0x0  }
0x9f: {  	[sflag:s26] =	ssyncadd.s32 $0xFFFFD800  }
0xa0: {  	_ =	swait.ge [sflag:s28], $0x2800  }
0xa1: {  	[sflag:s28] =	ssyncset.done $0x0  }
0xa2: {  	[sflag:s28] =	ssyncadd.s32 $0xFFFFD800  }
0xa3: {  	[bflag:$0x0] =	sbarrier.arrive $0xFFFF  }
0xa4: {  	[tilespmem:s17], [sflag:$0x4] =	stream.indirect.gather [spmem:s3], $0x80, s16, s15, $0xb8;
	[tilespmem:$0x19A00] =	vst v63  }
0xa5: {  	_ =	swait.ge [sflag:s13], $0x2800  }
0xa6: {  	[sflag:s13] =	ssyncset.done $0x0  }
0xa7: {  	[sflag:s13] =	ssyncadd.s32 $0xFFFFD800  }
0xa8: {  	[hbm4b:s9+s4] =	stream.linear.scatter [tilespmem:s17], [sflag:$0x4], $0x2800, $0x38;
	[tilespmem:$0x19A00] =	vst v63  }
0xa9: {  	_ =	swait.ge [sflag:s13], $0x2800  }
0xaa: {  	[sflag:s13] =	ssyncset.done $0x0  }
0xab: {  	[sflag:s13] =	ssyncadd.s32 $0xFFFFD800  }
0xac: {  	[tilespmem:s17], [sflag:$0x4] =	stream.indirect.gather [spmem:s3], $0x80, s18, s15, $0xb8;
	[tilespmem:$0x19A00] =	vst v63  }
0xad: {  	_ =	swait.ge [sflag:s13], $0x2800  }
0xae: {  	[sflag:s13] =	ssyncset.done $0x0  }
0xaf: {  	[sflag:s13] =	ssyncadd.s32 $0xFFFFD800  }
0xb0: {  	[hbm4b:s10+s4] =	stream.linear.scatter [tilespmem:s17], [sflag:$0x4], $0x2800, $0x38;
	[tilespmem:$0x19A00] =	vst v63  }
0xb1: {  	_ =	swait.ge [sflag:s13], $0x2800  }
0xb2: {  	[sflag:s13] =	ssyncset.done $0x0  }
0xb3: {  	[sflag:s13] =	ssyncadd.s32 $0xFFFFD800  }
0xb4: {  	[tilespmem:s17], [sflag:$0x4] =	stream.indirect.gather [spmem:s3], $0x80, s19, s15, $0xb8;
	[tilespmem:$0x19A00] =	vst v63  }
0xb5: {  	_ =	swait.ge [sflag:s13], $0x2800  }
0xb6: {  	[sflag:s13] =	ssyncset.done $0x0  }
0xb7: {  	[sflag:s13] =	ssyncadd.s32 $0xFFFFD800  }
0xb8: {  	[hbm4b:s11+s4] =	stream.linear.scatter [tilespmem:s17], [sflag:$0x4], $0x2800, $0x38;
	[tilespmem:$0x19A00] =	vst v63  }
0xb9: {  	_ =	swait.ge [sflag:s13], $0x2800  }
0xba: {  	[sflag:s13] =	ssyncset.done $0x0  }
0xbb: {  	[sflag:s13] =	ssyncadd.s32 $0xFFFFD800  }
0xbc: {  	[tilespmem:s17], [sflag:$0x4] =	stream.indirect.gather [spmem:s3], $0x80, s20, s15, $0xb8;
	[tilespmem:$0x19A00] =	vst v63  }
0xbd: {  	_ =	swait.ge [sflag:s13], $0x2800  }
0xbe: {  	[sflag:s13] =	ssyncset.done $0x0  }
0xbf: {  	[sflag:s13] =	ssyncadd.s32 $0xFFFFD800  }
0xc0: {  	[hbm4b:s12+s4] =	stream.linear.scatter [tilespmem:s17], [sflag:$0x4], $0x2800, $0x38;
	[tilespmem:$0x19A00] =	vst v63  }
0xc1: {  	_ =	swait.ge [sflag:s13], $0x2800  }
0xc2: {  	s29 =	sadd.s32 $0x1, s29;
	s31 =	rddreg [dreg:$0x6]  }
0xc3: {  	p0 =	sne.s32 s29, s31  }
.Ltmp4:
0xc4: {  	_ = 	snop;
	(pc) =	sbr.rel @p0 .LBB2_1-.Ltmp4, $3  }
0xc5: {  	_ =	sdelay $0x1  }
0xc6: {  	[sflag:s13] =	ssyncset.done $0x0  }
0xc7: {  	[sflag:s13] =	ssyncadd.s32 $0xFFFFD800  }
0xc8: {  	_ =	sfence.sel $0x180000  }
0xc9: {  	[bflag:$0x0] =	sbarrier.arrive $0xFFFF  }
0xca: {  	_ =	strace $0x90000050  }
0xcb: {  	s0 =	stileid.u32;
	[bflag:$0x2] =	sbarrier.arrive $0xFFFF  }
0xcc: {  	p0 =	sne.s32 s0, $0x0;
	s0 =	rddreg [dreg:$0x3]  }
0xcd: {  	s0 =	sadd.s32 @!p0 $0x100000, s0  }
0xce: {  	[sflag:s0] =	ssyncadd.tile.s32 @!p0 $0x1;
	_ =	shalt  }
.Lfunc_end2:
_tile_overlayer_lowered:
.L_overlay_start_2:
0xcf: {  	(tag) =	ssettag $0x2  }
0xd0: {  	s0 =	rddreg [dreg:$0x0];
	s2 =	stileid.u32  }
0xd1: {  	s1 =	rddreg [dreg:$0x1];
	p0 =	sne.s32 s2, $0x0  }
0xd2: {  	s3 =	rddreg [dreg:$0x2];
	[bflag:$0x3] =	sbarrier.arrive $0xFFFF;
	s2 =	simm.s32 @!p0 $0x1C04  }
0xd3: {  	[timem:s3], [sflag:s2] =	dma.local @!p0 [hbm:s0], s1  }
0xd4: {  	s0 =	simm.s32 @!p0 $0x4  }
0xd5: {  	_ =	swait.ge @!p0 [sflag:s0], s1  }
0xd6: {  	s1 =	ssub.s32 @!p0 $0x0, s1;
	[sflag:s0] =	ssyncset.done @!p0 $0x0  }
0xd7: {  	[sflag:s0] =	ssyncadd.s32 @!p0 s1  }
0xd8: {  	[bflag:$0x3] =	sbarrier.arrive $0xFFFF  }
0xd9: {  	_ =	shalt  }

// kernel: kernel.18.cloned.1.call-start
scs
__scs_entry_jumppad:
0x0: {  	(pc) =	sbr.rel $0x88, $3  }
0x1: {  	(tag) =	ssettag $0x0;
	lr =	simm.s32 $0x1  }
0x2: {  	[smem:$0x3F9D] =	sst lr;
	_ =	strace $0xD0000000  }
0x3: {  	_ = 	snop  }
0x4: {  	_ = 	snop  }
0x5: {  	_ = 	snop  }
0x6: {  	_ = 	snop  }
0x7: {  	_ = 	snop  }
__scs_overlays_trampoline_lowered:
0x8: {  	[smem:$0x3FAC] =	sst s0  }
0x9: {  	[smem:$0x3FAD] =	sst s1  }
0xa: {  	[smem:$0x3FAE] =	sst s2  }
0xb: {  	[smem:$0x3FAF] =	sst s3  }
0xc: {  	[smem:$0x3FB0] =	sst s4  }
0xd: {  	[smem:$0x3FB1] =	sst s5  }
0xe: {  	[smem:$0x3FB2] =	sst s6  }
0xf: {  	[smem:$0x3FB3] =	sst s7  }
0x10: {  	[smem:$0x3FB4] =	sst s8  }
0x11: {  	[smem:$0x3FB5] =	sst s9;
	s0 =	simm.s32 @!p0 $0x0  }
0x12: {  	s1 =	sld [smem:$0x3F9B];
	s0 =	simm.s32 @p0 $0x1  }
0x13: {  	[smem:$0x3FB6] =	sst s0;
	s0 =	simm.s32 @!p1 $0x0  }
0x14: {  	s2 =	sld [smem:$0x3F9A];
	s0 =	simm.s32 @p1 $0x1  }
0x15: {  	[smem:$0x3FB7] =	sst s0;
	s0 =	simm.s32 @!p2 $0x0  }
0x16: {  	s3 =	sld [smem:$0x3FDB];
	s0 =	simm.s32 @p2 $0x1  }
0x17: {  	s4 =	simm.s32 $0x1BF5;
	[smem:$0x3FB9] =	sst s0  }
0x18: {  	s0 =	sld [smem:$0x3F9C];
	_ =	swait.ge [sflag:s4], $0x0  }
0x19: {  	s7 =	sld [smem:$0x3F9D]  }
0x1a: {  	s8 =	sadd.s32 $0xFFFFE003, lr  }
0x1b: {  	s9 =	sadd.s32 $0xFFFFFEF7, lr;
	s5 =	simm.s32 $0xFFFFFFFF;
	p2 =	slt.u32 s8, $0xFFFFF086  }
0x1c: {  	p1 =	slt.u32 s9, $0xF7A;
	s5 =	simm.s32 @!p2 $0x0  }
0x1d: {  	s5 =	simm.s32 @p1 $0x1;
	p0 =	seq.s32 s7, s2  }
0x1e: {  	s7 =	smul.u32 @!p0 $0xF7A, s2;
	p2 =	seq.s32 @!p0 s5, $0x0  }
0x1f: {  	s9 =	smul.u32 $0xF7A, s1;
	s8 =	simm.s32 @!p0 $0x1BF5;
	p2 =	por !p2, p0  }
0x20: {  	[sflag:s8] =	ssyncset.s32 @!p0 $0xFFFFF086;
	s6 =	sadd.s32 @!p0 s3, s7;
	s7 =	simm.s32 @!p0 $0x108  }
0x21: {  	s3 =	sadd.s32 s3, s9;
	s6 =	sadd.s32 @!p0 $0x88, s6;
	s7 =	simm.s32 @p2 $0x1082  }
0x22: {  	[simem:s7], [sflag:s8] =	dma.local @!p0 [hbm:s6], $0xF7A  }
0x23: {  	s9 =	sor.u32 $0xD0000000, s2;
	s6 =	simm.s32 $0x108;
	_ =	swait.ge @!p0 [sflag:s8], $0x0  }
0x24: {  	s3 =	sadd.s32 $0x88, s3;
	s6 =	simm.s32 @!p1 $0x1082;
	[sflag:s4] =	ssyncset.s32 $0xFFFFF086  }
0x25: {  	[simem:s6], [sflag:s4] =	dma.local [hbm:s3], $0xF7A  }
0x26: {  	[smem:$0x3F9D] =	sst s1;
	(tag) =	ssettag s2;
	_ =	strace s9  }
0x27: {  	s1 =	sld [smem:$0x3FAD]  }
0x28: {  	s2 =	sld [smem:$0x3FAE]  }
0x29: {  	s4 =	sld [smem:$0x3FB0]  }
0x2a: {  	p0 =	seq.s32 s5, $0x0;
	s5 =	sld [smem:$0x3FB1]  }
0x2b: {  	s6 =	sld [smem:$0x3FB2]  }
0x2c: {  	s7 =	sld [smem:$0x3FB3]  }
0x2d: {  	s3 =	simm.s32 $0x108;
	s8 =	sld [smem:$0x3FB4]  }
0x2e: {  	s3 =	simm.s32 @!p0 $0x1082;
	s9 =	sld [smem:$0x3FB5]  }
0x2f: {  	lr =	sadd.s32 s0, s3;
	s0 =	sld [smem:$0x3FAC]  }
0x30: {  	s3 =	sld [smem:$0x3FAF]  }
0x31: {  	[smem:$0x3FB8] =	sst s10  }
0x32: {  	s10 =	sld [smem:$0x3FB6];
	_ =	sdelay $0x3  }
0x33: {  	p0 =	seq.s32 s10, $0x1;
	s10 =	sld [smem:$0x3FB8];
	_ =	sdelay $0x3  }
0x34: {  	[smem:$0x3FB8] =	sst s10  }
0x35: {  	s10 =	sld [smem:$0x3FB7];
	_ =	sdelay $0x3  }
0x36: {  	p1 =	seq.s32 s10, $0x1;
	s10 =	sld [smem:$0x3FB8];
	_ =	sdelay $0x3  }
0x37: {  	[smem:$0x3FB8] =	sst s10  }
0x38: {  	s10 =	sld [smem:$0x3FB9]  }
0x39: {  	_ = 	snop;
	(pc) =	sbr.ind lr, $3  }
0x3a: {  	_ = 	snop  }
0x3b: {  	_ = 	snop  }
0x3c: {  	p2 =	seq.s32 s10, $0x1;
	s10 =	sld [smem:$0x3FB8]  }
0x3d: {  	_ =	shalt  }
0x3e: {  	_ =	shalt  }
0x3f: {  	_ =	shalt  }
0x40: {  	_ =	shalt  }
0x41: {  	_ =	shalt  }
0x42: {  	_ =	shalt  }
0x43: {  	_ =	shalt  }
0x44: {  	_ =	shalt  }
0x45: {  	_ =	shalt  }
0x46: {  	_ =	shalt  }
0x47: {  	_ =	shalt  }
0x48: {  	_ =	shalt  }
0x49: {  	_ =	shalt  }
0x4a: {  	_ =	shalt  }
0x4b: {  	_ =	shalt  }
0x4c: {  	_ =	shalt  }
0x4d: {  	_ =	shalt  }
0x4e: {  	_ =	shalt  }
0x4f: {  	_ =	shalt  }
0x50: {  	_ =	shalt  }
0x51: {  	_ =	shalt  }
0x52: {  	_ =	shalt  }
0x53: {  	_ =	shalt  }
0x54: {  	_ =	shalt  }
0x55: {  	_ =	shalt  }
0x56: {  	_ =	shalt  }
0x57: {  	_ =	shalt  }
0x58: {  	_ =	shalt  }
0x59: {  	_ =	shalt  }
0x5a: {  	_ =	shalt  }
0x5b: {  	_ =	shalt  }
0x5c: {  	_ =	shalt  }
0x5d: {  	_ =	shalt  }
0x5e: {  	_ =	shalt  }
0x5f: {  	_ =	shalt  }
0x60: {  	_ =	shalt  }
0x61: {  	_ =	shalt  }
0x62: {  	_ =	shalt  }
0x63: {  	_ =	shalt  }
0x64: {  	_ =	shalt  }
0x65: {  	_ =	shalt  }
0x66: {  	_ =	shalt  }
0x67: {  	_ =	shalt  }
0x68: {  	_ =	shalt  }
0x69: {  	_ =	shalt  }
0x6a: {  	_ =	shalt  }
0x6b: {  	_ =	shalt  }
0x6c: {  	_ =	shalt  }
0x6d: {  	_ =	shalt  }
0x6e: {  	_ =	shalt  }
0x6f: {  	_ =	shalt  }
0x70: {  	_ =	shalt  }
0x71: {  	_ =	shalt  }
0x72: {  	_ =	shalt  }
0x73: {  	_ =	shalt  }
0x74: {  	_ =	shalt  }
0x75: {  	_ =	shalt  }
0x76: {  	_ =	shalt  }
0x77: {  	_ =	shalt  }
0x78: {  	_ =	shalt  }
0x79: {  	_ =	shalt  }
0x7a: {  	_ =	shalt  }
0x7b: {  	_ =	shalt  }
0x7c: {  	_ =	shalt  }
0x7d: {  	_ =	shalt  }
0x7e: {  	_ =	shalt  }
0x7f: {  	_ =	shalt  }
0x80: {  	_ =	shalt  }
0x81: {  	_ =	shalt  }
0x82: {  	_ =	shalt  }
0x83: {  	_ =	shalt  }
0x84: {  	_ =	shalt  }
0x85: {  	_ =	shalt  }
0x86: {  	_ =	shalt  }
0x87: {  	_ =	shalt  }
.Lfunc_end0:
.L_simem_size_0:
called_computation.3_lowered:
.L_overlay_start_0:
0x88: {  	s2 =	sld [smem:$0x3FD9]  }
0x89: {  	s3 =	sld [smem:$0x3FFE];
	_ =	sdelay $0x1  }
0x8a: {  	s1 =	srdreg.scid  }
0x8b: {  	s0 =	sand.u32 $0x1, s1  }
0x8c: {  	s17 =	sshll.u32 s0, $0xA;
	s2 =	sadd.s32 s3, s2  }
0x8d: {  	s2 =	sadd.s32 s2, s17  }
0x8e: {  	[smem:$0x3FC4] =	sst s2  }
0x8f: {  	_ = 	snop  }
0x90: {  	s2 =	sld [smem:$0x3FD0];
	(tm) =	ssettm $0x1  }
0x91: {  	s18 =	sld [smem:$0x3FFB];
	_ =	sdelay $0x3  }
0x92: {  	_ =	strace s18  }
0x93: {  	s3 =	sld [smem:$0x3FFC];
	_ =	sdelay $0x3  }
0x94: {  	_ =	strace s3  }
0x95: {  	s3 =	sld [smem:$0x3FFD];
	_ =	sdelay $0x3  }
0x96: {  	_ =	strace s3  }
0x97: {  	_ =	strace $0x8FFFFFFF  }
0x98: {  	s19 =	sld [smem:$0x3FDB];
	_ =	sdelay $0x1  }
0x99: {  	s4 =	simm.s32 $_scs_section_size  }
0x9a: {  	s5 =	simm.s32 $_size__tile_overlayer_lowered;
	s6 =	simm.s32 $_tile_overlayer_lowered  }
0x9b: {  	s22 =	simm.s32 $0x1BFF;
	s21 =	sshll.u32 s6, $0x1;
	s3 =	sadd.s32 s4, s19  }
0x9c: {  	s7 =	simm.s32 $0x0;
	s20 =	sshll.u32 s5, $0x1;
	s5 =	sadd.s32 s21, s3  }
0x9d: {  	[timem:s7], [sflag:s22] =	dma.local [hbm:s5], s20  }
0x9e: {  	_ =	swait.ge [sflag:s22], s20  }
0x9f: {  	s4 =	ssub.s32 $0x0, s20;
	[sflag:s22] =	ssyncset.done $0x0  }
0xa0: {  	[sflag:s22] =	ssyncadd.s32 s4;
	_ =	sdelay $0x1  }
0xa1: {  	s23 =	simm.s32 $0x1B8B  }
0xa2: {  	_ =	swait.ge [sflag:s23], $0x1  }
0xa3: {  	[sflag:s23] =	ssyncset.done $0x0  }
0xa4: {  	s25 =	simm.s32 $0x1B8E;
	s24 =	sld [smem:$0x3FFE];
	[sflag:s23] =	ssyncadd.s32 $0xFFFFFFFF  }
0xa5: {  	s26 =	simm.s32 $execute0_lowered;
	[smem:$0x3FD2] =	sst s25  }
0xa6: {  	s5 =	sshll.u32 s26, $0x1;
	_ =	strace $0x8000004C;
	[dreg:$0x1] =	wrdreg $0xFFFFFFFF  }
0xa7: {  	s28 =	simm.s32 $_size_execute0_lowered;
	s3 =	sadd.s32 s3, s5;
	[dreg:$0x0] =	wrdreg $0x0  }
0xa8: {  	s5 =	sshll.u32 s28, $0x1;
	[dreg:$0x2] =	wrdreg s3  }
0xa9: {  	[dreg:$0x3] =	wrdreg s5  }
0xaa: {  	[dreg:$0x4] =	wrdreg $0xC0  }
0xab: {  	_ =	task [dreg:s7], $0x5FFFF  }
0xac: {  	[dreg:$0x1] =	wrdreg $0xFFFFFFFF  }
0xad: {  	[dreg:$0x0] =	wrdreg $0x60  }
0xae: {  	[dreg:$0x2] =	wrdreg s2  }
0xaf: {  	[dreg:$0x3] =	wrdreg s24  }
0xb0: {  	[dreg:$0x4] =	wrdreg $0xFA000  }
0xb1: {  	[dreg:$0x5] =	wrdreg $0xA  }
0xb2: {  	_ =	task.clear_ibuf [dreg:s7], $0x6FFFF;
	_ =	strace $0x9000004C  }
0xb3: {  	s29 =	simm.s32 $0xA;
	_ =	strace $0x8000004E  }
0xb4: {  	_ =	swait.ge [sflag:s29], $0x1  }
0xb5: {  	[sflag:s29] =	ssyncadd.s32 $0xFFFFFFFF  }
0xb6: {  	_ =	strace $0x9000004E  }
0xb7: {  	_ =	sfence  }
0xb8: {  	s30 =	sld [smem:$0x0];
	_ =	sdelay $0x2  }
0xb9: {  	s31 =	sshll.u32 s1, $0xD;
	s1 =	sshrl.u32 s1, $0x2  }
0xba: {  	s3 =	sand.u32 $0x4000, s31;
	s1 =	sadd.s32 s1, s30  }
0xbb: {  	s0 =	sor.u32 s3, s0;
	s1 =	sshll.u32 s1, $0x11  }
0xbc: {  	s0 =	sor.u32 s1, s0  }
0xbd: {  	s0 =	sadd.s32 $0x8F2B, s0  }
0xbe: {  	[sflag:s0] =	ssyncadd.remote.s32 $0x1  }
0xbf: {  	_ =	sfence.sel $0xFFFF  }
0xc0: {  	[dreg:$0x0] =	wrdreg $0xFFFFFFFF;
	(pc) =	sbr.abs _section_cstart, $3  }
0xc1: {  	[dreg:$0x1] =	wrdreg $0xFFFFFFFF  }
0xc2: {  	_ =	task.clear_ibuf [dreg:s7], $0x2FFFF;
	_ =	strace $0x9FFFFFFF  }
0xc3: {  	(tm) =	ssettm $0x7FFFFFFF  }
tec
execute0_lowered:
.L_overlay_start_1:
0x0: {  	(tag) =	ssettag $0x1  }
0x1: {  	s0 =	rddreg [dreg:$0x0]  }
0x2: {  	s2 =	rddreg [dreg:$0x1]  }
0x3: {  	s1 =	srdreg.scid;
	s3 =	rddreg [dreg:$0x2]  }
0x4: {  	s8 =	stileid.u32;
	s4 =	simm.s32 $0x0;
	s13 =	simm.s32 $0x4  }
0x5: {  	s14 =	simm.s32 $0x4000;
	s15 =	simm.s32 $0x50;
	s16 =	simm.s32 $0xF800  }
0x6: {  	s17 =	simm.s32 $0xD000;
	s18 =	simm.s32 $0xF880;
	s19 =	simm.s32 $0xF900  }
0x7: {  	s20 =	simm.s32 $0xF980;
	s21 =	simm.s32 $0x8000;
	s22 =	simm.s32 $0x1  }
0x8: {  	s24 =	simm.s32 $0xA800;
	s26 =	simm.s32 $0x2;
	s1 =	sand.u32 $0x1, s1  }
0x9: {  	s28 =	simm.s32 $0x3;
	s5 =	sshll.u32 s1, $0x4;
	s1 =	ssub.s32 $0x2, s1  }
0xa: {  	s29 =	simm.s32 $0x0;
	s5 =	sor.u32 s8, s5;
	s7 =	sshrl.u32 s1, $0x1  }
0xb: {  	s6 =	smul.u32 $0x1400, s5;
	s5 =	sshll.u32 s5, $0xB;
	s1 =	ssub.s32 s1, s7  }
0xc: {  	[smem:$0x7FF] =	sst s4;
	s5 =	sadd.s32 s5, s2;
	s1 =	smax.u32 s1, $0x1  }
0xd: {  	_ =	strace $0x8000004D;
	s31 =	sadd.s32 $0x62000, s5;
	[dreg:$0x6] =	wrdreg s1  }
0xe: {  	s2 =	sadd.s32 s6, s2;
	s5 =	sadd.s32 $0x2000, s5;
	[dreg:$0x4] =	wrdreg s31  }
0xf: {  	s7 =	smul.u32 $0x140, s8;
	[dreg:$0x5] =	wrdreg s5;
	s9 =	sadd.s32 $0x12000, s2  }
0x10: {  	v0 =	vimm.f32 $0.0e+00;
	v1 =	vlaneseq.u32;
	s10 =	sadd.s32 $0x12500, s2;
	s11 =	sadd.s32 $0x12A00, s2;
	s12 =	sadd.s32 $0x12F00, s2  }
.LBB2_1:
0x11: {  	s1 =	rddreg [dreg:$0x4];
	s30 =	smul.u32 $0xCCCD, s4  }
0x12: {  	[tilespmem:s4], [sflag:$0x4] =	stream.linear.gather [hbm4b:s1+s4], $0x3E80, $0x38;
	[tilespmem:$0x19A00] =	vst v63  }
0x13: {  	_ =	swait.ge [sflag:s13], $0x3E80  }
0x14: {  	s1 =	sshrl.u32 s30, $0x12;
	[sflag:s13] =	ssyncset.done $0x0  }
0x15: {  	s2 =	smul.u32 $0x5, s1;
	s5 =	rddreg [dreg:$0x5];
	[sflag:s13] =	ssyncadd.s32 $0xFFFFC180  }
0x16: {  	[tilespmem:s14], [sflag:$0x4] =	stream.linear.gather [hbm4b:s5+s4], $0x3E80, $0x38;
	[tilespmem:$0x19A00] =	vst v63  }
0x17: {  	s2 =	ssub.s32 $0x0, s2  }
0x18: {  	_ =	swait.ge [sflag:s13], $0x3E80;
	s2 =	sand.u32 $0xFFFF, s2  }
0x19: {  	s1 =	sshll.u32 s1, $0x7;
	[sflag:s13] =	ssyncset.done $0x0;
	s31 =	sshll.u32 s2, $0x4  }
0x1a: {  	s2 =	simm.s32 $0x1;
	[sflag:s13] =	ssyncadd.s32 $0xFFFFC180;
	s1 =	sor.u32 s31, s1  }
0x1b: {  	s5 =	simm.s32 $0x2;
	s23 =	smul.u32 $0xCCCD, s2;
	v2 =	vld [tilespmem:s1+$0x4000]  }
.LBB2_2:
0x1c: {  	p0 =	sne.s32 s5, $0x270  }
0x1d: {  	s23 =	sshrl.u32 s23, $0x12  }
0x1e: {  	s25 =	smul.u32 $0x5, s23;
	_ =	sdelay $0x1  }
.Ltmp0:
0x1f: {  	s25 =	ssub.s32 s2, s25;
	v3 =	vadd.s32 $0xFFFFEC78, v2;
	v2 =	vand.u32 $0x3F, v2;
	s2 =	smov.u32 s5;
	(pc) =	sbr.rel @p0 .LBB2_2-.Ltmp0, $4  }
0x20: {  	s25 =	sand.u32 $0xFFFF, s25;
	vm0 =	vlt.u32 v3, $0x1388;
	v2 =	vadd.s32 $0x1388, v2  }
0x21: {  	s23 =	sshll.u32 s23, $0x7;
	s25 =	sshll.u32 s25, $0x4;
	v2 =	vsel vm0, v3, v2  }
0x22: {  	[tilespmem:s1+$0x4000] =	vst v2;
	s1 =	sor.u32 s25, s23  }
0x23: {  	s5 =	sadd.s32 $0x1, s5;
	s23 =	smul.u32 $0xCCCD, s2;
	v2 =	vld [tilespmem:s1+$0x4000]  }
0x24: {  	_ = 	snop  }
0x25: {  	s5 =	sshrl.u32 s23, $0x12  }
0x26: {  	s23 =	smul.u32 $0x5, s5;
	_ =	sdelay $0x1  }
0x27: {  	s2 =	ssub.s32 s2, s23;
	v3 =	vadd.s32 $0xFFFFEC78, v2;
	v2 =	vand.u32 $0x3F, v2  }
0x28: {  	s2 =	sand.u32 $0xFFFF, s2;
	vm0 =	vlt.u32 v3, $0x1388;
	v2 =	vadd.s32 $0x1388, v2  }
0x29: {  	s5 =	sshll.u32 s5, $0x7;
	s2 =	sshll.u32 s2, $0x4;
	v2 =	vsel vm0, v3, v2  }
0x2a: {  	s2 =	sor.u32 s2, s5;
	[tilespmem:s1+$0x4000] =	vst v2  }
0x2b: {  	v2 =	vld [tilespmem:s2+$0x4000];
	_ =	sdelay $0x4  }
0x2c: {  	v3 =	vadd.s32 $0xFFFFEC78, v2;
	v2 =	vand.u32 $0x3F, v2  }
0x2d: {  	vm15 =	vlt.u32 v3, $0x1388;
	v2 =	vadd.s32 $0x1388, v2  }
0x2e: {  	v2 =	vsel vm15, v3, v2  }
0x2f: {  	s1 =	simm.s32 $0x70;
	[tilespmem:s2+$0x4000] =	vst v2;
	s2 =	simm.s32 $0x3C0  }
.LBB2_4:
0x30: {  	p0 =	sne.s32 s2, $0x9FC0;
	[tilespmem:s1+$0xD000] =	vst v0  }
0x31: {  	[tilespmem:s1+$0xCF90] =	vst v0  }
0x32: {  	[tilespmem:s1+$0xCFA0] =	vst v0  }
.Ltmp1:
0x33: {  	[tilespmem:s1+$0xCFB0] =	vst v0;
	(pc) =	sbr.rel @p0 .LBB2_4-.Ltmp1, $4  }
0x34: {  	[tilespmem:s1+$0xCFC0] =	vst v0  }
0x35: {  	[tilespmem:s1+$0xCFD0] =	vst v0  }
0x36: {  	[tilespmem:s1+$0xCFE0] =	vst v0  }
0x37: {  	[tilespmem:s1+$0xCFF0] =	vst v0;
	s1 =	sshra.s32 s2, $0x2;
	s2 =	sadd.s32 $0x200, s2  }
0x38: {  	s2 =	simm.s32 $0x0  }
0x39: {  	s2 =	smul.u32 $0xCD, s2;
	_ =	sdelay $0x1  }
0x3a: {  	[tilespmem:s1+$0xD000] =	vst v0;
	s2 =	sshrl.u32 s2, $0xA  }
0x3b: {  	[tilespmem:s1+$0xCF90] =	vst v0;
	s5 =	smul.u32 $0x5, s2  }
0x3c: {  	[tilespmem:s1+$0xCFA0] =	vst v0;
	s23 =	sand.u32 $0x3F, s2  }
0x3d: {  	[tilespmem:s1+$0xCFB0] =	vst v0;
	s2 =	simm.s32 $0x1;
	s25 =	smul.u32 $0x50, s23;
	s5 =	ssub.s32 $0x0, s5  }
0x3e: {  	[tilespmem:s1+$0xCFC0] =	vst v0;
	s30 =	smul.u32 $0xCD, s2;
	s5 =	sshll.u32 s5, $0x4  }
0x3f: {  	[tilespmem:s1+$0xCFD0] =	vst v0;
	s25 =	sadd.s32 s7, s25;
	s31 =	sand.u32 $0xF0, s5  }
0x40: {  	[tilespmem:s1+$0xCFE0] =	vst v0;
	s23 =	sshll.u32 s23, $0x7;
	s5 =	sshrl.u32 s30, $0xA;
	s8 =	sadd.s32 s31, s25  }
0x41: {  	[tilespmem:s1+$0xCFF0] =	vst v0;
	s1 =	simm.s32 $0x2;
	s25 =	smul.u32 $0x5, s5;
	s23 =	sor.u32 s31, s23;
	v2 =	vor.u32 s8, v1  }
.LBB2_6:
0x42: {  	s30 =	smul.u32 $0xCD, s1;
	s31 =	sand.u32 $0x3F, s5  }
0x43: {  	[tilespmem:s23+$0xF800] =	vst v2;
	s5 =	smov.u32 s1;
	p0 =	sne.s32 s1, $0x13;
	s23 =	smul.u32 $0x50, s31  }
.Ltmp2:
0x44: {  	s2 =	ssub.s32 s2, s25;
	(pc) =	sbr.rel @p0 .LBB2_6-.Ltmp2, $4  }
0x45: {  	s1 =	sadd.s32 $0x1, s1;
	s2 =	sshll.u32 s2, $0x4  }
0x46: {  	s23 =	sadd.s32 s7, s23;
	s6 =	sand.u32 $0xF0, s2;
	s2 =	smov.u32 s5  }
0x47: {  	s5 =	sshrl.u32 s30, $0xA;
	s30 =	sshll.u32 s31, $0x7;
	s23 =	sadd.s32 s6, s23  }
0x48: {  	s25 =	smul.u32 $0x5, s5;
	v2 =	vor.u32 s23, v1;
	s23 =	sor.u32 s6, s30  }
0x49: {  	s1 =	sand.u32 $0x3F, s5  }
0x4a: {  	s2 =	ssub.s32 s2, s25;
	s5 =	smul.u32 $0x50, s1  }
0x4b: {  	s2 =	sshll.u32 s2, $0x4  }
0x4c: {  	s5 =	sadd.s32 s7, s5;
	s2 =	sand.u32 $0xF0, s2  }
0x4d: {  	s1 =	sshll.u32 s1, $0x7;
	s5 =	sadd.s32 s2, s5  }
0x4e: {  	[tilespmem:s23+$0xF800] =	vst v2;
	s1 =	sor.u32 s2, s1;
	v2 =	vor.u32 s5, v1  }
0x4f: {  	[tilespmem:s1+$0xF800] =	vst v2  }
0x50: {  	[spmem:s3] =	stream.indirect.scatter [tilespmem:s17], [sflag:$0x4], $0x80, s16, s15, $0xb8;
	[tilespmem:$0x19A00] =	vst v63  }
0x51: {  	_ =	swait.ge [sflag:s13], $0x2800  }
0x52: {  	[sflag:s13] =	ssyncset.done $0x0  }
0x53: {  	[sflag:s13] =	ssyncadd.s32 $0xFFFFD800  }
0x54: {  	[spmem:s3] =	stream.indirect.scatter [tilespmem:s17], [sflag:$0x4], $0x80, s18, s15, $0xb8;
	[tilespmem:$0x19A00] =	vst v63  }
0x55: {  	_ =	swait.ge [sflag:s13], $0x2800  }
0x56: {  	[sflag:s13] =	ssyncset.done $0x0  }
0x57: {  	[sflag:s13] =	ssyncadd.s32 $0xFFFFD800  }
0x58: {  	[spmem:s3] =	stream.indirect.scatter [tilespmem:s17], [sflag:$0x4], $0x80, s19, s15, $0xb8;
	[tilespmem:$0x19A00] =	vst v63  }
0x59: {  	_ =	swait.ge [sflag:s13], $0x2800  }
0x5a: {  	[sflag:s13] =	ssyncset.done $0x0  }
0x5b: {  	[sflag:s13] =	ssyncadd.s32 $0xFFFFD800  }
0x5c: {  	[spmem:s3] =	stream.indirect.scatter [tilespmem:s17], [sflag:$0x4], $0x80, s20, s15, $0xb8;
	[tilespmem:$0x19A00] =	vst v63  }
0x5d: {  	_ =	swait.ge [sflag:s13], $0x2800  }
0x5e: {  	[sflag:s13] =	ssyncset.done $0x0  }
0x5f: {  	[sflag:s13] =	ssyncadd.s32 $0xFFFFD800  }
0x60: {  	[bflag:$0x0] =	sbarrier.arrive $0xFFFF  }
0x61: {  	[tilespmem:s21], [sflag:$0x1] =	stream.indirect.gather [hbm4b:s0+s15], $0x80, s4, s15, $0xb8;
	[tilespmem:$0x19A00] =	vst v63  }
0x62: {  	_ =	swait.ge [sflag:s22], $0x2800  }
0x63: {  	[sflag:s22] =	ssyncset.done $0x0  }
0x64: {  	[sflag:s22] =	ssyncadd.s32 $0xFFFFD800  }
0x65: {  	[spmem:s3] =	stream.indirect.scatter.add.f32 [tilespmem:s21], [sflag:$0x2], $0x80, s14, s15, $0xb8;
	[tilespmem:$0x19A00] =	vst v63  }
0x66: {  	s6 =	simm.s32 $0x2;
	s2 =	simm.s32 $0x80  }
0x67: {  	[tilespmem:s24], [sflag:$0x1] =	stream.indirect.gather [hbm4b:s0+s15], $0x80, s2, s15, $0xb8;
	[tilespmem:$0x19A00] =	vst v63  }
0x68: {  	s1 =	sand.u32 $0x1, s6;
	_ =	swait.ge [sflag:s22], $0x2800  }
0x69: {  	p0 =	seq.s32 s1, $0x1;
	[sflag:s22] =	ssyncset.done $0x0  }
0x6a: {  	s5 =	simm.s32 $0x4080;
	s1 =	simm.s32 @p0 $0x3;
	[sflag:s22] =	ssyncadd.s32 $0xFFFFD800  }
0x6b: {  	[spmem:s3] =	stream.indirect.scatter.add.f32 [tilespmem:s24], [sflag:$0x3], $0x80, s5, s15, $0xb8;
	[tilespmem:$0x19A00] =	vst v63  }
0x6c: {  	s6 =	simm.s32 $0x100;
	_ =	swait.ge @p0 [sflag:s1], $0x2800  }
0x6d: {  	s2 =	simm.s32 @p0 $0x1;
	[sflag:s1] =	ssyncset.done @p0 $0x0;
	p0 =	por p0, p0  }
0x6e: {  	[sflag:s1] =	ssyncadd.s32 @p0 $0xFFFFD800;
	s5 =	simm.s32 @p0 $0x50;
	s23 =	simm.s32 @p0 $0xA800  }
0x6f: {  	[tilespmem:s23], [sflag:$0x1] =	stream.indirect.gather @p0 [hbm4b:s0+s5], $0x80, s6, s5, $0xb8;
	[tilespmem:$0x19A00] =	vst v63  }
0x70: {  	_ =	swait.ge @p0 [sflag:s2], $0x2800  }
0x71: {  	[sflag:s2] =	ssyncset.done @p0 $0x0  }
0x72: {  	s1 =	simm.s32 $0x4100;
	s25 =	simm.s32 @!p0 $0x2;
	[sflag:s2] =	ssyncadd.s32 @p0 $0xFFFFD800  }
0x73: {  	[spmem:s3] =	stream.indirect.scatter.add.f32 @p0 [tilespmem:s23], [sflag:$0x3], $0x80, s1, s5, $0xb8;
	[tilespmem:$0x19A00] =	vst v63  }
0x74: {  	s30 =	simm.s32 $0x3;
	_ =	swait.ge @!p0 [sflag:s25], $0x2800  }
0x75: {  	s31 =	simm.s32 $0x180;
	s23 =	simm.s32 @!p0 $0x1;
	[sflag:s25] =	ssyncset.done @!p0 $0x0  }
0x76: {  	s5 =	simm.s32 @!p0 $0x8000;
	[sflag:s25] =	ssyncadd.s32 @!p0 $0xFFFFD800;
	s25 =	simm.s32 @!p0 $0x50  }
0x77: {  	[tilespmem:s5], [sflag:$0x1] =	stream.indirect.gather @!p0 [hbm4b:s0+s25], $0x80, s6, s25, $0xb8;
	[tilespmem:$0x19A00] =	vst v63  }
0x78: {  	s8 =	sand.u32 $0x1, s30;
	s30 =	simm.s32 $0x4180;
	_ =	swait.ge @!p0 [sflag:s23], $0x2800  }
0x79: {  	p2 =	seq.s32 s8, $0x1;
	s2 =	simm.s32 $0x4;
	[sflag:s23] =	ssyncset.done @!p0 $0x0  }
.LBB2_8:
0x7a: {  	s6 =	simm.s32 @p2 $0x3  }
0x7b: {  	[sflag:s23] =	ssyncadd.s32 @!p0 $0xFFFFD800;
	s8 =	smov.u32 s2;
	s2 =	sadd.s32 $0x1, s2  }
0x7c: {  	[spmem:s3] =	stream.indirect.scatter.add.f32 @!p0 [tilespmem:s5], [sflag:$0x2], $0x80, s1, s25, $0xb8;
	[tilespmem:$0x19A00] =	vst v63  }
0x7d: {  	p1 =	sne.s32 s2, $0x7D;
	s1 =	smov.u32 s30;
	_ =	swait.ge @p2 [sflag:s6], $0x2800  }
0x7e: {  	s5 =	simm.s32 @p2 $0x1;
	p0 =	por p2, p2;
	[sflag:s6] =	ssyncset.done @p2 $0x0  }
0x7f: {  	s23 =	simm.s32 @p0 $0xA800;
	[sflag:s6] =	ssyncadd.s32 @p0 $0xFFFFD800;
	s6 =	simm.s32 @p0 $0x50  }
0x80: {  	[tilespmem:s23], [sflag:$0x1] =	stream.indirect.gather @p0 [hbm4b:s0+s6], $0x80, s31, s6, $0xb8;
	[tilespmem:$0x19A00] =	vst v63  }
0x81: {  	_ =	swait.ge @p0 [sflag:s5], $0x2800  }
0x82: {  	[sflag:s5] =	ssyncset.done @p0 $0x0  }
0x83: {  	[sflag:s5] =	ssyncadd.s32 @p0 $0xFFFFD800;
	s5 =	simm.s32 @!p0 $0x2  }
0x84: {  	[spmem:s3] =	stream.indirect.scatter.add.f32 @p0 [tilespmem:s23], [sflag:$0x3], $0x80, s30, s6, $0xb8;
	[tilespmem:$0x19A00] =	vst v63  }
0x85: {  	_ =	swait.ge @!p0 [sflag:s5], $0x2800  }
.Ltmp3:
0x86: {  	s23 =	simm.s32 @!p0 $0x1;
	[sflag:s5] =	ssyncset.done @!p0 $0x0;
	(pc) =	sbr.rel @p1 .LBB2_8-.Ltmp3, $4  }
0x87: {  	s25 =	simm.s32 @!p0 $0x50;
	[sflag:s5] =	ssyncadd.s32 @!p0 $0xFFFFD800;
	s5 =	simm.s32 @!p0 $0x8000  }
0x88: {  	[tilespmem:s5], [sflag:$0x1] =	stream.indirect.gather @!p0 [hbm4b:s0+s25], $0x80, s31, s25, $0xb8;
	[tilespmem:$0x19A00] =	vst v63  }
0x89: {  	s6 =	sand.u32 $0x1, s8;
	s30 =	sadd.s32 $0x80, s30;
	_ =	swait.ge @!p0 [sflag:s23], $0x2800  }
0x8a: {  	p2 =	seq.s32 s6, $0x1;
	s31 =	sadd.s32 $0x80, s31;
	[sflag:s23] =	ssyncset.done @!p0 $0x0  }
0x8b: {  	s2 =	simm.s32 @p2 $0x3;
	[sflag:s23] =	ssyncadd.s32 @!p0 $0xFFFFD800  }
0x8c: {  	[spmem:s3] =	stream.indirect.scatter.add.f32 @!p0 [tilespmem:s5], [sflag:$0x2], $0x80, s1, s25, $0xb8;
	[tilespmem:$0x19A00] =	vst v63  }
0x8d: {  	_ =	swait.ge @p2 [sflag:s2], $0x2800  }
0x8e: {  	s1 =	simm.s32 @p2 $0x1;
	p0 =	por p2, p2;
	[sflag:s2] =	ssyncset.done @p2 $0x0  }
0x8f: {  	s5 =	simm.s32 @p0 $0xA800;
	[sflag:s2] =	ssyncadd.s32 @p0 $0xFFFFD800;
	s2 =	simm.s32 @p0 $0x50  }
0x90: {  	[tilespmem:s5], [sflag:$0x1] =	stream.indirect.gather @p0 [hbm4b:s0+s2], $0x80, s31, s2, $0xb8;
	[tilespmem:$0x19A00] =	vst v63  }
0x91: {  	_ =	swait.ge @p0 [sflag:s1], $0x2800  }
0x92: {  	[sflag:s1] =	ssyncset.done @p0 $0x0  }
0x93: {  	[sflag:s1] =	ssyncadd.s32 @p0 $0xFFFFD800;
	s1 =	simm.s32 @!p0 $0x2  }
0x94: {  	[spmem:s3] =	stream.indirect.scatter.add.f32 @p0 [tilespmem:s5], [sflag:$0x3], $0x80, s30, s2, $0xb8;
	[tilespmem:$0x19A00] =	vst v63  }
0x95: {  	_ =	swait.ge @!p0 [sflag:s1], $0x2800  }
0x96: {  	s2 =	simm.s32 @!p0 $0x1;
	[sflag:s1] =	ssyncset.done @!p0 $0x0  }
0x97: {  	s5 =	simm.s32 @!p0 $0x8000;
	[sflag:s1] =	ssyncadd.s32 @!p0 $0xFFFFD800;
	s1 =	simm.s32 @!p0 $0x50  }
0x98: {  	[tilespmem:s5], [sflag:$0x1] =	stream.indirect.gather @!p0 [hbm4b:s0+s1], $0x80, s31, s1, $0xb8;
	[tilespmem:$0x19A00] =	vst v63  }
0x99: {  	_ =	swait.ge @!p0 [sflag:s2], $0x2800  }
0x9a: {  	[sflag:s2] =	ssyncset.done @!p0 $0x0  }
0x9b: {  	[sflag:s2] =	ssyncadd.s32 @!p0 $0xFFFFD800  }
0x9c: {  	[spmem:s3] =	stream.indirect.scatter.add.f32 @!p0 [tilespmem:s5], [sflag:$0x2], $0x80, s30, s1, $0xb8;
	[tilespmem:$0x19A00] =	vst v63  }
0x9d: {  	_ =	swait.ge [sflag:s26], $0x2800  }
0x9e: {  	[sflag:s26] =	ssyncset.done $0x0  }
0x9f: {  	[sflag:s26] =	ssyncadd.s32 $0xFFFFD800  }
0xa0: {  	_ =	swait.ge [sflag:s28], $0x2800  }
0xa1: {  	[sflag:s28] =	ssyncset.done $0x0  }
0xa2: {  	[sflag:s28] =	ssyncadd.s32 $0xFFFFD800  }
0xa3: {  	[bflag:$0x0] =	sbarrier.arrive $0xFFFF  }
0xa4: {  	[tilespmem:s17], [sflag:$0x4] =	stream.indirect.gather [spmem:s3], $0x80, s16, s15, $0xb8;
	[tilespmem:$0x19A00] =	vst v63  }
0xa5: {  	_ =	swait.ge [sflag:s13], $0x2800  }
0xa6: {  	[sflag:s13] =	ssyncset.done $0x0  }
0xa7: {  	[sflag:s13] =	ssyncadd.s32 $0xFFFFD800  }
0xa8: {  	[hbm4b:s9+s4] =	stream.linear.scatter [tilespmem:s17], [sflag:$0x4], $0x2800, $0x38;
	[tilespmem:$0x19A00] =	vst v63  }
0xa9: {  	_ =	swait.ge [sflag:s13], $0x2800  }
0xaa: {  	[sflag:s13] =	ssyncset.done $0x0  }
0xab: {  	[sflag:s13] =	ssyncadd.s32 $0xFFFFD800  }
0xac: {  	[tilespmem:s17], [sflag:$0x4] =	stream.indirect.gather [spmem:s3], $0x80, s18, s15, $0xb8;
	[tilespmem:$0x19A00] =	vst v63  }
0xad: {  	_ =	swait.ge [sflag:s13], $0x2800  }
0xae: {  	[sflag:s13] =	ssyncset.done $0x0  }
0xaf: {  	[sflag:s13] =	ssyncadd.s32 $0xFFFFD800  }
0xb0: {  	[hbm4b:s10+s4] =	stream.linear.scatter [tilespmem:s17], [sflag:$0x4], $0x2800, $0x38;
	[tilespmem:$0x19A00] =	vst v63  }
0xb1: {  	_ =	swait.ge [sflag:s13], $0x2800  }
0xb2: {  	[sflag:s13] =	ssyncset.done $0x0  }
0xb3: {  	[sflag:s13] =	ssyncadd.s32 $0xFFFFD800  }
0xb4: {  	[tilespmem:s17], [sflag:$0x4] =	stream.indirect.gather [spmem:s3], $0x80, s19, s15, $0xb8;
	[tilespmem:$0x19A00] =	vst v63  }
0xb5: {  	_ =	swait.ge [sflag:s13], $0x2800  }
0xb6: {  	[sflag:s13] =	ssyncset.done $0x0  }
0xb7: {  	[sflag:s13] =	ssyncadd.s32 $0xFFFFD800  }
0xb8: {  	[hbm4b:s11+s4] =	stream.linear.scatter [tilespmem:s17], [sflag:$0x4], $0x2800, $0x38;
	[tilespmem:$0x19A00] =	vst v63  }
0xb9: {  	_ =	swait.ge [sflag:s13], $0x2800  }
0xba: {  	[sflag:s13] =	ssyncset.done $0x0  }
0xbb: {  	[sflag:s13] =	ssyncadd.s32 $0xFFFFD800  }
0xbc: {  	[tilespmem:s17], [sflag:$0x4] =	stream.indirect.gather [spmem:s3], $0x80, s20, s15, $0xb8;
	[tilespmem:$0x19A00] =	vst v63  }
0xbd: {  	_ =	swait.ge [sflag:s13], $0x2800  }
0xbe: {  	[sflag:s13] =	ssyncset.done $0x0  }
0xbf: {  	[sflag:s13] =	ssyncadd.s32 $0xFFFFD800  }
0xc0: {  	[hbm4b:s12+s4] =	stream.linear.scatter [tilespmem:s17], [sflag:$0x4], $0x2800, $0x38;
	[tilespmem:$0x19A00] =	vst v63  }
0xc1: {  	_ =	swait.ge [sflag:s13], $0x2800  }
0xc2: {  	s29 =	sadd.s32 $0x1, s29;
	s31 =	rddreg [dreg:$0x6]  }
0xc3: {  	p0 =	sne.s32 s29, s31  }
.Ltmp4:
0xc4: {  	_ = 	snop;
	(pc) =	sbr.rel @p0 .LBB2_1-.Ltmp4, $3  }
0xc5: {  	_ =	sdelay $0x1  }
0xc6: {  	[sflag:s13] =	ssyncset.done $0x0  }
0xc7: {  	[sflag:s13] =	ssyncadd.s32 $0xFFFFD800  }
0xc8: {  	_ =	sfence.sel $0x180000  }
0xc9: {  	[bflag:$0x0] =	sbarrier.arrive $0xFFFF  }
0xca: {  	_ =	strace $0x9000004D  }
0xcb: {  	s0 =	stileid.u32;
	[bflag:$0x2] =	sbarrier.arrive $0xFFFF  }
0xcc: {  	p0 =	sne.s32 s0, $0x0;
	s0 =	rddreg [dreg:$0x3]  }
0xcd: {  	s0 =	sadd.s32 @!p0 $0x100000, s0  }
0xce: {  	[sflag:s0] =	ssyncadd.tile.s32 @!p0 $0x1;
	_ =	shalt  }
.Lfunc_end2:
_tile_overlayer_lowered:
.L_overlay_start_2:
0xcf: {  	(tag) =	ssettag $0x2  }
0xd0: {  	s0 =	rddreg [dreg:$0x0];
	s2 =	stileid.u32  }
0xd1: {  	s1 =	rddreg [dreg:$0x1];
	p0 =	sne.s32 s2, $0x0  }
0xd2: {  	s3 =	rddreg [dreg:$0x2];
	[bflag:$0x3] =	sbarrier.arrive $0xFFFF;
	s2 =	simm.s32 @!p0 $0x1C04  }
0xd3: {  	[timem:s3], [sflag:s2] =	dma.local @!p0 [hbm:s0], s1  }
0xd4: {  	s0 =	simm.s32 @!p0 $0x4  }
0xd5: {  	_ =	swait.ge @!p0 [sflag:s0], s1  }
0xd6: {  	s1 =	ssub.s32 @!p0 $0x0, s1;
	[sflag:s0] =	ssyncset.done @!p0 $0x0  }
0xd7: {  	[sflag:s0] =	ssyncadd.s32 @!p0 s1  }
0xd8: {  	[bflag:$0x3] =	sbarrier.arrive $0xFFFF  }
0xd9: {  	_ =	shalt  }

// kernel: kernel.9.cloned.1.call-start
scs
__scs_entry_jumppad:
0x0: {  	(pc) =	sbr.rel $0x88, $3  }
0x1: {  	(tag) =	ssettag $0x0;
	lr =	simm.s32 $0x1  }
0x2: {  	[smem:$0x3F9D] =	sst lr;
	_ =	strace $0xD0000000  }
0x3: {  	_ = 	snop  }
0x4: {  	_ = 	snop  }
0x5: {  	_ = 	snop  }
0x6: {  	_ = 	snop  }
0x7: {  	_ = 	snop  }
__scs_overlays_trampoline_lowered:
0x8: {  	[smem:$0x3FAC] =	sst s0  }
0x9: {  	[smem:$0x3FAD] =	sst s1  }
0xa: {  	[smem:$0x3FAE] =	sst s2  }
0xb: {  	[smem:$0x3FAF] =	sst s3  }
0xc: {  	[smem:$0x3FB0] =	sst s4  }
0xd: {  	[smem:$0x3FB1] =	sst s5  }
0xe: {  	[smem:$0x3FB2] =	sst s6  }
0xf: {  	[smem:$0x3FB3] =	sst s7  }
0x10: {  	[smem:$0x3FB4] =	sst s8  }
0x11: {  	[smem:$0x3FB5] =	sst s9;
	s0 =	simm.s32 @!p0 $0x0  }
0x12: {  	s1 =	sld [smem:$0x3F9B];
	s0 =	simm.s32 @p0 $0x1  }
0x13: {  	[smem:$0x3FB6] =	sst s0;
	s0 =	simm.s32 @!p1 $0x0  }
0x14: {  	s2 =	sld [smem:$0x3F9A];
	s0 =	simm.s32 @p1 $0x1  }
0x15: {  	[smem:$0x3FB7] =	sst s0;
	s0 =	simm.s32 @!p2 $0x0  }
0x16: {  	s3 =	sld [smem:$0x3FDB];
	s0 =	simm.s32 @p2 $0x1  }
0x17: {  	s4 =	simm.s32 $0x1BF5;
	[smem:$0x3FB9] =	sst s0  }
0x18: {  	s0 =	sld [smem:$0x3F9C];
	_ =	swait.ge [sflag:s4], $0x0  }
0x19: {  	s7 =	sld [smem:$0x3F9D]  }
0x1a: {  	s8 =	sadd.s32 $0xFFFFE003, lr  }
0x1b: {  	s9 =	sadd.s32 $0xFFFFFEF7, lr;
	s5 =	simm.s32 $0xFFFFFFFF;
	p2 =	slt.u32 s8, $0xFFFFF086  }
0x1c: {  	p1 =	slt.u32 s9, $0xF7A;
	s5 =	simm.s32 @!p2 $0x0  }
0x1d: {  	s5 =	simm.s32 @p1 $0x1;
	p0 =	seq.s32 s7, s2  }
0x1e: {  	s7 =	smul.u32 @!p0 $0xF7A, s2;
	p2 =	seq.s32 @!p0 s5, $0x0  }
0x1f: {  	s9 =	smul.u32 $0xF7A, s1;
	s8 =	simm.s32 @!p0 $0x1BF5;
	p2 =	por !p2, p0  }
0x20: {  	[sflag:s8] =	ssyncset.s32 @!p0 $0xFFFFF086;
	s6 =	sadd.s32 @!p0 s3, s7;
	s7 =	simm.s32 @!p0 $0x108  }
0x21: {  	s3 =	sadd.s32 s3, s9;
	s6 =	sadd.s32 @!p0 $0x88, s6;
	s7 =	simm.s32 @p2 $0x1082  }
0x22: {  	[simem:s7], [sflag:s8] =	dma.local @!p0 [hbm:s6], $0xF7A  }
0x23: {  	s9 =	sor.u32 $0xD0000000, s2;
	s6 =	simm.s32 $0x108;
	_ =	swait.ge @!p0 [sflag:s8], $0x0  }
0x24: {  	s3 =	sadd.s32 $0x88, s3;
	s6 =	simm.s32 @!p1 $0x1082;
	[sflag:s4] =	ssyncset.s32 $0xFFFFF086  }
0x25: {  	[simem:s6], [sflag:s4] =	dma.local [hbm:s3], $0xF7A  }
0x26: {  	[smem:$0x3F9D] =	sst s1;
	(tag) =	ssettag s2;
	_ =	strace s9  }
0x27: {  	s1 =	sld [smem:$0x3FAD]  }
0x28: {  	s2 =	sld [smem:$0x3FAE]  }
0x29: {  	s4 =	sld [smem:$0x3FB0]  }
0x2a: {  	p0 =	seq.s32 s5, $0x0;
	s5 =	sld [smem:$0x3FB1]  }
0x2b: {  	s6 =	sld [smem:$0x3FB2]  }
0x2c: {  	s7 =	sld [smem:$0x3FB3]  }
0x2d: {  	s3 =	simm.s32 $0x108;
	s8 =	sld [smem:$0x3FB4]  }
0x2e: {  	s3 =	simm.s32 @!p0 $0x1082;
	s9 =	sld [smem:$0x3FB5]  }
0x2f: {  	lr =	sadd.s32 s0, s3;
	s0 =	sld [smem:$0x3FAC]  }
0x30: {  	s3 =	sld [smem:$0x3FAF]  }
0x31: {  	[smem:$0x3FB8] =	sst s10  }
0x32: {  	s10 =	sld [smem:$0x3FB6];
	_ =	sdelay $0x3  }
0x33: {  	p0 =	seq.s32 s10, $0x1;
	s10 =	sld [smem:$0x3FB8];
	_ =	sdelay $0x3  }
0x34: {  	[smem:$0x3FB8] =	sst s10  }
0x35: {  	s10 =	sld [smem:$0x3FB7];
	_ =	sdelay $0x3  }
0x36: {  	p1 =	seq.s32 s10, $0x1;
	s10 =	sld [smem:$0x3FB8];
	_ =	sdelay $0x3  }
0x37: {  	[smem:$0x3FB8] =	sst s10  }
0x38: {  	s10 =	sld [smem:$0x3FB9]  }
0x39: {  	_ = 	snop;
	(pc) =	sbr.ind lr, $3  }
0x3a: {  	_ = 	snop  }
0x3b: {  	_ = 	snop  }
0x3c: {  	p2 =	seq.s32 s10, $0x1;
	s10 =	sld [smem:$0x3FB8]  }
0x3d: {  	_ =	shalt  }
0x3e: {  	_ =	shalt  }
0x3f: {  	_ =	shalt  }
0x40: {  	_ =	shalt  }
0x41: {  	_ =	shalt  }
0x42: {  	_ =	shalt  }
0x43: {  	_ =	shalt  }
0x44: {  	_ =	shalt  }
0x45: {  	_ =	shalt  }
0x46: {  	_ =	shalt  }
0x47: {  	_ =	shalt  }
0x48: {  	_ =	shalt  }
0x49: {  	_ =	shalt  }
0x4a: {  	_ =	shalt  }
0x4b: {  	_ =	shalt  }
0x4c: {  	_ =	shalt  }
0x4d: {  	_ =	shalt  }
0x4e: {  	_ =	shalt  }
0x4f: {  	_ =	shalt  }
0x50: {  	_ =	shalt  }
0x51: {  	_ =	shalt  }
0x52: {  	_ =	shalt  }
0x53: {  	_ =	shalt  }
0x54: {  	_ =	shalt  }
0x55: {  	_ =	shalt  }
0x56: {  	_ =	shalt  }
0x57: {  	_ =	shalt  }
0x58: {  	_ =	shalt  }
0x59: {  	_ =	shalt  }
0x5a: {  	_ =	shalt  }
0x5b: {  	_ =	shalt  }
0x5c: {  	_ =	shalt  }
0x5d: {  	_ =	shalt  }
0x5e: {  	_ =	shalt  }
0x5f: {  	_ =	shalt  }
0x60: {  	_ =	shalt  }
0x61: {  	_ =	shalt  }
0x62: {  	_ =	shalt  }
0x63: {  	_ =	shalt  }
0x64: {  	_ =	shalt  }
0x65: {  	_ =	shalt  }
0x66: {  	_ =	shalt  }
0x67: {  	_ =	shalt  }
0x68: {  	_ =	shalt  }
0x69: {  	_ =	shalt  }
0x6a: {  	_ =	shalt  }
0x6b: {  	_ =	shalt  }
0x6c: {  	_ =	shalt  }
0x6d: {  	_ =	shalt  }
0x6e: {  	_ =	shalt  }
0x6f: {  	_ =	shalt  }
0x70: {  	_ =	shalt  }
0x71: {  	_ =	shalt  }
0x72: {  	_ =	shalt  }
0x73: {  	_ =	shalt  }
0x74: {  	_ =	shalt  }
0x75: {  	_ =	shalt  }
0x76: {  	_ =	shalt  }
0x77: {  	_ =	shalt  }
0x78: {  	_ =	shalt  }
0x79: {  	_ =	shalt  }
0x7a: {  	_ =	shalt  }
0x7b: {  	_ =	shalt  }
0x7c: {  	_ =	shalt  }
0x7d: {  	_ =	shalt  }
0x7e: {  	_ =	shalt  }
0x7f: {  	_ =	shalt  }
0x80: {  	_ =	shalt  }
0x81: {  	_ =	shalt  }
0x82: {  	_ =	shalt  }
0x83: {  	_ =	shalt  }
0x84: {  	_ =	shalt  }
0x85: {  	_ =	shalt  }
0x86: {  	_ =	shalt  }
0x87: {  	_ =	shalt  }
.Lfunc_end0:
.L_simem_size_0:
called_computation_lowered:
.L_overlay_start_0:
0x88: {  	s2 =	sld [smem:$0x3FD9]  }
0x89: {  	s3 =	sld [smem:$0x3FFE];
	_ =	sdelay $0x1  }
0x8a: {  	s1 =	srdreg.scid  }
0x8b: {  	s0 =	sand.u32 $0x1, s1  }
0x8c: {  	s17 =	sshll.u32 s0, $0xA;
	s2 =	sadd.s32 s3, s2  }
0x8d: {  	s2 =	sadd.s32 s2, s17  }
0x8e: {  	[smem:$0x3FC4] =	sst s2  }
0x8f: {  	_ = 	snop  }
0x90: {  	(tm) =	ssettm $0x1  }
0x91: {  	s18 =	sld [smem:$0x3FFB];
	_ =	sdelay $0x3  }
0x92: {  	_ =	strace s18  }
0x93: {  	s2 =	sld [smem:$0x3FFC];
	_ =	sdelay $0x3  }
0x94: {  	_ =	strace s2  }
0x95: {  	s2 =	sld [smem:$0x3FFD];
	_ =	sdelay $0x3  }
0x96: {  	_ =	strace s2  }
0x97: {  	_ =	strace $0x8FFFFFFF  }
0x98: {  	s19 =	sld [smem:$0x3FDB];
	_ =	sdelay $0x1  }
0x99: {  	s20 =	simm.s32 $_scs_section_size  }
0x9a: {  	s4 =	simm.s32 $_size__tile_overlayer_lowered;
	s5 =	simm.s32 $_tile_overlayer_lowered  }
0x9b: {  	s6 =	simm.s32 $0x1BFF;
	s21 =	sshll.u32 s5, $0x1;
	s3 =	sadd.s32 s20, s19  }
0x9c: {  	s22 =	simm.s32 $0x0;
	s4 =	sshll.u32 s4, $0x1;
	s5 =	sadd.s32 s21, s3  }
0x9d: {  	[timem:s22], [sflag:s6] =	dma.local [hbm:s5], s4  }
0x9e: {  	_ =	swait.ge [sflag:s6], s4  }
0x9f: {  	s4 =	ssub.s32 $0x0, s4;
	[sflag:s6] =	ssyncset.done $0x0  }
0xa0: {  	[sflag:s6] =	ssyncadd.s32 s4;
	_ =	sdelay $0x1  }
0xa1: {  	s23 =	simm.s32 $0x1B8B  }
0xa2: {  	_ =	swait.ge [sflag:s23], $0x1  }
0xa3: {  	[sflag:s23] =	ssyncset.done $0x0  }
0xa4: {  	[sflag:s23] =	ssyncadd.s32 $0xFFFFFFFF  }
0xa5: {  	s4 =	sld [smem:$0x0]  }
0xa6: {  	s5 =	sand.u32 $0xFFFFFFFE, s1  }
0xa7: {  	p0 =	sne.s32 s1, s5  }
0xa8: {  	s5 =	sshll.u32 @p0 s5, $0xE  }
0xa9: {  	s5 =	sadd.s32 @p0 $0x11B8D, s5;
	s6 =	sshll.u32 @p0 s4, $0x11  }
0xaa: {  	s5 =	sor.u32 @p0 s6, s5  }
0xab: {  	[sflag:s5] =	ssyncadd.remote.s32 @p0 $0x1;
	_ =	sdelay $0x1  }
0xac: {  	s5 =	simm.s32 @p0 $0x1B8D  }
0xad: {  	_ =	swait.eq @p0 [sflag:s5], $0x1  }
0xae: {  	[sflag:s5] =	ssyncadd.s32 @p0 $0xFFFFFFFF  }
0xaf: {  	s6 =	sshll.u32 @!p0 s1, $0xE  }
0xb0: {  	s6 =	sor.u32 @!p0 $0x4000, s6;
	s5 =	simm.s32 @!p0 $0x1B8D  }
0xb1: {  	s4 =	sshll.u32 @!p0 s4, $0x11;
	s6 =	sadd.s32 @!p0 $0x11B8D, s6;
	_ =	swait.eq @!p0 [sflag:s5], $0x1  }
0xb2: {  	s4 =	sor.u32 @!p0 s4, s6;
	[sflag:s5] =	ssyncadd.s32 @!p0 $0xFFFFFFFF  }
0xb3: {  	s25 =	simm.s32 $0x1B8E;
	s24 =	sld [smem:$0x3FFE];
	[sflag:s4] =	ssyncadd.remote.s32 @!p0 $0x1  }
0xb4: {  	s26 =	simm.s32 $execute0_lowered;
	[smem:$0x3FD2] =	sst s25  }
0xb5: {  	s5 =	sshll.u32 s26, $0x1;
	_ =	strace $0x80000049;
	[dreg:$0x1] =	wrdreg $0xFFFFFFFF  }
0xb6: {  	s28 =	simm.s32 $_size_execute0_lowered;
	s3 =	sadd.s32 s3, s5;
	[dreg:$0x0] =	wrdreg $0x0  }
0xb7: {  	s5 =	sshll.u32 s28, $0x1;
	[dreg:$0x2] =	wrdreg s3  }
0xb8: {  	[dreg:$0x3] =	wrdreg s5  }
0xb9: {  	[dreg:$0x4] =	wrdreg $0xC0  }
0xba: {  	_ =	task [dreg:s22], $0x5FFFF  }
0xbb: {  	[dreg:$0x1] =	wrdreg $0xFFFFFFFF  }
0xbc: {  	[dreg:$0x0] =	wrdreg $0x60  }
0xbd: {  	[dreg:$0x2] =	wrdreg s24  }
0xbe: {  	[dreg:$0x3] =	wrdreg $0x92000  }
0xbf: {  	[dreg:$0x4] =	wrdreg $0x9  }
0xc0: {  	_ =	task.clear_ibuf [dreg:s22], $0x5FFFF;
	_ =	strace $0x90000049  }
0xc1: {  	s29 =	simm.s32 $0x9;
	_ =	strace $0x8000004B  }
0xc2: {  	_ =	swait.ge [sflag:s29], $0x1  }
0xc3: {  	[sflag:s29] =	ssyncadd.s32 $0xFFFFFFFF  }
0xc4: {  	_ =	strace $0x9000004B  }
0xc5: {  	_ =	sfence  }
0xc6: {  	s30 =	sld [smem:$0x0];
	_ =	sdelay $0x2  }
0xc7: {  	s31 =	sshll.u32 s1, $0xD;
	s1 =	sshrl.u32 s1, $0x2  }
0xc8: {  	s4 =	sand.u32 $0x4000, s31;
	s1 =	sadd.s32 s1, s30  }
0xc9: {  	s0 =	sor.u32 s4, s0;
	s1 =	sshll.u32 s1, $0x11  }
0xca: {  	s0 =	sor.u32 s1, s0  }
0xcb: {  	s0 =	sadd.s32 $0x8F2B, s0  }
0xcc: {  	[sflag:s0] =	ssyncadd.remote.s32 $0x1  }
0xcd: {  	_ =	sfence.sel $0xFFFF  }
0xce: {  	[dreg:$0x0] =	wrdreg $0xFFFFFFFF;
	(pc) =	sbr.abs _section_cstart, $3  }
0xcf: {  	[dreg:$0x1] =	wrdreg $0xFFFFFFFF  }
0xd0: {  	_ =	task.clear_ibuf [dreg:s22], $0x2FFFF;
	_ =	strace $0x9FFFFFFF  }
0xd1: {  	(tm) =	ssettm $0x7FFFFFFF  }
tec
execute0_lowered:
.L_overlay_start_1:
0x0: {  	(tag) =	ssettag $0x1  }
0x1: {  	s0 =	srdreg.scid;
	s4 =	rddreg [dreg:$0x0]  }
0x2: {  	s2 =	rddreg [dreg:$0x1];
	s1 =	stileid.u32;
	s3 =	simm.s32 $0x0  }
0x3: {  	s11 =	simm.s32 $0x2;
	s12 =	simm.s32 $0x50;
	s13 =	simm.s32 $0x9000  }
0x4: {  	s14 =	simm.s32 $0x6800;
	s15 =	simm.s32 $0x9080;
	s16 =	simm.s32 $0x9100  }
0x5: {  	s17 =	simm.s32 $0x9180;
	s18 =	simm.s32 $0x4000;
	s5 =	sand.u32 $0x1, s0  }
0x6: {  	s19 =	simm.s32 $0x1;
	s20 =	simm.s32 $0x0;
	s6 =	sshll.u32 s5, $0x4  }
0x7: {  	s0 =	rddreg [dreg:$0x2];
	s5 =	ssub.s32 $0x2, s5;
	s6 =	sor.u32 s1, s6  }
0x8: {  	[smem:$0x7FF] =	sst s3;
	s30 =	sshrl.u32 s5, $0x1;
	s7 =	smul.u32 $0x1400, s6  }
0x9: {  	_ =	strace $0x8000004A;
	s6 =	sshll.u32 s6, $0xB;
	s31 =	ssub.s32 s5, s30  }
0xa: {  	s5 =	smul.u32 $0x140, s1;
	s6 =	sadd.s32 s6, s4;
	s10 =	sadd.s32 s7, s4  }
0xb: {  	s4 =	sadd.s32 $0x2000, s6;
	s6 =	smax.u32 s31, $0x1;
	s7 =	sadd.s32 $0x3A000, s10  }
0xc: {  	v0 =	vimm.f32 $1.000000000e+00;
	v1 =	vimm.f32 $0.0e+00;
	v2 =	vlaneseq.u32;
	s8 =	sadd.s32 $0x3A500, s10;
	s9 =	sadd.s32 $0x3AA00, s10;
	s10 =	sadd.s32 $0x3AF00, s10  }
.LBB2_1:
0xd: {  	s21 =	smul.u32 $0xCCCD, s3;
	_ =	sdelay $0x1  }
0xe: {  	s21 =	sshrl.u32 s21, $0x12  }
0xf: {  	s22 =	smul.u32 $0x5, s21  }
0x10: {  	[tilespmem:s3], [sflag:$0x2] =	stream.linear.gather [hbm4b:s4+s3], $0x3E80, $0x38;
	[tilespmem:$0x13200] =	vst v63  }
0x11: {  	s22 =	ssub.s32 $0x0, s22  }
0x12: {  	_ =	swait.ge [sflag:s11], $0x3E80;
	s22 =	sand.u32 $0xFFFF, s22  }
0x13: {  	[sflag:s11] =	ssyncset.done $0x0;
	s21 =	sshll.u32 s21, $0x7;
	s23 =	sshll.u32 s22, $0x4  }
0x14: {  	[sflag:s11] =	ssyncadd.s32 $0xFFFFC180;
	s22 =	simm.s32 $0x1;
	s21 =	sor.u32 s23, s21  }
0x15: {  	s24 =	smul.u32 $0xCCCD, s22;
	s23 =	simm.s32 $0x2;
	v3 =	vld [tilespmem:s21+$0x0]  }
.LBB2_2:
0x16: {  	p0 =	sne.s32 s23, $0x270  }
0x17: {  	s24 =	sshrl.u32 s24, $0x12  }
0x18: {  	s25 =	smul.u32 $0x5, s24;
	_ =	sdelay $0x1  }
.Ltmp0:
0x19: {  	s25 =	ssub.s32 s22, s25;
	v4 =	vand.u32 $0x3F, v3;
	s22 =	smov.u32 s23;
	(pc) =	sbr.rel @p0 .LBB2_2-.Ltmp0, $4  }
0x1a: {  	vm0 =	vlt.u32 v3, $0x1388;
	s25 =	sand.u32 $0xFFFF, s25;
	v4 =	vadd.s32 $0x1388, v4  }
0x1b: {  	s24 =	sshll.u32 s24, $0x7;
	s25 =	sshll.u32 s25, $0x4;
	v3 =	vsel vm0, v3, v4  }
0x1c: {  	[tilespmem:s21+$0x0] =	vst v3;
	s21 =	sor.u32 s25, s24  }
0x1d: {  	s23 =	sadd.s32 $0x1, s23;
	s24 =	smul.u32 $0xCCCD, s22;
	v3 =	vld [tilespmem:s21+$0x0]  }
0x1e: {  	_ = 	snop  }
0x1f: {  	s23 =	sshrl.u32 s24, $0x12  }
0x20: {  	s24 =	smul.u32 $0x5, s23;
	_ =	sdelay $0x1  }
0x21: {  	s22 =	ssub.s32 s22, s24;
	v4 =	vand.u32 $0x3F, v3  }
0x22: {  	vm0 =	vlt.u32 v3, $0x1388;
	s22 =	sand.u32 $0xFFFF, s22;
	v4 =	vadd.s32 $0x1388, v4  }
0x23: {  	s23 =	sshll.u32 s23, $0x7;
	s22 =	sshll.u32 s22, $0x4;
	v3 =	vsel vm0, v3, v4  }
0x24: {  	s22 =	sor.u32 s22, s23;
	[tilespmem:s21+$0x0] =	vst v3  }
0x25: {  	v3 =	vld [tilespmem:s22+$0x0];
	_ =	sdelay $0x4  }
0x26: {  	v63 =	vand.u32 $0x3F, v3  }
0x27: {  	vm15 =	vlt.u32 v3, $0x1388;
	v4 =	vadd.s32 $0x1388, v63  }
0x28: {  	v3 =	vsel vm15, v3, v4  }
0x29: {  	s21 =	simm.s32 $0x70;
	[tilespmem:s22+$0x0] =	vst v3;
	s22 =	simm.s32 $0x3C0  }
.LBB2_4:
0x2a: {  	p0 =	sne.s32 s22, $0x9FC0;
	[tilespmem:s21+$0x4000] =	vst v0  }
0x2b: {  	[tilespmem:s21+$0x3F90] =	vst v0  }
0x2c: {  	[tilespmem:s21+$0x3FA0] =	vst v0  }
.Ltmp1:
0x2d: {  	[tilespmem:s21+$0x3FB0] =	vst v0;
	(pc) =	sbr.rel @p0 .LBB2_4-.Ltmp1, $4  }
0x2e: {  	[tilespmem:s21+$0x3FC0] =	vst v0  }
0x2f: {  	[tilespmem:s21+$0x3FD0] =	vst v0  }
0x30: {  	[tilespmem:s21+$0x3FE0] =	vst v0  }
0x31: {  	[tilespmem:s21+$0x3FF0] =	vst v0;
	s21 =	sshra.s32 s22, $0x2;
	s22 =	sadd.s32 $0x200, s22  }
0x32: {  	[tilespmem:s21+$0x4000] =	vst v0  }
0x33: {  	[tilespmem:s21+$0x3F90] =	vst v0  }
0x34: {  	[tilespmem:s21+$0x3FA0] =	vst v0  }
0x35: {  	[tilespmem:s21+$0x3FB0] =	vst v0  }
0x36: {  	[tilespmem:s21+$0x3FC0] =	vst v0  }
0x37: {  	[tilespmem:s21+$0x3FD0] =	vst v0  }
0x38: {  	[tilespmem:s21+$0x3FE0] =	vst v0  }
0x39: {  	[tilespmem:s21+$0x3FF0] =	vst v0;
	s21 =	simm.s32 $0x70;
	s22 =	simm.s32 $0x3C0  }
.LBB2_6:
0x3a: {  	p0 =	sne.s32 s22, $0x9FC0;
	[tilespmem:s21+$0x6800] =	vst v1  }
0x3b: {  	[tilespmem:s21+$0x6790] =	vst v1  }
0x3c: {  	[tilespmem:s21+$0x67A0] =	vst v1  }
.Ltmp2:
0x3d: {  	[tilespmem:s21+$0x67B0] =	vst v1;
	(pc) =	sbr.rel @p0 .LBB2_6-.Ltmp2, $4  }
0x3e: {  	[tilespmem:s21+$0x67C0] =	vst v1  }
0x3f: {  	[tilespmem:s21+$0x67D0] =	vst v1  }
0x40: {  	[tilespmem:s21+$0x67E0] =	vst v1  }
0x41: {  	[tilespmem:s21+$0x67F0] =	vst v1;
	s21 =	sshra.s32 s22, $0x2;
	s22 =	sadd.s32 $0x200, s22  }
0x42: {  	s22 =	simm.s32 $0x0  }
0x43: {  	s22 =	smul.u32 $0xCD, s22;
	_ =	sdelay $0x1  }
0x44: {  	[tilespmem:s21+$0x6800] =	vst v1;
	s22 =	sshrl.u32 s22, $0xA  }
0x45: {  	[tilespmem:s21+$0x6790] =	vst v1;
	s23 =	smul.u32 $0x5, s22  }
0x46: {  	[tilespmem:s21+$0x67A0] =	vst v1;
	s24 =	sand.u32 $0x3F, s22  }
0x47: {  	[tilespmem:s21+$0x67B0] =	vst v1;
	s22 =	simm.s32 $0x1;
	s25 =	smul.u32 $0x50, s24;
	s23 =	ssub.s32 $0x0, s23  }
0x48: {  	[tilespmem:s21+$0x67C0] =	vst v1;
	s26 =	smul.u32 $0xCD, s22;
	s23 =	sshll.u32 s23, $0x4  }
0x49: {  	[tilespmem:s21+$0x67D0] =	vst v1;
	s25 =	sadd.s32 s5, s25;
	s28 =	sand.u32 $0xF0, s23  }
0x4a: {  	[tilespmem:s21+$0x67E0] =	vst v1;
	s24 =	sshll.u32 s24, $0x7;
	s23 =	sshrl.u32 s26, $0xA;
	s31 =	sadd.s32 s28, s25  }
0x4b: {  	[tilespmem:s21+$0x67F0] =	vst v1;
	s21 =	simm.s32 $0x2;
	s25 =	smul.u32 $0x5, s23;
	s24 =	sor.u32 s28, s24;
	v3 =	vor.u32 s31, v2  }
.LBB2_8:
0x4c: {  	s26 =	smul.u32 $0xCD, s21;
	s28 =	sand.u32 $0x3F, s23  }
0x4d: {  	[tilespmem:s24+$0x9000] =	vst v3;
	s23 =	smov.u32 s21;
	p0 =	sne.s32 s21, $0x13;
	s24 =	smul.u32 $0x50, s28  }
.Ltmp3:
0x4e: {  	s22 =	ssub.s32 s22, s25;
	(pc) =	sbr.rel @p0 .LBB2_8-.Ltmp3, $4  }
0x4f: {  	s21 =	sadd.s32 $0x1, s21;
	s22 =	sshll.u32 s22, $0x4  }
0x50: {  	s24 =	sadd.s32 s5, s24;
	s29 =	sand.u32 $0xF0, s22;
	s22 =	smov.u32 s23  }
0x51: {  	s23 =	sshrl.u32 s26, $0xA;
	s26 =	sshll.u32 s28, $0x7;
	s24 =	sadd.s32 s29, s24  }
0x52: {  	s25 =	smul.u32 $0x5, s23;
	v3 =	vor.u32 s24, v2;
	s24 =	sor.u32 s29, s26  }
0x53: {  	s21 =	sand.u32 $0x3F, s23  }
0x54: {  	s22 =	ssub.s32 s22, s25;
	s23 =	smul.u32 $0x50, s21  }
0x55: {  	s22 =	sshll.u32 s22, $0x4  }
0x56: {  	s23 =	sadd.s32 s5, s23;
	s22 =	sand.u32 $0xF0, s22  }
0x57: {  	s21 =	sshll.u32 s21, $0x7;
	s23 =	sadd.s32 s22, s23  }
0x58: {  	[tilespmem:s24+$0x9000] =	vst v3;
	s21 =	sor.u32 s22, s21;
	v3 =	vor.u32 s23, v2  }
0x59: {  	[tilespmem:s21+$0x9000] =	vst v3  }
0x5a: {  	[spmem:s2] =	stream.indirect.scatter [tilespmem:s14], [sflag:$0x2], $0x80, s13, s12, $0xb8;
	[tilespmem:$0x13200] =	vst v63  }
0x5b: {  	_ =	swait.ge [sflag:s11], $0x2800  }
0x5c: {  	[sflag:s11] =	ssyncset.done $0x0  }
0x5d: {  	[sflag:s11] =	ssyncadd.s32 $0xFFFFD800  }
0x5e: {  	[spmem:s2] =	stream.indirect.scatter [tilespmem:s14], [sflag:$0x2], $0x80, s15, s12, $0xb8;
	[tilespmem:$0x13200] =	vst v63  }
0x5f: {  	_ =	swait.ge [sflag:s11], $0x2800  }
0x60: {  	[sflag:s11] =	ssyncset.done $0x0  }
0x61: {  	[sflag:s11] =	ssyncadd.s32 $0xFFFFD800  }
0x62: {  	[spmem:s2] =	stream.indirect.scatter [tilespmem:s14], [sflag:$0x2], $0x80, s16, s12, $0xb8;
	[tilespmem:$0x13200] =	vst v63  }
0x63: {  	_ =	swait.ge [sflag:s11], $0x2800  }
0x64: {  	[sflag:s11] =	ssyncset.done $0x0  }
0x65: {  	[sflag:s11] =	ssyncadd.s32 $0xFFFFD800  }
0x66: {  	[spmem:s2] =	stream.indirect.scatter [tilespmem:s14], [sflag:$0x2], $0x80, s17, s12, $0xb8;
	[tilespmem:$0x13200] =	vst v63  }
0x67: {  	_ =	swait.ge [sflag:s11], $0x2800  }
0x68: {  	[sflag:s11] =	ssyncset.done $0x0  }
0x69: {  	[sflag:s11] =	ssyncadd.s32 $0xFFFFD800  }
0x6a: {  	s21 =	simm.s32 $0x0;
	[bflag:$0x0] =	sbarrier.arrive $0xFFFF  }
.LBB2_10:
0x6b: {  	p0 =	sne.s32 s21, $0xF800  }
.Ltmp4:
0x6c: {  	_ = 	snop;
	(pc) =	sbr.rel @p0 .LBB2_10-.Ltmp4, $3  }
0x6d: {  	_ =	sdelay $0x1  }
0x6e: {  	s22 =	sshra.s32 s21, $0x2;
	s21 =	sadd.s32 $0x200, s21  }
0x6f: {  	[spmem:s2] =	stream.indirect.scatter.add.f32 [tilespmem:s18], [sflag:$0x1], $0x80, s22, s12, $0xb8;
	[tilespmem:$0x13200] =	vst v63  }
0x70: {  	_ =	swait.ge [sflag:s19], $0x2800  }
0x71: {  	s21 =	simm.s32 $0x7C;
	[sflag:s19] =	ssyncset.done $0x0  }
.LBB2_12:
0x72: {  	p0 =	sne.s32 s21, $0x1;
	s21 =	sadd.s32 $0xFFFFFFFF, s21;
	[sflag:s19] =	ssyncadd.s32 $0xFFFFD800  }
.Ltmp5:
0x73: {  	(pc) =	sbr.rel @p0 .LBB2_12-.Ltmp5, $3  }
0x74: {  	_ =	sdelay $0x1  }
0x75: {  	_ =	swait.ge [sflag:s19], $0x2800  }
0x76: {  	[sflag:s19] =	ssyncset.done $0x0  }
0x77: {  	[sflag:s19] =	ssyncadd.s32 $0xFFFFD800  }
0x78: {  	[bflag:$0x0] =	sbarrier.arrive $0xFFFF  }
0x79: {  	[tilespmem:s14], [sflag:$0x2] =	stream.indirect.gather [spmem:s2], $0x80, s13, s12, $0xb8;
	[tilespmem:$0x13200] =	vst v63  }
0x7a: {  	_ =	swait.ge [sflag:s11], $0x2800  }
0x7b: {  	[sflag:s11] =	ssyncset.done $0x0  }
0x7c: {  	[sflag:s11] =	ssyncadd.s32 $0xFFFFD800  }
0x7d: {  	[hbm4b:s7+s3] =	stream.linear.scatter [tilespmem:s14], [sflag:$0x2], $0x2800, $0x38;
	[tilespmem:$0x13200] =	vst v63  }
0x7e: {  	_ =	swait.ge [sflag:s11], $0x2800  }
0x7f: {  	[sflag:s11] =	ssyncset.done $0x0  }
0x80: {  	[sflag:s11] =	ssyncadd.s32 $0xFFFFD800  }
0x81: {  	[tilespmem:s14], [sflag:$0x2] =	stream.indirect.gather [spmem:s2], $0x80, s15, s12, $0xb8;
	[tilespmem:$0x13200] =	vst v63  }
0x82: {  	_ =	swait.ge [sflag:s11], $0x2800  }
0x83: {  	[sflag:s11] =	ssyncset.done $0x0  }
0x84: {  	[sflag:s11] =	ssyncadd.s32 $0xFFFFD800  }
0x85: {  	[hbm4b:s8+s3] =	stream.linear.scatter [tilespmem:s14], [sflag:$0x2], $0x2800, $0x38;
	[tilespmem:$0x13200] =	vst v63  }
0x86: {  	_ =	swait.ge [sflag:s11], $0x2800  }
0x87: {  	[sflag:s11] =	ssyncset.done $0x0  }
0x88: {  	[sflag:s11] =	ssyncadd.s32 $0xFFFFD800  }
0x89: {  	[tilespmem:s14], [sflag:$0x2] =	stream.indirect.gather [spmem:s2], $0x80, s16, s12, $0xb8;
	[tilespmem:$0x13200] =	vst v63  }
0x8a: {  	_ =	swait.ge [sflag:s11], $0x2800  }
0x8b: {  	[sflag:s11] =	ssyncset.done $0x0  }
0x8c: {  	[sflag:s11] =	ssyncadd.s32 $0xFFFFD800  }
0x8d: {  	[hbm4b:s9+s3] =	stream.linear.scatter [tilespmem:s14], [sflag:$0x2], $0x2800, $0x38;
	[tilespmem:$0x13200] =	vst v63  }
0x8e: {  	_ =	swait.ge [sflag:s11], $0x2800  }
0x8f: {  	[sflag:s11] =	ssyncset.done $0x0  }
0x90: {  	[sflag:s11] =	ssyncadd.s32 $0xFFFFD800  }
0x91: {  	[tilespmem:s14], [sflag:$0x2] =	stream.indirect.gather [spmem:s2], $0x80, s17, s12, $0xb8;
	[tilespmem:$0x13200] =	vst v63  }
0x92: {  	s20 =	sadd.s32 $0x1, s20;
	_ =	swait.ge [sflag:s11], $0x2800  }
0x93: {  	p0 =	sne.s32 s20, s6;
	[sflag:s11] =	ssyncset.done $0x0  }
.Ltmp6:
0x94: {  	[sflag:s11] =	ssyncadd.s32 $0xFFFFD800;
	(pc) =	sbr.rel @p0 .LBB2_1-.Ltmp6, $4  }
0x95: {  	[hbm4b:s10+s3] =	stream.linear.scatter [tilespmem:s14], [sflag:$0x2], $0x2800, $0x38;
	[tilespmem:$0x13200] =	vst v63  }
0x96: {  	_ =	swait.ge [sflag:s11], $0x2800  }
0x97: {  	[sflag:s11] =	ssyncset.done $0x0  }
0x98: {  	[sflag:s11] =	ssyncadd.s32 $0xFFFFD800  }
0x99: {  	_ =	sfence.sel $0x180000  }
0x9a: {  	[bflag:$0x0] =	sbarrier.arrive $0xFFFF  }
0x9b: {  	p0 =	sne.s32 s1, $0x0;
	_ =	strace $0x9000004A  }
0x9c: {  	s0 =	sadd.s32 @!p0 $0x100000, s0;
	[bflag:$0x2] =	sbarrier.arrive $0xFFFF  }
0x9d: {  	[sflag:s0] =	ssyncadd.tile.s32 @!p0 $0x1;
	_ =	shalt  }
.Lfunc_end2:
_tile_overlayer_lowered:
.L_overlay_start_2:
0x9e: {  	(tag) =	ssettag $0x2  }
0x9f: {  	s0 =	rddreg [dreg:$0x0];
	s2 =	stileid.u32  }
0xa0: {  	s1 =	rddreg [dreg:$0x1];
	p0 =	sne.s32 s2, $0x0  }
0xa1: {  	s3 =	rddreg [dreg:$0x2];
	[bflag:$0x3] =	sbarrier.arrive $0xFFFF;
	s2 =	simm.s32 @!p0 $0x1C02  }
0xa2: {  	[timem:s3], [sflag:s2] =	dma.local @!p0 [hbm:s0], s1  }
0xa3: {  	s0 =	simm.s32 @!p0 $0x2  }
0xa4: {  	_ =	swait.ge @!p0 [sflag:s0], s1  }
0xa5: {  	s1 =	ssub.s32 @!p0 $0x0, s1;
	[sflag:s0] =	ssyncset.done @!p0 $0x0  }
0xa6: {  	[sflag:s0] =	ssyncadd.s32 @!p0 s1  }
0xa7: {  	[bflag:$0x3] =	sbarrier.arrive $0xFFFF  }
0xa8: {  	_ =	shalt  }

</sc_bundles>
